<compile_context>
chip_gen: v7x
topology: tpu7x:2x2x1
jax: 0.10.2.dev20260603
libtpu: 0.0.44.dev20260713+nightly
codegen_flags: <defaults>
</compile_context>

<pallas_src>
import functools
import math

import jax
import jax.numpy as jnp
from jax import lax
from jax.experimental import pallas as pl
from jax.experimental.pallas import tpu as pltpu
from jax.experimental.pallas import tpu_sc as plsc

N_ENT = 10000
N_USR = 30000
E = 320000
N_INTER = 320000
D = 128
N_HEADS = 2
D_K = D // N_HEADS
N_HOPS = 2
N_REL = 8

NC = 2
NS = 16
NW = NC * NS
CH = 40
EPW = E // NW
EPS = N_INTER // NS
CHI = 80
USR_HALF = N_USR // NC
ZR = 200

_f32 = jnp.float32
_i32 = jnp.int32



def _matmul_body(x_ref, w_ref, o_ref):
    o_ref[...] = jnp.dot(x_ref[...], w_ref[...], preferred_element_type=_f32)


def _matmul(x, w):
    m = x.shape[0]
    bm = 1000
    return pl.pallas_call(
        _matmul_body,
        grid=(m // bm,),
        in_specs=[
            pl.BlockSpec((bm, D), lambda i: (i, 0)),
            pl.BlockSpec((D, D), lambda i: (0, 0)),
        ],
        out_specs=pl.BlockSpec((bm, D), lambda i: (i, 0)),
        out_shape=jax.ShapeDtypeStruct((m, D), _f32),
    )(x, w)


def _entcomb_body(acc_ref, ss_ref, res_ref, ent_ref, out_ref):
    agg = acc_ref[0] + acc_ref[1]
    ss = jnp.sum(ss_ref[...], axis=0)
    d0 = ss[:, 0:1]
    d1 = ss[:, 1:2]
    col = lax.broadcasted_iota(_i32, agg.shape, 1)
    denom = jnp.where(col < D_K, d0, d1) + 1e-16
    x = agg / denom
    n = jnp.sqrt(jnp.sum(x * x, axis=1, keepdims=True))
    y = x / jnp.maximum(n, 1e-12)
    ent_ref[...] = y
    out_ref[...] = res_ref[...] + y


def _ent_combine(acc, ss, res_in):
    bm = 200
    return pl.pallas_call(
        _entcomb_body,
        grid=(N_ENT // bm,),
        in_specs=[
            pl.BlockSpec((NC, bm, D), lambda i: (0, i, 0)),
            pl.BlockSpec((NC * NS, bm, 2), lambda i: (0, i, 0)),
            pl.BlockSpec((bm, D), lambda i: (i, 0)),
        ],
        out_specs=[
            pl.BlockSpec((bm, D), lambda i: (i, 0)),
            pl.BlockSpec((bm, D), lambda i: (i, 0)),
        ],
        out_shape=[
            jax.ShapeDtypeStruct((N_ENT, D), _f32),
            jax.ShapeDtypeStruct((N_ENT, D), _f32),
        ],
    )(acc, ss, res_in)


def _usercomb_body(ua_ref, res_ref, out_ref):
    x = ua_ref[...]
    n = jnp.sqrt(jnp.sum(x * x, axis=1, keepdims=True))
    y = x / jnp.maximum(n, 1e-12)
    out_ref[...] = res_ref[...] + y


def _user_combine(ua, res_in):
    bm = 1000
    return pl.pallas_call(
        _usercomb_body,
        grid=(N_USR // bm,),
        in_specs=[
            pl.BlockSpec((bm, D), lambda i: (i, 0)),
            pl.BlockSpec((bm, D), lambda i: (i, 0)),
        ],
        out_specs=pl.BlockSpec((bm, D), lambda i: (i, 0)),
        out_shape=jax.ShapeDtypeStruct((N_USR, D), _f32),
    )(ua, res_in)



_MESH = plsc.VectorSubcoreMesh(
    core_axis_name="c", subcore_axis_name="s", num_cores=NC, num_subcores=NS)


@functools.partial(
    pl.kernel,
    out_type=(
        jax.ShapeDtypeStruct((NC, N_ENT, D), _f32),
        jax.ShapeDtypeStruct((NC, NS, 2 * N_ENT), _f32),
    ),
    mesh=_MESH,
    scratch_types=[
        pltpu.VMEM_SHARED((N_ENT, D), _f32),
        pltpu.VMEM((2 * N_ENT,), _f32),
        pltpu.VMEM((N_REL, D), _f32),
        pltpu.VMEM((CH,), _i32),
        pltpu.VMEM((CH,), _i32),
        pltpu.VMEM((CH,), _i32),
        pltpu.VMEM((CH, D), _f32),
        pltpu.VMEM((CH, D), _f32),
        pltpu.VMEM((CH, D), _f32),
        pltpu.SemaphoreType.DMA,
        pltpu.SemaphoreType.DMA,
        pltpu.SemaphoreType.DMA,
    ],
    compiler_params=pltpu.CompilerParams(needs_layout_passes=False),
)
def _edge_pass(p_hbm, ent_hbm, rel_hbm, head_hbm, tail_hbm, et_hbm,
               z128_hbm, z1_hbm, acc_out, ss_out,
               acc_sh, ss_t, rel_v, h_v, t_v, c_v, ph_v, pt_v,
               wv_v, sem, sem2, sem3):
    cid = lax.axis_index("c")
    sid = lax.axis_index("s")
    n_zchunks = N_ENT // ZR
    for t in range(-(-n_zchunks // NS)):
        kc = sid + NS * t

        @pl.when(kc < n_zchunks)
        def _():
            pltpu.sync_copy(z128_hbm, acc_sh.at[pl.ds(kc * ZR, ZR)])

    pltpu.sync_copy(z1_hbm, ss_t)
    pltpu.sync_copy(rel_hbm, rel_v)
    plsc.subcore_barrier()

    wid = sid * NC + cid
    iota = lax.iota(_i32, 16)
    lane_lt2 = iota < 2
    lane_bit = jnp.minimum(iota, 1)

    def chunk_body(k, carry):
        base = pl.multiple_of(wid * EPW + k * CH, 8)
        i1 = pltpu.async_copy(head_hbm.at[pl.ds(base, CH)], h_v, sem)
        i2 = pltpu.async_copy(tail_hbm.at[pl.ds(base, CH)], t_v, sem2)
        i3 = pltpu.async_copy(et_hbm.at[pl.ds(base, CH)], c_v, sem3)
        i1.wait()
        i2.wait()
        i3.wait()
        g1 = pltpu.async_copy(p_hbm.at[h_v], ph_v, sem)
        g2 = pltpu.async_copy(p_hbm.at[t_v], pt_v, sem2)
        g3 = pltpu.async_copy(ent_hbm.at[t_v], wv_v, sem3)
        g1.wait()
        g2.wait()
        g3.wait()

        def edge_body(e, inner):
            e_spl = jnp.broadcast_to(e, (16,))
            c_spl = plsc.load_gather(c_v, [e_spl])
            h_spl = plsc.load_gather(h_v, [e_spl])
            acc0 = jnp.zeros((16,), _f32)
            acc1 = jnp.zeros((16,), _f32)
            vr = []
            for j in range(8):
                sl = pl.ds(16 * j, 16)
                ph = ph_v[e, sl]
                pt = pt_v[e, sl]
                ev = wv_v[e, sl]
                r = plsc.load_gather(rel_v, [c_spl, iota + (16 * j)])
                kr = pt * r
                if j < 4:
                    acc0 = acc0 + ph * kr
                else:
                    acc1 = acc1 + ph * kr
                vr.append(ev * r)
            s0 = jnp.sum(acc0) * 0.125
            s1 = jnp.sum(acc1) * 0.125
            e0 = jnp.exp(jnp.broadcast_to(s0, (16,)))
            e1 = jnp.exp(jnp.broadcast_to(s1, (16,)))
            plsc.addupdate_scatter(
                ss_t, [h_spl * 2 + lane_bit],
                jnp.where(iota == 0, e0, e1), mask=lane_lt2)
            for j in range(8):
                wv_v[e, pl.ds(16 * j, 16)] = vr[j] * (e0 if j < 4 else e1)
            return inner

        lax.fori_loop(0, CH, edge_body, 0)
        pltpu.sync_copy(wv_v, acc_sh.at[h_v], add=True)
        return carry

    lax.fori_loop(0, EPW // CH, chunk_body, 0)
    pltpu.sync_copy(ss_t, ss_out.at[cid, sid])
    plsc.subcore_barrier()

    for t in range(-(-n_zchunks // NS)):
        kc = sid + NS * t

        @pl.when(kc < n_zchunks)
        def _():
            r0 = kc * ZR
            pltpu.sync_copy(acc_sh.at[pl.ds(r0, ZR)],
                            acc_out.at[cid, pl.ds(r0, ZR)])



@functools.partial(
    pl.kernel,
    out_type=jax.ShapeDtypeStruct((N_USR, D), _f32),
    mesh=_MESH,
    scratch_types=[
        pltpu.VMEM_SHARED((USR_HALF, D), _f32),
        pltpu.VMEM((CHI,), _i32),
        pltpu.VMEM((CHI,), _i32),
        pltpu.VMEM((CHI,), _f32),
        pltpu.VMEM((CHI, D), _f32),
        pltpu.SemaphoreType.DMA,
        pltpu.SemaphoreType.DMA,
        pltpu.SemaphoreType.DMA,
    ],
    compiler_params=pltpu.CompilerParams(needs_layout_passes=False),
)
def _inter_pass(ent_hbm, uc_hbm, ii_hbm, wm_hbm, z128_hbm, ua_out,
                ua_sh, uc_v, i_v, wm_v, ev_v, sem, sem2, sem3):
    cid = lax.axis_index("c")
    sid = lax.axis_index("s")
    nz = USR_HALF // ZR
    for t in range(-(-nz // NS)):
        kc = sid + NS * t

        @pl.when(kc < nz)
        def _():
            pltpu.sync_copy(z128_hbm, ua_sh.at[pl.ds(kc * ZR, ZR)])

    plsc.subcore_barrier()
    ubase = cid * USR_HALF

    def chunk_body(k, carry):
        base = pl.multiple_of(sid * EPS + k * CHI, 8)
        pltpu.sync_copy(uc_hbm.at[pl.ds(cid * N_INTER + base, CHI)], uc_v)
        pltpu.sync_copy(ii_hbm.at[pl.ds(base, CHI)], i_v)
        pltpu.sync_copy(wm_hbm.at[pl.ds(cid * N_INTER + base, CHI)], wm_v)
        pltpu.async_copy(ent_hbm.at[i_v], ev_v, sem).wait()

        def edge_body(e, inner):
            w_spl = plsc.load_gather(wm_v, [jnp.broadcast_to(e, (16,))])
            for j in range(8):
                sl = pl.ds(16 * j, 16)
                ev_v[e, sl] = ev_v[e, sl] * w_spl
            return inner

        lax.fori_loop(0, CHI, edge_body, 0)
        pltpu.sync_copy(ev_v, ua_sh.at[uc_v], add=True)
        return carry

    lax.fori_loop(0, EPS // CHI, chunk_body, 0)
    plsc.subcore_barrier()

    for t in range(-(-nz // NS)):
        kc = sid + NS * t

        @pl.when(kc < nz)
        def _():
            pltpu.sync_copy(ua_sh.at[pl.ds(kc * ZR, ZR)],
                            ua_out.at[pl.ds(ubase + kc * ZR, ZR)])



def kernel(user_emb, entity_emb, edge_index, edge_type, inter_edge,
           inter_edge_w, W_Q, rel_emb):
    head = edge_index[0]
    tail = edge_index[1]
    iu = inter_edge[0]
    ii = inter_edge[1]
    u_loc = iu[None, :] - jnp.array([0, USR_HALF], _i32)[:, None]
    inr = (u_loc >= 0) & (u_loc < USR_HALF)
    uc = jnp.where(inr, u_loc, 0).astype(_i32).reshape(-1)
    wm = jnp.where(inr, inter_edge_w[None, :], 0.0).reshape(-1)
    z128 = jnp.zeros((ZR, D), _f32)
    z1 = jnp.zeros((2 * N_ENT,), _f32)

    ent = entity_emb
    ent_res = entity_emb
    usr_res = user_emb
    for _ in range(N_HOPS):
        p = _matmul(ent, W_Q)
        acc, ss = _edge_pass(p, ent, rel_emb, head, tail, edge_type, z128, z1)
        ss = ss.reshape(NC * NS, N_ENT, 2)
        ua = _inter_pass(ent, uc, ii, wm, z128)
        ent, ent_res = _ent_combine(acc, ss, ent_res)
        usr_res = _user_combine(ua, usr_res)
    return (usr_res, ent_res)

# --- scband reference (transcript-rebuilt; emitter-appended) ---
"""Pipeline reference for scband-attn-hgcn-30408368456115 (READ-ONLY COPY).

The authoritative reference and input builder live on the scoring server;
editing this copy changes nothing except your own understanding.
"""

import jax, jax.numpy as jnp
import numpy as np
import math

N_ENT = 10000
N_USR = 30000
E = 320000
N_INTER = 320000
D = 128
N_HEADS = 2
D_K = D // N_HEADS
N_HOPS = 2
N_REL = 8  # n_relations - 1


def setup_inputs(seed: int = 0):
    key = jax.random.key(seed)
    ks = jax.random.split(key, 10)
    user_emb = jax.random.normal(ks[0], (N_USR, D), dtype=jnp.float32)
    entity_emb = jax.random.normal(ks[1], (N_ENT, D), dtype=jnp.float32)
    edge_index = jax.random.randint(ks[2], (2, E), 0, N_ENT, dtype=jnp.int32)
    edge_type = jax.random.randint(ks[3], (E,), 0, N_REL, dtype=jnp.int32)
    inter_u = jax.random.randint(ks[4], (N_INTER,), 0, N_USR, dtype=jnp.int32)
    inter_i = jax.random.randint(ks[5], (N_INTER,), 0, N_ENT, dtype=jnp.int32)
    inter_edge = jnp.stack([inter_u, inter_i], axis=0)
    inter_edge_w = jax.random.uniform(ks[6], (N_INTER,), dtype=jnp.float32)
    W_Q = jax.random.normal(ks[7], (D, D), dtype=jnp.float32) * (1.0 / math.sqrt(D))
    rel_emb = jax.random.normal(ks[8], (N_REL, D), dtype=jnp.float32) * 0.1
    return {
        'user_emb': user_emb,
        'entity_emb': entity_emb,
        'edge_index': edge_index,
        'edge_type': edge_type,
        'inter_edge': inter_edge,
        'inter_edge_w': inter_edge_w,
        'W_Q': W_Q,
        'rel_emb': rel_emb,
    }


def _scatter_softmax(score, index, num_segments):
    seg_max = jax.ops.segment_max(score, index, num_segments=num_segments)
    seg_max = jnp.where(jnp.isfinite(seg_max), seg_max, 0.0)
    s = jnp.exp(score - seg_max[index])
    seg_sum = jax.ops.segment_sum(s, index, num_segments=num_segments)
    return s / (seg_sum[index] + 1e-16)


def _l2_normalize(x):
    n = jnp.sqrt(jnp.sum(x * x, axis=1, keepdims=True))
    return x / jnp.maximum(n, 1e-12)


def _shared_layer_agg(user_emb, entity_emb, edge_index, edge_type, inter_edge, inter_edge_w, W_Q, rel_emb):
    head = edge_index[0]
    tail = edge_index[1]
    query = (entity_emb[head] @ W_Q).reshape(-1, N_HEADS, D_K)
    key = (entity_emb[tail] @ W_Q).reshape(-1, N_HEADS, D_K)
    r = rel_emb[edge_type]
    key = key * r.reshape(-1, N_HEADS, D_K)
    edge_attn_score = jnp.sum(query * key, axis=-1) / math.sqrt(D_K)
    edge_attn_score = _scatter_softmax(edge_attn_score, head, N_ENT)
    neigh_relation_emb = entity_emb[tail] * r
    value = neigh_relation_emb.reshape(-1, N_HEADS, D_K)
    entity_agg = value * edge_attn_score[:, :, None]
    entity_agg = entity_agg.reshape(-1, N_HEADS * D_K)
    entity_agg = jax.ops.segment_sum(entity_agg, head, num_segments=N_ENT)
    item_agg = inter_edge_w[:, None] * entity_emb[inter_edge[1]]
    user_agg = jax.ops.segment_sum(item_agg, inter_edge[0], num_segments=N_USR)
    return entity_agg, user_agg


def reference(user_emb, entity_emb, edge_index, edge_type, inter_edge, inter_edge_w, W_Q, rel_emb):
    entity_res_emb = entity_emb
    user_res_emb = user_emb
    for _ in range(N_HOPS):
        entity_emb, user_emb = _shared_layer_agg(
            user_emb, entity_emb, edge_index, edge_type, inter_edge, inter_edge_w, W_Q, rel_emb)
        entity_emb = _l2_normalize(entity_emb)
        user_emb = _l2_normalize(user_emb)
        user_res_emb = user_res_emb + user_emb
        entity_res_emb = entity_res_emb + entity_emb
    return (user_res_emb, entity_res_emb)

if __name__ == "__main__":
    import jax
    _d = setup_inputs()
    print(jax.jit(kernel)(*tuple(_d.values())))

</pallas_src>

<mosaic_0001>
#map = affine_map<(d0, d1) -> (0, 0)>
#map1 = affine_map<(d0, d1) -> (0)>
#map2 = affine_map<(d0, d1) -> (0, 0, 0)>
module attributes {stable_mosaic.version = 14 : i64} {
  func.func @_edge_pass(%arg0: i32, %arg1: i32, %arg2: memref<10000x128xf32, #tpu.memory_space<hbm>>, %arg3: memref<10000x128xf32, #tpu.memory_space<hbm>>, %arg4: memref<8x128xf32, #tpu.memory_space<hbm>>, %arg5: memref<320000xi32, #tpu.memory_space<hbm>>, %arg6: memref<320000xi32, #tpu.memory_space<hbm>>, %arg7: memref<320000xi32, #tpu.memory_space<hbm>>, %arg8: memref<200x128xf32, #tpu.memory_space<hbm>>, %arg9: memref<20000xf32, #tpu.memory_space<hbm>>, %arg10: memref<2x10000x128xf32, #tpu.memory_space<hbm>>, %arg11: memref<2x16x20000xf32, #tpu.memory_space<hbm>>, %arg12: memref<10000x128xf32, #tpu.memory_space<vmem_shared>>, %arg13: memref<20000xf32, #tpu.memory_space<vmem>>, %arg14: memref<8x128xf32, #tpu.memory_space<vmem>>, %arg15: memref<40xi32, #tpu.memory_space<vmem>>, %arg16: memref<40xi32, #tpu.memory_space<vmem>>, %arg17: memref<40xi32, #tpu.memory_space<vmem>>, %arg18: memref<40x128xf32, #tpu.memory_space<vmem>>, %arg19: memref<40x128xf32, #tpu.memory_space<vmem>>, %arg20: memref<40x128xf32, #tpu.memory_space<vmem>>, %arg21: memref<!tpu.dma_semaphore, #tpu.memory_space<semaphore_mem>>, %arg22: memref<!tpu.dma_semaphore, #tpu.memory_space<semaphore_mem>>, %arg23: memref<!tpu.dma_semaphore, #tpu.memory_space<semaphore_mem>>) attributes {dimension_semantics = [#tpu.dimension_semantics<core_parallel>, #tpu.dimension_semantics<subcore_parallel>], iteration_bounds = array<i64: 2, 16>, scalar_prefetch = 0 : i64, scratch_operands = 12 : i64, tpu.core_type = #tpu.core_type<sc_vector_subcore>, window_params = [{transform_indices = #map}, {transform_indices = #map}, {transform_indices = #map}, {transform_indices = #map1}, {transform_indices = #map1}, {transform_indices = #map1}, {transform_indices = #map}, {transform_indices = #map1}, {transform_indices = #map2}, {transform_indices = #map2}]} {
    %add3A = arith.constant 0 : i32
    %add3A_0 = arith.addi %arg1, %add3A : i32
    %lt3A = arith.constant 50 : i32
    %lt3A_1 = arith.cmpi slt, %add3A_0, %lt3A : i32
    %convert_element_type3A = arith.extui %lt3A_1 : i1 to i32
    %cond3A = arith.constant 0 : i32
    %cond3A_2 = arith.cmpi ne, %convert_element_type3A, %cond3A : i32
    scf.if %cond3A_2 {
      %mul3A_65 = arith.constant 200 : i32
      %mul3A_66 = arith.muli %add3A_0, %mul3A_65 : i32
      "tpu.region"() ({
        %run_scoped3A = tpu.sem_alloc : memref<!tpu.dma_semaphore, #tpu.memory_space<semaphore_mem>>
        %dma_start3A = arith.constant 0 : i32
        %dma_start3A_67 = tpu.memref_slice %arg12[%mul3A_66, %dma_start3A] : memref<10000x128xf32, #tpu.memory_space<vmem_shared>> -> memref<200x128xf32, #tpu.memory_space<vmem_shared>>
        tpu.enqueue_dma source(%arg8 : memref<200x128xf32, #tpu.memory_space<hbm>>) target(%dma_start3A_67 : memref<200x128xf32, #tpu.memory_space<vmem_shared>>) target_semaphore(%run_scoped3A : memref<!tpu.dma_semaphore, #tpu.memory_space<semaphore_mem>>)
        %dma_wait3A = arith.constant 0 : i32
        %dma_wait3A_68 = tpu.memref_slice %arg12[%mul3A_66, %dma_wait3A] : memref<10000x128xf32, #tpu.memory_space<vmem_shared>> -> memref<200x128xf32, #tpu.memory_space<vmem_shared>>
        tpu.wait_dma2 semaphore(%run_scoped3A : memref<!tpu.dma_semaphore, #tpu.memory_space<semaphore_mem>>) src(%arg8 : memref<200x128xf32, #tpu.memory_space<hbm>>) dst(%dma_wait3A_68 : memref<200x128xf32, #tpu.memory_space<vmem_shared>>)
        tpu.yield
      }) : () -> ()
    } else {
    }
    %add3A_3 = arith.constant 16 : i32
    %add3A_4 = arith.addi %arg1, %add3A_3 : i32
    %lt3A_5 = arith.constant 50 : i32
    %lt3A_6 = arith.cmpi slt, %add3A_4, %lt3A_5 : i32
    %convert_element_type3A_7 = arith.extui %lt3A_6 : i1 to i32
    %cond3A_8 = arith.constant 0 : i32
    %cond3A_9 = arith.cmpi ne, %convert_element_type3A_7, %cond3A_8 : i32
    scf.if %cond3A_9 {
      %mul3A_65 = arith.constant 200 : i32
      %mul3A_66 = arith.muli %add3A_4, %mul3A_65 : i32
      "tpu.region"() ({
        %run_scoped3A = tpu.sem_alloc : memref<!tpu.dma_semaphore, #tpu.memory_space<semaphore_mem>>
        %dma_start3A = arith.constant 0 : i32
        %dma_start3A_67 = tpu.memref_slice %arg12[%mul3A_66, %dma_start3A] : memref<10000x128xf32, #tpu.memory_space<vmem_shared>> -> memref<200x128xf32, #tpu.memory_space<vmem_shared>>
        tpu.enqueue_dma source(%arg8 : memref<200x128xf32, #tpu.memory_space<hbm>>) target(%dma_start3A_67 : memref<200x128xf32, #tpu.memory_space<vmem_shared>>) target_semaphore(%run_scoped3A : memref<!tpu.dma_semaphore, #tpu.memory_space<semaphore_mem>>)
        %dma_wait3A = arith.constant 0 : i32
        %dma_wait3A_68 = tpu.memref_slice %arg12[%mul3A_66, %dma_wait3A] : memref<10000x128xf32, #tpu.memory_space<vmem_shared>> -> memref<200x128xf32, #tpu.memory_space<vmem_shared>>
        tpu.wait_dma2 semaphore(%run_scoped3A : memref<!tpu.dma_semaphore, #tpu.memory_space<semaphore_mem>>) src(%arg8 : memref<200x128xf32, #tpu.memory_space<hbm>>) dst(%dma_wait3A_68 : memref<200x128xf32, #tpu.memory_space<vmem_shared>>)
        tpu.yield
      }) : () -> ()
    } else {
    }
    %add3A_10 = arith.constant 32 : i32
    %add3A_11 = arith.addi %arg1, %add3A_10 : i32
    %lt3A_12 = arith.constant 50 : i32
    %lt3A_13 = arith.cmpi slt, %add3A_11, %lt3A_12 : i32
    %convert_element_type3A_14 = arith.extui %lt3A_13 : i1 to i32
    %cond3A_15 = arith.constant 0 : i32
    %cond3A_16 = arith.cmpi ne, %convert_element_type3A_14, %cond3A_15 : i32
    scf.if %cond3A_16 {
      %mul3A_65 = arith.constant 200 : i32
      %mul3A_66 = arith.muli %add3A_11, %mul3A_65 : i32
      "tpu.region"() ({
        %run_scoped3A = tpu.sem_alloc : memref<!tpu.dma_semaphore, #tpu.memory_space<semaphore_mem>>
        %dma_start3A = arith.constant 0 : i32
        %dma_start3A_67 = tpu.memref_slice %arg12[%mul3A_66, %dma_start3A] : memref<10000x128xf32, #tpu.memory_space<vmem_shared>> -> memref<200x128xf32, #tpu.memory_space<vmem_shared>>
        tpu.enqueue_dma source(%arg8 : memref<200x128xf32, #tpu.memory_space<hbm>>) target(%dma_start3A_67 : memref<200x128xf32, #tpu.memory_space<vmem_shared>>) target_semaphore(%run_scoped3A : memref<!tpu.dma_semaphore, #tpu.memory_space<semaphore_mem>>)
        %dma_wait3A = arith.constant 0 : i32
        %dma_wait3A_68 = tpu.memref_slice %arg12[%mul3A_66, %dma_wait3A] : memref<10000x128xf32, #tpu.memory_space<vmem_shared>> -> memref<200x128xf32, #tpu.memory_space<vmem_shared>>
        tpu.wait_dma2 semaphore(%run_scoped3A : memref<!tpu.dma_semaphore, #tpu.memory_space<semaphore_mem>>) src(%arg8 : memref<200x128xf32, #tpu.memory_space<hbm>>) dst(%dma_wait3A_68 : memref<200x128xf32, #tpu.memory_space<vmem_shared>>)
        tpu.yield
      }) : () -> ()
    } else {
    }
    %add3A_17 = arith.constant 48 : i32
    %add3A_18 = arith.addi %arg1, %add3A_17 : i32
    %lt3A_19 = arith.constant 50 : i32
    %lt3A_20 = arith.cmpi slt, %add3A_18, %lt3A_19 : i32
    %convert_element_type3A_21 = arith.extui %lt3A_20 : i1 to i32
    %cond3A_22 = arith.constant 0 : i32
    %cond3A_23 = arith.cmpi ne, %convert_element_type3A_21, %cond3A_22 : i32
    scf.if %cond3A_23 {
      %mul3A_65 = arith.constant 200 : i32
      %mul3A_66 = arith.muli %add3A_18, %mul3A_65 : i32
      "tpu.region"() ({
        %run_scoped3A = tpu.sem_alloc : memref<!tpu.dma_semaphore, #tpu.memory_space<semaphore_mem>>
        %dma_start3A = arith.constant 0 : i32
        %dma_start3A_67 = tpu.memref_slice %arg12[%mul3A_66, %dma_start3A] : memref<10000x128xf32, #tpu.memory_space<vmem_shared>> -> memref<200x128xf32, #tpu.memory_space<vmem_shared>>
        tpu.enqueue_dma source(%arg8 : memref<200x128xf32, #tpu.memory_space<hbm>>) target(%dma_start3A_67 : memref<200x128xf32, #tpu.memory_space<vmem_shared>>) target_semaphore(%run_scoped3A : memref<!tpu.dma_semaphore, #tpu.memory_space<semaphore_mem>>)
        %dma_wait3A = arith.constant 0 : i32
        %dma_wait3A_68 = tpu.memref_slice %arg12[%mul3A_66, %dma_wait3A] : memref<10000x128xf32, #tpu.memory_space<vmem_shared>> -> memref<200x128xf32, #tpu.memory_space<vmem_shared>>
        tpu.wait_dma2 semaphore(%run_scoped3A : memref<!tpu.dma_semaphore, #tpu.memory_space<semaphore_mem>>) src(%arg8 : memref<200x128xf32, #tpu.memory_space<hbm>>) dst(%dma_wait3A_68 : memref<200x128xf32, #tpu.memory_space<vmem_shared>>)
        tpu.yield
      }) : () -> ()
    } else {
    }
    "tpu.region"() ({
      %run_scoped3A = tpu.sem_alloc : memref<!tpu.dma_semaphore, #tpu.memory_space<semaphore_mem>>
      tpu.enqueue_dma source(%arg9 : memref<20000xf32, #tpu.memory_space<hbm>>) target(%arg13 : memref<20000xf32, #tpu.memory_space<vmem>>) target_semaphore(%run_scoped3A : memref<!tpu.dma_semaphore, #tpu.memory_space<semaphore_mem>>)
      tpu.wait_dma2 semaphore(%run_scoped3A : memref<!tpu.dma_semaphore, #tpu.memory_space<semaphore_mem>>) src(%arg9 : memref<20000xf32, #tpu.memory_space<hbm>>) dst(%arg13 : memref<20000xf32, #tpu.memory_space<vmem>>)
      tpu.yield
    }) : () -> ()
    "tpu.region"() ({
      %run_scoped3A = tpu.sem_alloc : memref<!tpu.dma_semaphore, #tpu.memory_space<semaphore_mem>>
      tpu.enqueue_dma source(%arg4 : memref<8x128xf32, #tpu.memory_space<hbm>>) target(%arg14 : memref<8x128xf32, #tpu.memory_space<vmem>>) target_semaphore(%run_scoped3A : memref<!tpu.dma_semaphore, #tpu.memory_space<semaphore_mem>>)
      tpu.wait_dma2 semaphore(%run_scoped3A : memref<!tpu.dma_semaphore, #tpu.memory_space<semaphore_mem>>) src(%arg4 : memref<8x128xf32, #tpu.memory_space<hbm>>) dst(%arg14 : memref<8x128xf32, #tpu.memory_space<vmem>>)
      tpu.yield
    }) : () -> ()
    %barrier3A = arith.constant 0 : index
    tpu.barrier barrier_id(%barrier3A)
    %mul3A = arith.constant 2 : i32
    %mul3A_24 = arith.muli %arg1, %mul3A : i32
    %add3A_25 = arith.addi %mul3A_24, %arg0 : i32
    %iota3A = tpu.iota {dimensions = array<i32: 0>} : vector<16xi32>
    %lt3A_26 = arith.constant 2 : i32
    %lt3A_27 = vector.broadcast %lt3A_26 : i32 to vector<16xi32>
    %lt3A_28 = arith.cmpi slt, %iota3A, %lt3A_27 : vector<16xi32>
    %min3A = arith.constant 1 : i32
    %min3A_29 = vector.broadcast %min3A : i32 to vector<16xi32>
    %min3A_30 = arith.minsi %iota3A, %min3A_29 : vector<16xi32>
    %scan3A = arith.constant 0 : i32
    %scan3A_31 = arith.constant 0 : i32
    %scan3A_32 = arith.constant 250 : i32
    %scan3A_33 = arith.addi %scan3A_31, %scan3A_32 : i32
    %scan3A_34 = arith.constant 1 : i32
    scf.for %scan3A_65 = %scan3A_31 to %scan3A_33 step %scan3A_34  : i32 {
      %mul3A_66 = arith.constant 10000 : i32
      %mul3A_67 = arith.muli %add3A_25, %mul3A_66 : i32
      %mul3A_68 = arith.constant 40 : i32
      %mul3A_69 = arith.muli %scan3A_65, %mul3A_68 : i32
      %add3A_70 = arith.addi %mul3A_67, %mul3A_69 : i32
      %multiple_of3A = tpu.assume_multiple %add3A_70, 8 : i32
      %dma_start3A = tpu.memref_slice %arg5[%multiple_of3A] : memref<320000xi32, #tpu.memory_space<hbm>> -> memref<40xi32, #tpu.memory_space<hbm>>
      %dma_start3A_71 = tpu.memref_slice %arg5[%multiple_of3A] : memref<320000xi32, #tpu.memory_space<hbm>> -> memref<40xi32, #tpu.memory_space<hbm>>
      tpu.enqueue_dma source(%dma_start3A_71 : memref<40xi32, #tpu.memory_space<hbm>>) target(%arg15 : memref<40xi32, #tpu.memory_space<vmem>>) target_semaphore(%arg21 : memref<!tpu.dma_semaphore, #tpu.memory_space<semaphore_mem>>)
      %dma_start3A_72 = tpu.memref_slice %arg6[%multiple_of3A] : memref<320000xi32, #tpu.memory_space<hbm>> -> memref<40xi32, #tpu.memory_space<hbm>>
      %dma_start3A_73 = tpu.memref_slice %arg6[%multiple_of3A] : memref<320000xi32, #tpu.memory_space<hbm>> -> memref<40xi32, #tpu.memory_space<hbm>>
      tpu.enqueue_dma source(%dma_start3A_73 : memref<40xi32, #tpu.memory_space<hbm>>) target(%arg16 : memref<40xi32, #tpu.memory_space<vmem>>) target_semaphore(%arg22 : memref<!tpu.dma_semaphore, #tpu.memory_space<semaphore_mem>>)
      %dma_start3A_74 = tpu.memref_slice %arg7[%multiple_of3A] : memref<320000xi32, #tpu.memory_space<hbm>> -> memref<40xi32, #tpu.memory_space<hbm>>
      %dma_start3A_75 = tpu.memref_slice %arg7[%multiple_of3A] : memref<320000xi32, #tpu.memory_space<hbm>> -> memref<40xi32, #tpu.memory_space<hbm>>
      tpu.enqueue_dma source(%dma_start3A_75 : memref<40xi32, #tpu.memory_space<hbm>>) target(%arg17 : memref<40xi32, #tpu.memory_space<vmem>>) target_semaphore(%arg23 : memref<!tpu.dma_semaphore, #tpu.memory_space<semaphore_mem>>)
      %dma_wait3A = tpu.memref_slice %arg5[%multiple_of3A] : memref<320000xi32, #tpu.memory_space<hbm>> -> memref<40xi32, #tpu.memory_space<hbm>>
      %dma_wait3A_76 = tpu.memref_slice %arg5[%multiple_of3A] : memref<320000xi32, #tpu.memory_space<hbm>> -> memref<40xi32, #tpu.memory_space<hbm>>
      tpu.wait_dma2 semaphore(%arg21 : memref<!tpu.dma_semaphore, #tpu.memory_space<semaphore_mem>>) src(%dma_wait3A_76 : memref<40xi32, #tpu.memory_space<hbm>>) dst(%arg15 : memref<40xi32, #tpu.memory_space<vmem>>)
      %dma_wait3A_77 = tpu.memref_slice %arg6[%multiple_of3A] : memref<320000xi32, #tpu.memory_space<hbm>> -> memref<40xi32, #tpu.memory_space<hbm>>
      %dma_wait3A_78 = tpu.memref_slice %arg6[%multiple_of3A] : memref<320000xi32, #tpu.memory_space<hbm>> -> memref<40xi32, #tpu.memory_space<hbm>>
      tpu.wait_dma2 semaphore(%arg22 : memref<!tpu.dma_semaphore, #tpu.memory_space<semaphore_mem>>) src(%dma_wait3A_78 : memref<40xi32, #tpu.memory_space<hbm>>) dst(%arg16 : memref<40xi32, #tpu.memory_space<vmem>>)
      %dma_wait3A_79 = tpu.memref_slice %arg7[%multiple_of3A] : memref<320000xi32, #tpu.memory_space<hbm>> -> memref<40xi32, #tpu.memory_space<hbm>>
      %dma_wait3A_80 = tpu.memref_slice %arg7[%multiple_of3A] : memref<320000xi32, #tpu.memory_space<hbm>> -> memref<40xi32, #tpu.memory_space<hbm>>
      tpu.wait_dma2 semaphore(%arg23 : memref<!tpu.dma_semaphore, #tpu.memory_space<semaphore_mem>>) src(%dma_wait3A_80 : memref<40xi32, #tpu.memory_space<hbm>>) dst(%arg17 : memref<40xi32, #tpu.memory_space<vmem>>)
      %dma_start3A_81 = arith.constant 0 : i32
      %dma_start3A_82 = arith.constant 0 : i32
      %dma_start3A_83 = tpu.memref_slice %arg2[%dma_start3A_81, %dma_start3A_82] : memref<10000x128xf32, #tpu.memory_space<hbm>> -> memref<10000x128xf32, #tpu.memory_space<hbm>>
      tpu.enqueue_indirect_dma source(%dma_start3A_83 : memref<10000x128xf32, #tpu.memory_space<hbm>>) target(%arg18 : memref<40x128xf32, #tpu.memory_space<vmem>>) offsets(%arg15 : memref<40xi32, #tpu.memory_space<vmem>>) semaphore(%arg21 : memref<!tpu.dma_semaphore, #tpu.memory_space<semaphore_mem>>)
      %dma_start3A_84 = arith.constant 0 : i32
      %dma_start3A_85 = arith.constant 0 : i32
      %dma_start3A_86 = tpu.memref_slice %arg2[%dma_start3A_84, %dma_start3A_85] : memref<10000x128xf32, #tpu.memory_space<hbm>> -> memref<10000x128xf32, #tpu.memory_space<hbm>>
      tpu.enqueue_indirect_dma source(%dma_start3A_86 : memref<10000x128xf32, #tpu.memory_space<hbm>>) target(%arg19 : memref<40x128xf32, #tpu.memory_space<vmem>>) offsets(%arg16 : memref<40xi32, #tpu.memory_space<vmem>>) semaphore(%arg22 : memref<!tpu.dma_semaphore, #tpu.memory_space<semaphore_mem>>)
      %dma_start3A_87 = arith.constant 0 : i32
      %dma_start3A_88 = arith.constant 0 : i32
      %dma_start3A_89 = tpu.memref_slice %arg3[%dma_start3A_87, %dma_start3A_88] : memref<10000x128xf32, #tpu.memory_space<hbm>> -> memref<10000x128xf32, #tpu.memory_space<hbm>>
      tpu.enqueue_indirect_dma source(%dma_start3A_89 : memref<10000x128xf32, #tpu.memory_space<hbm>>) target(%arg20 : memref<40x128xf32, #tpu.memory_space<vmem>>) offsets(%arg16 : memref<40xi32, #tpu.memory_space<vmem>>) semaphore(%arg23 : memref<!tpu.dma_semaphore, #tpu.memory_space<semaphore_mem>>)
      %dma_wait3A_90 = arith.constant 0 : i32
      %dma_wait3A_91 = arith.constant 0 : i32
      %dma_wait3A_92 = tpu.memref_slice %arg2[%dma_wait3A_90, %dma_wait3A_91] : memref<10000x128xf32, #tpu.memory_space<hbm>> -> memref<10000x128xf32, #tpu.memory_space<hbm>>
      tpu.wait_indirect_dma semaphore(%arg21 : memref<!tpu.dma_semaphore, #tpu.memory_space<semaphore_mem>>) src(%dma_wait3A_92 : memref<10000x128xf32, #tpu.memory_space<hbm>>) dst(%arg18 : memref<40x128xf32, #tpu.memory_space<vmem>>)
      %dma_wait3A_93 = arith.constant 0 : i32
      %dma_wait3A_94 = arith.constant 0 : i32
      %dma_wait3A_95 = tpu.memref_slice %arg2[%dma_wait3A_93, %dma_wait3A_94] : memref<10000x128xf32, #tpu.memory_space<hbm>> -> memref<10000x128xf32, #tpu.memory_space<hbm>>
      tpu.wait_indirect_dma semaphore(%arg22 : memref<!tpu.dma_semaphore, #tpu.memory_space<semaphore_mem>>) src(%dma_wait3A_95 : memref<10000x128xf32, #tpu.memory_space<hbm>>) dst(%arg19 : memref<40x128xf32, #tpu.memory_space<vmem>>)
      %dma_wait3A_96 = arith.constant 0 : i32
      %dma_wait3A_97 = arith.constant 0 : i32
      %dma_wait3A_98 = tpu.memref_slice %arg3[%dma_wait3A_96, %dma_wait3A_97] : memref<10000x128xf32, #tpu.memory_space<hbm>> -> memref<10000x128xf32, #tpu.memory_space<hbm>>
      tpu.wait_indirect_dma semaphore(%arg23 : memref<!tpu.dma_semaphore, #tpu.memory_space<semaphore_mem>>) src(%dma_wait3A_98 : memref<10000x128xf32, #tpu.memory_space<hbm>>) dst(%arg20 : memref<40x128xf32, #tpu.memory_space<vmem>>)
      %scan3A_99 = arith.constant 0 : i32
      %scan3A_100 = arith.constant 0 : i32
      %scan3A_101 = arith.constant 40 : i32
      %scan3A_102 = arith.addi %scan3A_100, %scan3A_101 : i32
      %scan3A_103 = arith.constant 1 : i32
      scf.for %scan3A_105 = %scan3A_100 to %scan3A_102 step %scan3A_103  : i32 {
        %broadcast_in_dim3A = vector.broadcast %scan3A_105 : i32 to vector<16xi32>
        %gather3A = tpu.vector_load_idx %arg17[%broadcast_in_dim3A] : memref<40xi32, #tpu.memory_space<vmem>>[vector<16xi32>], vector<16xi32>,
        %gather3A_106 = tpu.vector_load_idx %arg15[%broadcast_in_dim3A] : memref<40xi32, #tpu.memory_space<vmem>>[vector<16xi32>], vector<16xi32>,
        %broadcast_in_dim3A_107 = arith.constant 0.000000e+00 : f32
        %broadcast_in_dim3A_108 = vector.broadcast %broadcast_in_dim3A_107 : f32 to vector<16xf32>
        %broadcast_in_dim3A_109 = arith.constant 0.000000e+00 : f32
        %broadcast_in_dim3A_110 = vector.broadcast %broadcast_in_dim3A_109 : f32 to vector<16xf32>
        %get3A = arith.index_cast %scan3A_105 : i32 to index
        %get3A_111 = arith.constant 0 : index
        %get3A_112 = tpu.vector_load %arg18[%get3A, %get3A_111] {strides = array<i32>} : memref<40x128xf32, #tpu.memory_space<vmem>>, vector<16xf32>,
        %get3A_113 = arith.index_cast %scan3A_105 : i32 to index
        %get3A_114 = arith.constant 0 : index
        %get3A_115 = tpu.vector_load %arg19[%get3A_113, %get3A_114] {strides = array<i32>} : memref<40x128xf32, #tpu.memory_space<vmem>>, vector<16xf32>,
        %get3A_116 = arith.index_cast %scan3A_105 : i32 to index
        %get3A_117 = arith.constant 0 : index
        %get3A_118 = tpu.vector_load %arg20[%get3A_116, %get3A_117] {strides = array<i32>} : memref<40x128xf32, #tpu.memory_space<vmem>>, vector<16xf32>,
        %add3A_119 = arith.constant 0 : i32
        %add3A_120 = vector.broadcast %add3A_119 : i32 to vector<16xi32>
        %add3A_121 = arith.addi %iota3A, %add3A_120 : vector<16xi32>
        %gather3A_122 = tpu.vector_load_idx %arg14[%gather3A, %add3A_121] : memref<8x128xf32, #tpu.memory_space<vmem>>[vector<16xi32>, vector<16xi32>], vector<16xf32>,
        %mul3A_123 = arith.mulf %get3A_115, %gather3A_122 : vector<16xf32>
        %mul3A_124 = arith.mulf %get3A_112, %mul3A_123 : vector<16xf32>
        %add3A_125 = arith.addf %broadcast_in_dim3A_108, %mul3A_124 : vector<16xf32>
        %mul3A_126 = arith.mulf %get3A_118, %gather3A_122 : vector<16xf32>
        %get3A_127 = arith.index_cast %scan3A_105 : i32 to index
        %get3A_128 = arith.constant 16 : index
        %get3A_129 = tpu.vector_load %arg18[%get3A_127, %get3A_128] {strides = array<i32>} : memref<40x128xf32, #tpu.memory_space<vmem>>, vector<16xf32>,
        %get3A_130 = arith.index_cast %scan3A_105 : i32 to index
        %get3A_131 = arith.constant 16 : index
        %get3A_132 = tpu.vector_load %arg19[%get3A_130, %get3A_131] {strides = array<i32>} : memref<40x128xf32, #tpu.memory_space<vmem>>, vector<16xf32>,
        %get3A_133 = arith.index_cast %scan3A_105 : i32 to index
        %get3A_134 = arith.constant 16 : index
        %get3A_135 = tpu.vector_load %arg20[%get3A_133, %get3A_134] {strides = array<i32>} : memref<40x128xf32, #tpu.memory_space<vmem>>, vector<16xf32>,
        %add3A_136 = arith.constant 16 : i32
        %add3A_137 = vector.broadcast %add3A_136 : i32 to vector<16xi32>
        %add3A_138 = arith.addi %iota3A, %add3A_137 : vector<16xi32>
        %gather3A_139 = tpu.vector_load_idx %arg14[%gather3A, %add3A_138] : memref<8x128xf32, #tpu.memory_space<vmem>>[vector<16xi32>, vector<16xi32>], vector<16xf32>,
        %mul3A_140 = arith.mulf %get3A_132, %gather3A_139 : vector<16xf32>
        %mul3A_141 = arith.mulf %get3A_129, %mul3A_140 : vector<16xf32>
        %add3A_142 = arith.addf %add3A_125, %mul3A_141 : vector<16xf32>
        %mul3A_143 = arith.mulf %get3A_135, %gather3A_139 : vector<16xf32>
        %get3A_144 = arith.index_cast %scan3A_105 : i32 to index
        %get3A_145 = arith.constant 32 : index
        %get3A_146 = tpu.vector_load %arg18[%get3A_144, %get3A_145] {strides = array<i32>} : memref<40x128xf32, #tpu.memory_space<vmem>>, vector<16xf32>,
        %get3A_147 = arith.index_cast %scan3A_105 : i32 to index
        %get3A_148 = arith.constant 32 : index
        %get3A_149 = tpu.vector_load %arg19[%get3A_147, %get3A_148] {strides = array<i32>} : memref<40x128xf32, #tpu.memory_space<vmem>>, vector<16xf32>,
        %get3A_150 = arith.index_cast %scan3A_105 : i32 to index
        %get3A_151 = arith.constant 32 : index
        %get3A_152 = tpu.vector_load %arg20[%get3A_150, %get3A_151] {strides = array<i32>} : memref<40x128xf32, #tpu.memory_space<vmem>>, vector<16xf32>,
        %add3A_153 = arith.constant 32 : i32
        %add3A_154 = vector.broadcast %add3A_153 : i32 to vector<16xi32>
        %add3A_155 = arith.addi %iota3A, %add3A_154 : vector<16xi32>
        %gather3A_156 = tpu.vector_load_idx %arg14[%gather3A, %add3A_155] : memref<8x128xf32, #tpu.memory_space<vmem>>[vector<16xi32>, vector<16xi32>], vector<16xf32>,
        %mul3A_157 = arith.mulf %get3A_149, %gather3A_156 : vector<16xf32>
        %mul3A_158 = arith.mulf %get3A_146, %mul3A_157 : vector<16xf32>
        %add3A_159 = arith.addf %add3A_142, %mul3A_158 : vector<16xf32>
        %mul3A_160 = arith.mulf %get3A_152, %gather3A_156 : vector<16xf32>
        %get3A_161 = arith.index_cast %scan3A_105 : i32 to index
        %get3A_162 = arith.constant 48 : index
        %get3A_163 = tpu.vector_load %arg18[%get3A_161, %get3A_162] {strides = array<i32>} : memref<40x128xf32, #tpu.memory_space<vmem>>, vector<16xf32>,
        %get3A_164 = arith.index_cast %scan3A_105 : i32 to index
        %get3A_165 = arith.constant 48 : index
        %get3A_166 = tpu.vector_load %arg19[%get3A_164, %get3A_165] {strides = array<i32>} : memref<40x128xf32, #tpu.memory_space<vmem>>, vector<16xf32>,
        %get3A_167 = arith.index_cast %scan3A_105 : i32 to index
        %get3A_168 = arith.constant 48 : index
        %get3A_169 = tpu.vector_load %arg20[%get3A_167, %get3A_168] {strides = array<i32>} : memref<40x128xf32, #tpu.memory_space<vmem>>, vector<16xf32>,
        %add3A_170 = arith.constant 48 : i32
        %add3A_171 = vector.broadcast %add3A_170 : i32 to vector<16xi32>
        %add3A_172 = arith.addi %iota3A, %add3A_171 : vector<16xi32>
        %gather3A_173 = tpu.vector_load_idx %arg14[%gather3A, %add3A_172] : memref<8x128xf32, #tpu.memory_space<vmem>>[vector<16xi32>, vector<16xi32>], vector<16xf32>,
        %mul3A_174 = arith.mulf %get3A_166, %gather3A_173 : vector<16xf32>
        %mul3A_175 = arith.mulf %get3A_163, %mul3A_174 : vector<16xf32>
        %add3A_176 = arith.addf %add3A_159, %mul3A_175 : vector<16xf32>
        %mul3A_177 = arith.mulf %get3A_169, %gather3A_173 : vector<16xf32>
        %get3A_178 = arith.index_cast %scan3A_105 : i32 to index
        %get3A_179 = arith.constant 64 : index
        %get3A_180 = tpu.vector_load %arg18[%get3A_178, %get3A_179] {strides = array<i32>} : memref<40x128xf32, #tpu.memory_space<vmem>>, vector<16xf32>,
        %get3A_181 = arith.index_cast %scan3A_105 : i32 to index
        %get3A_182 = arith.constant 64 : index
        %get3A_183 = tpu.vector_load %arg19[%get3A_181, %get3A_182] {strides = array<i32>} : memref<40x128xf32, #tpu.memory_space<vmem>>, vector<16xf32>,
        %get3A_184 = arith.index_cast %scan3A_105 : i32 to index
        %get3A_185 = arith.constant 64 : index
        %get3A_186 = tpu.vector_load %arg20[%get3A_184, %get3A_185] {strides = array<i32>} : memref<40x128xf32, #tpu.memory_space<vmem>>, vector<16xf32>,
        %add3A_187 = arith.constant 64 : i32
        %add3A_188 = vector.broadcast %add3A_187 : i32 to vector<16xi32>
        %add3A_189 = arith.addi %iota3A, %add3A_188 : vector<16xi32>
        %gather3A_190 = tpu.vector_load_idx %arg14[%gather3A, %add3A_189] : memref<8x128xf32, #tpu.memory_space<vmem>>[vector<16xi32>, vector<16xi32>], vector<16xf32>,
        %mul3A_191 = arith.mulf %get3A_183, %gather3A_190 : vector<16xf32>
        %mul3A_192 = arith.mulf %get3A_180, %mul3A_191 : vector<16xf32>
        %add3A_193 = arith.addf %broadcast_in_dim3A_110, %mul3A_192 : vector<16xf32>
        %mul3A_194 = arith.mulf %get3A_186, %gather3A_190 : vector<16xf32>
        %get3A_195 = arith.index_cast %scan3A_105 : i32 to index
        %get3A_196 = arith.constant 80 : index
        %get3A_197 = tpu.vector_load %arg18[%get3A_195, %get3A_196] {strides = array<i32>} : memref<40x128xf32, #tpu.memory_space<vmem>>, vector<16xf32>,
        %get3A_198 = arith.index_cast %scan3A_105 : i32 to index
        %get3A_199 = arith.constant 80 : index
        %get3A_200 = tpu.vector_load %arg19[%get3A_198, %get3A_199] {strides = array<i32>} : memref<40x128xf32, #tpu.memory_space<vmem>>, vector<16xf32>,
        %get3A_201 = arith.index_cast %scan3A_105 : i32 to index
        %get3A_202 = arith.constant 80 : index
        %get3A_203 = tpu.vector_load %arg20[%get3A_201, %get3A_202] {strides = array<i32>} : memref<40x128xf32, #tpu.memory_space<vmem>>, vector<16xf32>,
        %add3A_204 = arith.constant 80 : i32
        %add3A_205 = vector.broadcast %add3A_204 : i32 to vector<16xi32>
        %add3A_206 = arith.addi %iota3A, %add3A_205 : vector<16xi32>
        %gather3A_207 = tpu.vector_load_idx %arg14[%gather3A, %add3A_206] : memref<8x128xf32, #tpu.memory_space<vmem>>[vector<16xi32>, vector<16xi32>], vector<16xf32>,
        %mul3A_208 = arith.mulf %get3A_200, %gather3A_207 : vector<16xf32>
        %mul3A_209 = arith.mulf %get3A_197, %mul3A_208 : vector<16xf32>
        %add3A_210 = arith.addf %add3A_193, %mul3A_209 : vector<16xf32>
        %mul3A_211 = arith.mulf %get3A_203, %gather3A_207 : vector<16xf32>
        %get3A_212 = arith.index_cast %scan3A_105 : i32 to index
        %get3A_213 = arith.constant 96 : index
        %get3A_214 = tpu.vector_load %arg18[%get3A_212, %get3A_213] {strides = array<i32>} : memref<40x128xf32, #tpu.memory_space<vmem>>, vector<16xf32>,
        %get3A_215 = arith.index_cast %scan3A_105 : i32 to index
        %get3A_216 = arith.constant 96 : index
        %get3A_217 = tpu.vector_load %arg19[%get3A_215, %get3A_216] {strides = array<i32>} : memref<40x128xf32, #tpu.memory_space<vmem>>, vector<16xf32>,
        %get3A_218 = arith.index_cast %scan3A_105 : i32 to index
        %get3A_219 = arith.constant 96 : index
        %get3A_220 = tpu.vector_load %arg20[%get3A_218, %get3A_219] {strides = array<i32>} : memref<40x128xf32, #tpu.memory_space<vmem>>, vector<16xf32>,
        %add3A_221 = arith.constant 96 : i32
        %add3A_222 = vector.broadcast %add3A_221 : i32 to vector<16xi32>
        %add3A_223 = arith.addi %iota3A, %add3A_222 : vector<16xi32>
        %gather3A_224 = tpu.vector_load_idx %arg14[%gather3A, %add3A_223] : memref<8x128xf32, #tpu.memory_space<vmem>>[vector<16xi32>, vector<16xi32>], vector<16xf32>,
        %mul3A_225 = arith.mulf %get3A_217, %gather3A_224 : vector<16xf32>
        %mul3A_226 = arith.mulf %get3A_214, %mul3A_225 : vector<16xf32>
        %add3A_227 = arith.addf %add3A_210, %mul3A_226 : vector<16xf32>
        %mul3A_228 = arith.mulf %get3A_220, %gather3A_224 : vector<16xf32>
        %get3A_229 = arith.index_cast %scan3A_105 : i32 to index
        %get3A_230 = arith.constant 112 : index
        %get3A_231 = tpu.vector_load %arg18[%get3A_229, %get3A_230] {strides = array<i32>} : memref<40x128xf32, #tpu.memory_space<vmem>>, vector<16xf32>,
        %get3A_232 = arith.index_cast %scan3A_105 : i32 to index
        %get3A_233 = arith.constant 112 : index
        %get3A_234 = tpu.vector_load %arg19[%get3A_232, %get3A_233] {strides = array<i32>} : memref<40x128xf32, #tpu.memory_space<vmem>>, vector<16xf32>,
        %get3A_235 = arith.index_cast %scan3A_105 : i32 to index
        %get3A_236 = arith.constant 112 : index
        %get3A_237 = tpu.vector_load %arg20[%get3A_235, %get3A_236] {strides = array<i32>} : memref<40x128xf32, #tpu.memory_space<vmem>>, vector<16xf32>,
        %add3A_238 = arith.constant 112 : i32
        %add3A_239 = vector.broadcast %add3A_238 : i32 to vector<16xi32>
        %add3A_240 = arith.addi %iota3A, %add3A_239 : vector<16xi32>
        %gather3A_241 = tpu.vector_load_idx %arg14[%gather3A, %add3A_240] : memref<8x128xf32, #tpu.memory_space<vmem>>[vector<16xi32>, vector<16xi32>], vector<16xf32>,
        %mul3A_242 = arith.mulf %get3A_234, %gather3A_241 : vector<16xf32>
        %mul3A_243 = arith.mulf %get3A_231, %mul3A_242 : vector<16xf32>
        %add3A_244 = arith.addf %add3A_227, %mul3A_243 : vector<16xf32>
        %mul3A_245 = arith.mulf %get3A_237, %gather3A_241 : vector<16xf32>
        %reduce_sum3A = arith.constant true
        %reduce_sum3A_246 = vector.broadcast %reduce_sum3A : i1 to vector<16xi1>
        %reduce_sum3A_247 = tpu.scan <sum>, %add3A_176 masked %reduce_sum3A_246 : vector<16xf32>, vector<16xi1> -> vector<16xf32>
        %reduce_sum3A_248 = vector.extract %reduce_sum3A_247[15] : f32 from vector<16xf32>
        %mul3A_249 = arith.constant 1.250000e-01 : f32
        %mul3A_250 = arith.mulf %reduce_sum3A_248, %mul3A_249 : f32
        %reduce_sum3A_251 = arith.constant true
        %reduce_sum3A_252 = vector.broadcast %reduce_sum3A_251 : i1 to vector<16xi1>
        %reduce_sum3A_253 = tpu.scan <sum>, %add3A_244 masked %reduce_sum3A_252 : vector<16xf32>, vector<16xi1> -> vector<16xf32>
        %reduce_sum3A_254 = vector.extract %reduce_sum3A_253[15] : f32 from vector<16xf32>
        %mul3A_255 = arith.constant 1.250000e-01 : f32
        %mul3A_256 = arith.mulf %reduce_sum3A_254, %mul3A_255 : f32
        %broadcast_in_dim3A_257 = vector.broadcast %mul3A_250 : f32 to vector<16xf32>
        %exp3A = math.exp %broadcast_in_dim3A_257 : vector<16xf32>
        %broadcast_in_dim3A_258 = vector.broadcast %mul3A_256 : f32 to vector<16xf32>
        %exp3A_259 = math.exp %broadcast_in_dim3A_258 : vector<16xf32>
        %mul3A_260 = arith.constant 2 : i32
        %mul3A_261 = vector.broadcast %mul3A_260 : i32 to vector<16xi32>
        %mul3A_262 = arith.muli %gather3A_106, %mul3A_261 : vector<16xi32>
        %add3A_263 = arith.addi %mul3A_262, %min3A_30 : vector<16xi32>
        %eq3A = arith.constant 0 : i32
        %eq3A_264 = vector.broadcast %eq3A : i32 to vector<16xi32>
        %eq3A_265 = arith.cmpi eq, %iota3A, %eq3A_264 : vector<16xi32>
        %select_n3A = arith.select %eq3A_265, %exp3A, %exp3A_259 : vector<16xi1>, vector<16xf32>
        tpu.vector_store_idx %arg13[%add3A_263], %select_n3A masked %lt3A_28 {add = true} : memref<20000xf32, #tpu.memory_space<vmem>>[vector<16xi32>], vector<16xf32>, vector<16xi1>
        %mul3A_266 = arith.mulf %mul3A_126, %exp3A : vector<16xf32>
        %swap3A = arith.index_cast %scan3A_105 : i32 to index
        %swap3A_267 = arith.constant 0 : index
        %swap3A_268 = tpu.vector_load %arg20[%swap3A, %swap3A_267] {strides = array<i32>} : memref<40x128xf32, #tpu.memory_space<vmem>>, vector<16xf32>,
        tpu.vector_store %arg20[%swap3A, %swap3A_267], %mul3A_266 {strides = array<i32>} : memref<40x128xf32, #tpu.memory_space<vmem>>, vector<16xf32>,
        %mul3A_269 = arith.mulf %mul3A_143, %exp3A : vector<16xf32>
        %swap3A_270 = arith.index_cast %scan3A_105 : i32 to index
        %swap3A_271 = arith.constant 16 : index
        %swap3A_272 = tpu.vector_load %arg20[%swap3A_270, %swap3A_271] {strides = array<i32>} : memref<40x128xf32, #tpu.memory_space<vmem>>, vector<16xf32>,
        tpu.vector_store %arg20[%swap3A_270, %swap3A_271], %mul3A_269 {strides = array<i32>} : memref<40x128xf32, #tpu.memory_space<vmem>>, vector<16xf32>,
        %mul3A_273 = arith.mulf %mul3A_160, %exp3A : vector<16xf32>
        %swap3A_274 = arith.index_cast %scan3A_105 : i32 to index
        %swap3A_275 = arith.constant 32 : index
        %swap3A_276 = tpu.vector_load %arg20[%swap3A_274, %swap3A_275] {strides = array<i32>} : memref<40x128xf32, #tpu.memory_space<vmem>>, vector<16xf32>,
        tpu.vector_store %arg20[%swap3A_274, %swap3A_275], %mul3A_273 {strides = array<i32>} : memref<40x128xf32, #tpu.memory_space<vmem>>, vector<16xf32>,
        %mul3A_277 = arith.mulf %mul3A_177, %exp3A : vector<16xf32>
        %swap3A_278 = arith.index_cast %scan3A_105 : i32 to index
        %swap3A_279 = arith.constant 48 : index
        %swap3A_280 = tpu.vector_load %arg20[%swap3A_278, %swap3A_279] {strides = array<i32>} : memref<40x128xf32, #tpu.memory_space<vmem>>, vector<16xf32>,
        tpu.vector_store %arg20[%swap3A_278, %swap3A_279], %mul3A_277 {strides = array<i32>} : memref<40x128xf32, #tpu.memory_space<vmem>>, vector<16xf32>,
        %mul3A_281 = arith.mulf %mul3A_194, %exp3A_259 : vector<16xf32>
        %swap3A_282 = arith.index_cast %scan3A_105 : i32 to index
        %swap3A_283 = arith.constant 64 : index
        %swap3A_284 = tpu.vector_load %arg20[%swap3A_282, %swap3A_283] {strides = array<i32>} : memref<40x128xf32, #tpu.memory_space<vmem>>, vector<16xf32>,
        tpu.vector_store %arg20[%swap3A_282, %swap3A_283], %mul3A_281 {strides = array<i32>} : memref<40x128xf32, #tpu.memory_space<vmem>>, vector<16xf32>,
        %mul3A_285 = arith.mulf %mul3A_211, %exp3A_259 : vector<16xf32>
        %swap3A_286 = arith.index_cast %scan3A_105 : i32 to index
        %swap3A_287 = arith.constant 80 : index
        %swap3A_288 = tpu.vector_load %arg20[%swap3A_286, %swap3A_287] {strides = array<i32>} : memref<40x128xf32, #tpu.memory_space<vmem>>, vector<16xf32>,
        tpu.vector_store %arg20[%swap3A_286, %swap3A_287], %mul3A_285 {strides = array<i32>} : memref<40x128xf32, #tpu.memory_space<vmem>>, vector<16xf32>,
        %mul3A_289 = arith.mulf %mul3A_228, %exp3A_259 : vector<16xf32>
        %swap3A_290 = arith.index_cast %scan3A_105 : i32 to index
        %swap3A_291 = arith.constant 96 : index
        %swap3A_292 = tpu.vector_load %arg20[%swap3A_290, %swap3A_291] {strides = array<i32>} : memref<40x128xf32, #tpu.memory_space<vmem>>, vector<16xf32>,
        tpu.vector_store %arg20[%swap3A_290, %swap3A_291], %mul3A_289 {strides = array<i32>} : memref<40x128xf32, #tpu.memory_space<vmem>>, vector<16xf32>,
        %mul3A_293 = arith.mulf %mul3A_245, %exp3A_259 : vector<16xf32>
        %swap3A_294 = arith.index_cast %scan3A_105 : i32 to index
        %swap3A_295 = arith.constant 112 : index
        %swap3A_296 = tpu.vector_load %arg20[%swap3A_294, %swap3A_295] {strides = array<i32>} : memref<40x128xf32, #tpu.memory_space<vmem>>, vector<16xf32>,
        tpu.vector_store %arg20[%swap3A_294, %swap3A_295], %mul3A_293 {strides = array<i32>} : memref<40x128xf32, #tpu.memory_space<vmem>>, vector<16xf32>,
      }
      %scan3A_104 = arith.constant 40 : i32
      "tpu.region"() ({
        %run_scoped3A = tpu.sem_alloc : memref<!tpu.dma_semaphore, #tpu.memory_space<semaphore_mem>>
        %dma_start3A_105 = arith.constant 0 : i32
        %dma_start3A_106 = arith.constant 0 : i32
        %dma_start3A_107 = tpu.memref_slice %arg12[%dma_start3A_105, %dma_start3A_106] : memref<10000x128xf32, #tpu.memory_space<vmem_shared>> -> memref<10000x128xf32, #tpu.memory_space<vmem_shared>>
        tpu.enqueue_indirect_dma source(%arg20 : memref<40x128xf32, #tpu.memory_space<vmem>>) target(%dma_start3A_107 : memref<10000x128xf32, #tpu.memory_space<vmem_shared>>) offsets(%arg15 : memref<40xi32, #tpu.memory_space<vmem>>) semaphore(%run_scoped3A : memref<!tpu.dma_semaphore, #tpu.memory_space<semaphore_mem>>) {add = true}
        %dma_wait3A_108 = arith.constant 0 : i32
        %dma_wait3A_109 = arith.constant 0 : i32
        %dma_wait3A_110 = tpu.memref_slice %arg12[%dma_wait3A_108, %dma_wait3A_109] : memref<10000x128xf32, #tpu.memory_space<vmem_shared>> -> memref<10000x128xf32, #tpu.memory_space<vmem_shared>>
        tpu.wait_indirect_dma semaphore(%run_scoped3A : memref<!tpu.dma_semaphore, #tpu.memory_space<semaphore_mem>>) src(%arg20 : memref<40x128xf32, #tpu.memory_space<vmem>>) dst(%dma_wait3A_110 : memref<10000x128xf32, #tpu.memory_space<vmem_shared>>)
        tpu.yield
      }) : () -> ()
    }
    %scan3A_35 = arith.constant 250 : i32
    "tpu.region"() ({
      %run_scoped3A = tpu.sem_alloc : memref<!tpu.dma_semaphore, #tpu.memory_space<semaphore_mem>>
      %dma_start3A = arith.constant 0 : i32
      %dma_start3A_65 = tpu.memref_slice %arg11[%arg0, %arg1, %dma_start3A] : memref<2x16x20000xf32, #tpu.memory_space<hbm>> -> memref<1x1x20000xf32, #tpu.memory_space<hbm>>
      %dma_start3A_66 = tpu.memref_squeeze %dma_start3A_65 : memref<1x1x20000xf32, #tpu.memory_space<hbm>> -> memref<20000xf32, #tpu.memory_space<hbm>>
      %dma_start3A_67 = arith.constant 0 : i32
      %dma_start3A_68 = tpu.memref_slice %arg11[%arg0, %arg1, %dma_start3A_67] : memref<2x16x20000xf32, #tpu.memory_space<hbm>> -> memref<1x1x20000xf32, #tpu.memory_space<hbm>>
      %dma_start3A_69 = tpu.memref_squeeze %dma_start3A_68 : memref<1x1x20000xf32, #tpu.memory_space<hbm>> -> memref<20000xf32, #tpu.memory_space<hbm>>
      tpu.enqueue_dma source(%arg13 : memref<20000xf32, #tpu.memory_space<vmem>>) target(%dma_start3A_69 : memref<20000xf32, #tpu.memory_space<hbm>>) target_semaphore(%run_scoped3A : memref<!tpu.dma_semaphore, #tpu.memory_space<semaphore_mem>>)
      %dma_wait3A = arith.constant 0 : i32
      %dma_wait3A_70 = tpu.memref_slice %arg11[%arg0, %arg1, %dma_wait3A] : memref<2x16x20000xf32, #tpu.memory_space<hbm>> -> memref<1x1x20000xf32, #tpu.memory_space<hbm>>
      %dma_wait3A_71 = tpu.memref_squeeze %dma_wait3A_70 : memref<1x1x20000xf32, #tpu.memory_space<hbm>> -> memref<20000xf32, #tpu.memory_space<hbm>>
      %dma_wait3A_72 = arith.constant 0 : i32
      %dma_wait3A_73 = tpu.memref_slice %arg11[%arg0, %arg1, %dma_wait3A_72] : memref<2x16x20000xf32, #tpu.memory_space<hbm>> -> memref<1x1x20000xf32, #tpu.memory_space<hbm>>
      %dma_wait3A_74 = tpu.memref_squeeze %dma_wait3A_73 : memref<1x1x20000xf32, #tpu.memory_space<hbm>> -> memref<20000xf32, #tpu.memory_space<hbm>>
      tpu.wait_dma2 semaphore(%run_scoped3A : memref<!tpu.dma_semaphore, #tpu.memory_space<semaphore_mem>>) src(%arg13 : memref<20000xf32, #tpu.memory_space<vmem>>) dst(%dma_wait3A_74 : memref<20000xf32, #tpu.memory_space<hbm>>)
      tpu.yield
    }) : () -> ()
    %barrier3A_36 = arith.constant 0 : index
    tpu.barrier barrier_id(%barrier3A_36)
    %add3A_37 = arith.constant 0 : i32
    %add3A_38 = arith.addi %arg1, %add3A_37 : i32
    %lt3A_39 = arith.constant 50 : i32
    %lt3A_40 = arith.cmpi slt, %add3A_38, %lt3A_39 : i32
    %convert_element_type3A_41 = arith.extui %lt3A_40 : i1 to i32
    %cond3A_42 = arith.constant 0 : i32
    %cond3A_43 = arith.cmpi ne, %convert_element_type3A_41, %cond3A_42 : i32
    scf.if %cond3A_43 {
      %mul3A_65 = arith.constant 200 : i32
      %mul3A_66 = arith.muli %add3A_38, %mul3A_65 : i32
      "tpu.region"() ({
        %run_scoped3A = tpu.sem_alloc : memref<!tpu.dma_semaphore, #tpu.memory_space<semaphore_mem>>
        %dma_start3A = arith.constant 0 : i32
        %dma_start3A_67 = tpu.memref_slice %arg10[%arg0, %mul3A_66, %dma_start3A] : memref<2x10000x128xf32, #tpu.memory_space<hbm>> -> memref<1x200x128xf32, #tpu.memory_space<hbm>>
        %dma_start3A_68 = tpu.memref_squeeze %dma_start3A_67 : memref<1x200x128xf32, #tpu.memory_space<hbm>> -> memref<200x128xf32, #tpu.memory_space<hbm>>
        %dma_start3A_69 = arith.constant 0 : i32
        %dma_start3A_70 = tpu.memref_slice %arg12[%mul3A_66, %dma_start3A_69] : memref<10000x128xf32, #tpu.memory_space<vmem_shared>> -> memref<200x128xf32, #tpu.memory_space<vmem_shared>>
        tpu.enqueue_dma source(%dma_start3A_70 : memref<200x128xf32, #tpu.memory_space<vmem_shared>>) target(%dma_start3A_68 : memref<200x128xf32, #tpu.memory_space<hbm>>) target_semaphore(%run_scoped3A : memref<!tpu.dma_semaphore, #tpu.memory_space<semaphore_mem>>)
        %dma_wait3A = arith.constant 0 : i32
        %dma_wait3A_71 = tpu.memref_slice %arg10[%arg0, %mul3A_66, %dma_wait3A] : memref<2x10000x128xf32, #tpu.memory_space<hbm>> -> memref<1x200x128xf32, #tpu.memory_space<hbm>>
        %dma_wait3A_72 = tpu.memref_squeeze %dma_wait3A_71 : memref<1x200x128xf32, #tpu.memory_space<hbm>> -> memref<200x128xf32, #tpu.memory_space<hbm>>
        %dma_wait3A_73 = arith.constant 0 : i32
        %dma_wait3A_74 = tpu.memref_slice %arg12[%mul3A_66, %dma_wait3A_73] : memref<10000x128xf32, #tpu.memory_space<vmem_shared>> -> memref<200x128xf32, #tpu.memory_space<vmem_shared>>
        tpu.wait_dma2 semaphore(%run_scoped3A : memref<!tpu.dma_semaphore, #tpu.memory_space<semaphore_mem>>) src(%dma_wait3A_74 : memref<200x128xf32, #tpu.memory_space<vmem_shared>>) dst(%dma_wait3A_72 : memref<200x128xf32, #tpu.memory_space<hbm>>)
        tpu.yield
      }) : () -> ()
    } else {
    }
    %add3A_44 = arith.constant 16 : i32
    %add3A_45 = arith.addi %arg1, %add3A_44 : i32
    %lt3A_46 = arith.constant 50 : i32
    %lt3A_47 = arith.cmpi slt, %add3A_45, %lt3A_46 : i32
    %convert_element_type3A_48 = arith.extui %lt3A_47 : i1 to i32
    %cond3A_49 = arith.constant 0 : i32
    %cond3A_50 = arith.cmpi ne, %convert_element_type3A_48, %cond3A_49 : i32
    scf.if %cond3A_50 {
      %mul3A_65 = arith.constant 200 : i32
      %mul3A_66 = arith.muli %add3A_45, %mul3A_65 : i32
      "tpu.region"() ({
        %run_scoped3A = tpu.sem_alloc : memref<!tpu.dma_semaphore, #tpu.memory_space<semaphore_mem>>
        %dma_start3A = arith.constant 0 : i32
        %dma_start3A_67 = tpu.memref_slice %arg10[%arg0, %mul3A_66, %dma_start3A] : memref<2x10000x128xf32, #tpu.memory_space<hbm>> -> memref<1x200x128xf32, #tpu.memory_space<hbm>>
        %dma_start3A_68 = tpu.memref_squeeze %dma_start3A_67 : memref<1x200x128xf32, #tpu.memory_space<hbm>> -> memref<200x128xf32, #tpu.memory_space<hbm>>
        %dma_start3A_69 = arith.constant 0 : i32
        %dma_start3A_70 = tpu.memref_slice %arg12[%mul3A_66, %dma_start3A_69] : memref<10000x128xf32, #tpu.memory_space<vmem_shared>> -> memref<200x128xf32, #tpu.memory_space<vmem_shared>>
        tpu.enqueue_dma source(%dma_start3A_70 : memref<200x128xf32, #tpu.memory_space<vmem_shared>>) target(%dma_start3A_68 : memref<200x128xf32, #tpu.memory_space<hbm>>) target_semaphore(%run_scoped3A : memref<!tpu.dma_semaphore, #tpu.memory_space<semaphore_mem>>)
        %dma_wait3A = arith.constant 0 : i32
        %dma_wait3A_71 = tpu.memref_slice %arg10[%arg0, %mul3A_66, %dma_wait3A] : memref<2x10000x128xf32, #tpu.memory_space<hbm>> -> memref<1x200x128xf32, #tpu.memory_space<hbm>>
        %dma_wait3A_72 = tpu.memref_squeeze %dma_wait3A_71 : memref<1x200x128xf32, #tpu.memory_space<hbm>> -> memref<200x128xf32, #tpu.memory_space<hbm>>
        %dma_wait3A_73 = arith.constant 0 : i32
        %dma_wait3A_74 = tpu.memref_slice %arg12[%mul3A_66, %dma_wait3A_73] : memref<10000x128xf32, #tpu.memory_space<vmem_shared>> -> memref<200x128xf32, #tpu.memory_space<vmem_shared>>
        tpu.wait_dma2 semaphore(%run_scoped3A : memref<!tpu.dma_semaphore, #tpu.memory_space<semaphore_mem>>) src(%dma_wait3A_74 : memref<200x128xf32, #tpu.memory_space<vmem_shared>>) dst(%dma_wait3A_72 : memref<200x128xf32, #tpu.memory_space<hbm>>)
        tpu.yield
      }) : () -> ()
    } else {
    }
    %add3A_51 = arith.constant 32 : i32
    %add3A_52 = arith.addi %arg1, %add3A_51 : i32
    %lt3A_53 = arith.constant 50 : i32
    %lt3A_54 = arith.cmpi slt, %add3A_52, %lt3A_53 : i32
    %convert_element_type3A_55 = arith.extui %lt3A_54 : i1 to i32
    %cond3A_56 = arith.constant 0 : i32
    %cond3A_57 = arith.cmpi ne, %convert_element_type3A_55, %cond3A_56 : i32
    scf.if %cond3A_57 {
      %mul3A_65 = arith.constant 200 : i32
      %mul3A_66 = arith.muli %add3A_52, %mul3A_65 : i32
      "tpu.region"() ({
        %run_scoped3A = tpu.sem_alloc : memref<!tpu.dma_semaphore, #tpu.memory_space<semaphore_mem>>
        %dma_start3A = arith.constant 0 : i32
        %dma_start3A_67 = tpu.memref_slice %arg10[%arg0, %mul3A_66, %dma_start3A] : memref<2x10000x128xf32, #tpu.memory_space<hbm>> -> memref<1x200x128xf32, #tpu.memory_space<hbm>>
        %dma_start3A_68 = tpu.memref_squeeze %dma_start3A_67 : memref<1x200x128xf32, #tpu.memory_space<hbm>> -> memref<200x128xf32, #tpu.memory_space<hbm>>
        %dma_start3A_69 = arith.constant 0 : i32
        %dma_start3A_70 = tpu.memref_slice %arg12[%mul3A_66, %dma_start3A_69] : memref<10000x128xf32, #tpu.memory_space<vmem_shared>> -> memref<200x128xf32, #tpu.memory_space<vmem_shared>>
        tpu.enqueue_dma source(%dma_start3A_70 : memref<200x128xf32, #tpu.memory_space<vmem_shared>>) target(%dma_start3A_68 : memref<200x128xf32, #tpu.memory_space<hbm>>) target_semaphore(%run_scoped3A : memref<!tpu.dma_semaphore, #tpu.memory_space<semaphore_mem>>)
        %dma_wait3A = arith.constant 0 : i32
        %dma_wait3A_71 = tpu.memref_slice %arg10[%arg0, %mul3A_66, %dma_wait3A] : memref<2x10000x128xf32, #tpu.memory_space<hbm>> -> memref<1x200x128xf32, #tpu.memory_space<hbm>>
        %dma_wait3A_72 = tpu.memref_squeeze %dma_wait3A_71 : memref<1x200x128xf32, #tpu.memory_space<hbm>> -> memref<200x128xf32, #tpu.memory_space<hbm>>
        %dma_wait3A_73 = arith.constant 0 : i32
        %dma_wait3A_74 = tpu.memref_slice %arg12[%mul3A_66, %dma_wait3A_73] : memref<10000x128xf32, #tpu.memory_space<vmem_shared>> -> memref<200x128xf32, #tpu.memory_space<vmem_shared>>
        tpu.wait_dma2 semaphore(%run_scoped3A : memref<!tpu.dma_semaphore, #tpu.memory_space<semaphore_mem>>) src(%dma_wait3A_74 : memref<200x128xf32, #tpu.memory_space<vmem_shared>>) dst(%dma_wait3A_72 : memref<200x128xf32, #tpu.memory_space<hbm>>)
        tpu.yield
      }) : () -> ()
    } else {
    }
    %add3A_58 = arith.constant 48 : i32
    %add3A_59 = arith.addi %arg1, %add3A_58 : i32
    %lt3A_60 = arith.constant 50 : i32
    %lt3A_61 = arith.cmpi slt, %add3A_59, %lt3A_60 : i32
    %convert_element_type3A_62 = arith.extui %lt3A_61 : i1 to i32
    %cond3A_63 = arith.constant 0 : i32
    %cond3A_64 = arith.cmpi ne, %convert_element_type3A_62, %cond3A_63 : i32
    scf.if %cond3A_64 {
      %mul3A_65 = arith.constant 200 : i32
      %mul3A_66 = arith.muli %add3A_59, %mul3A_65 : i32
      "tpu.region"() ({
        %run_scoped3A = tpu.sem_alloc : memref<!tpu.dma_semaphore, #tpu.memory_space<semaphore_mem>>
        %dma_start3A = arith.constant 0 : i32
        %dma_start3A_67 = tpu.memref_slice %arg10[%arg0, %mul3A_66, %dma_start3A] : memref<2x10000x128xf32, #tpu.memory_space<hbm>> -> memref<1x200x128xf32, #tpu.memory_space<hbm>>
        %dma_start3A_68 = tpu.memref_squeeze %dma_start3A_67 : memref<1x200x128xf32, #tpu.memory_space<hbm>> -> memref<200x128xf32, #tpu.memory_space<hbm>>
        %dma_start3A_69 = arith.constant 0 : i32
        %dma_start3A_70 = tpu.memref_slice %arg12[%mul3A_66, %dma_start3A_69] : memref<10000x128xf32, #tpu.memory_space<vmem_shared>> -> memref<200x128xf32, #tpu.memory_space<vmem_shared>>
        tpu.enqueue_dma source(%dma_start3A_70 : memref<200x128xf32, #tpu.memory_space<vmem_shared>>) target(%dma_start3A_68 : memref<200x128xf32, #tpu.memory_space<hbm>>) target_semaphore(%run_scoped3A : memref<!tpu.dma_semaphore, #tpu.memory_space<semaphore_mem>>)
        %dma_wait3A = arith.constant 0 : i32
        %dma_wait3A_71 = tpu.memref_slice %arg10[%arg0, %mul3A_66, %dma_wait3A] : memref<2x10000x128xf32, #tpu.memory_space<hbm>> -> memref<1x200x128xf32, #tpu.memory_space<hbm>>
        %dma_wait3A_72 = tpu.memref_squeeze %dma_wait3A_71 : memref<1x200x128xf32, #tpu.memory_space<hbm>> -> memref<200x128xf32, #tpu.memory_space<hbm>>
        %dma_wait3A_73 = arith.constant 0 : i32
        %dma_wait3A_74 = tpu.memref_slice %arg12[%mul3A_66, %dma_wait3A_73] : memref<10000x128xf32, #tpu.memory_space<vmem_shared>> -> memref<200x128xf32, #tpu.memory_space<vmem_shared>>
        tpu.wait_dma2 semaphore(%run_scoped3A : memref<!tpu.dma_semaphore, #tpu.memory_space<semaphore_mem>>) src(%dma_wait3A_74 : memref<200x128xf32, #tpu.memory_space<vmem_shared>>) dst(%dma_wait3A_72 : memref<200x128xf32, #tpu.memory_space<hbm>>)
        tpu.yield
      }) : () -> ()
    } else {
    }
    return
  }
}

#map = affine_map<(d0, d1) -> (0, 0)>
#map1 = affine_map<(d0, d1) -> (0)>
#map2 = affine_map<(d0, d1) -> (0, 0, 0)>
module attributes {stable_mosaic.version = 14 : i64} {
  func.func @_edge_pass(%arg0: i32, %arg1: i32, %arg2: memref<10000x128xf32, #tpu.memory_space<hbm>>, %arg3: memref<10000x128xf32, #tpu.memory_space<hbm>>, %arg4: memref<8x128xf32, #tpu.memory_space<hbm>>, %arg5: memref<320000xi32, #tpu.memory_space<hbm>>, %arg6: memref<320000xi32, #tpu.memory_space<hbm>>, %arg7: memref<320000xi32, #tpu.memory_space<hbm>>, %arg8: memref<200x128xf32, #tpu.memory_space<hbm>>, %arg9: memref<20000xf32, #tpu.memory_space<hbm>>, %arg10: memref<2x10000x128xf32, #tpu.memory_space<hbm>>, %arg11: memref<2x16x20000xf32, #tpu.memory_space<hbm>>, %arg12: memref<10000x128xf32, #tpu.memory_space<vmem_shared>>, %arg13: memref<20000xf32, #tpu.memory_space<vmem>>, %arg14: memref<8x128xf32, #tpu.memory_space<vmem>>, %arg15: memref<40xi32, #tpu.memory_space<vmem>>, %arg16: memref<40xi32, #tpu.memory_space<vmem>>, %arg17: memref<40xi32, #tpu.memory_space<vmem>>, %arg18: memref<40x128xf32, #tpu.memory_space<vmem>>, %arg19: memref<40x128xf32, #tpu.memory_space<vmem>>, %arg20: memref<40x128xf32, #tpu.memory_space<vmem>>, %arg21: memref<!tpu.dma_semaphore, #tpu.memory_space<semaphore_mem>>, %arg22: memref<!tpu.dma_semaphore, #tpu.memory_space<semaphore_mem>>, %arg23: memref<!tpu.dma_semaphore, #tpu.memory_space<semaphore_mem>>) attributes {dimension_semantics = [#tpu.dimension_semantics<core_parallel>, #tpu.dimension_semantics<subcore_parallel>], iteration_bounds = array<i64: 2, 16>, scalar_prefetch = 0 : i64, scratch_operands = 12 : i64, tpu.core_type = #tpu.core_type<sc_vector_subcore>, window_params = [{transform_indices = #map}, {transform_indices = #map}, {transform_indices = #map}, {transform_indices = #map1}, {transform_indices = #map1}, {transform_indices = #map1}, {transform_indices = #map}, {transform_indices = #map1}, {transform_indices = #map2}, {transform_indices = #map2}]} {
    %add3A = arith.constant 0 : i32
    %add3A_0 = arith.addi %arg1, %add3A : i32
    %lt3A = arith.constant 50 : i32
    %lt3A_1 = arith.cmpi slt, %add3A_0, %lt3A : i32
    %convert_element_type3A = arith.extui %lt3A_1 : i1 to i32
    %cond3A = arith.constant 0 : i32
    %cond3A_2 = arith.cmpi ne, %convert_element_type3A, %cond3A : i32
    scf.if %cond3A_2 {
      %mul3A_65 = arith.constant 200 : i32
      %mul3A_66 = arith.muli %add3A_0, %mul3A_65 : i32
      "tpu.region"() ({
        %run_scoped3A = tpu.sem_alloc : memref<!tpu.dma_semaphore, #tpu.memory_space<semaphore_mem>>
        %dma_start3A = arith.constant 0 : i32
        %dma_start3A_67 = tpu.memref_slice %arg12[%mul3A_66, %dma_start3A] : memref<10000x128xf32, #tpu.memory_space<vmem_shared>> -> memref<200x128xf32, #tpu.memory_space<vmem_shared>>
        tpu.enqueue_dma source(%arg8 : memref<200x128xf32, #tpu.memory_space<hbm>>) target(%dma_start3A_67 : memref<200x128xf32, #tpu.memory_space<vmem_shared>>) target_semaphore(%run_scoped3A : memref<!tpu.dma_semaphore, #tpu.memory_space<semaphore_mem>>)
        %dma_wait3A = arith.constant 0 : i32
        %dma_wait3A_68 = tpu.memref_slice %arg12[%mul3A_66, %dma_wait3A] : memref<10000x128xf32, #tpu.memory_space<vmem_shared>> -> memref<200x128xf32, #tpu.memory_space<vmem_shared>>
        tpu.wait_dma2 semaphore(%run_scoped3A : memref<!tpu.dma_semaphore, #tpu.memory_space<semaphore_mem>>) src(%arg8 : memref<200x128xf32, #tpu.memory_space<hbm>>) dst(%dma_wait3A_68 : memref<200x128xf32, #tpu.memory_space<vmem_shared>>)
        tpu.yield
      }) : () -> ()
    } else {
    }
    %add3A_3 = arith.constant 16 : i32
    %add3A_4 = arith.addi %arg1, %add3A_3 : i32
    %lt3A_5 = arith.constant 50 : i32
    %lt3A_6 = arith.cmpi slt, %add3A_4, %lt3A_5 : i32
    %convert_element_type3A_7 = arith.extui %lt3A_6 : i1 to i32
    %cond3A_8 = arith.constant 0 : i32
    %cond3A_9 = arith.cmpi ne, %convert_element_type3A_7, %cond3A_8 : i32
    scf.if %cond3A_9 {
      %mul3A_65 = arith.constant 200 : i32
      %mul3A_66 = arith.muli %add3A_4, %mul3A_65 : i32
      "tpu.region"() ({
        %run_scoped3A = tpu.sem_alloc : memref<!tpu.dma_semaphore, #tpu.memory_space<semaphore_mem>>
        %dma_start3A = arith.constant 0 : i32
        %dma_start3A_67 = tpu.memref_slice %arg12[%mul3A_66, %dma_start3A] : memref<10000x128xf32, #tpu.memory_space<vmem_shared>> -> memref<200x128xf32, #tpu.memory_space<vmem_shared>>
        tpu.enqueue_dma source(%arg8 : memref<200x128xf32, #tpu.memory_space<hbm>>) target(%dma_start3A_67 : memref<200x128xf32, #tpu.memory_space<vmem_shared>>) target_semaphore(%run_scoped3A : memref<!tpu.dma_semaphore, #tpu.memory_space<semaphore_mem>>)
        %dma_wait3A = arith.constant 0 : i32
        %dma_wait3A_68 = tpu.memref_slice %arg12[%mul3A_66, %dma_wait3A] : memref<10000x128xf32, #tpu.memory_space<vmem_shared>> -> memref<200x128xf32, #tpu.memory_space<vmem_shared>>
        tpu.wait_dma2 semaphore(%run_scoped3A : memref<!tpu.dma_semaphore, #tpu.memory_space<semaphore_mem>>) src(%arg8 : memref<200x128xf32, #tpu.memory_space<hbm>>) dst(%dma_wait3A_68 : memref<200x128xf32, #tpu.memory_space<vmem_shared>>)
        tpu.yield
      }) : () -> ()
    } else {
    }
    %add3A_10 = arith.constant 32 : i32
    %add3A_11 = arith.addi %arg1, %add3A_10 : i32
    %lt3A_12 = arith.constant 50 : i32
    %lt3A_13 = arith.cmpi slt, %add3A_11, %lt3A_12 : i32
    %convert_element_type3A_14 = arith.extui %lt3A_13 : i1 to i32
    %cond3A_15 = arith.constant 0 : i32
    %cond3A_16 = arith.cmpi ne, %convert_element_type3A_14, %cond3A_15 : i32
    scf.if %cond3A_16 {
      %mul3A_65 = arith.constant 200 : i32
      %mul3A_66 = arith.muli %add3A_11, %mul3A_65 : i32
      "tpu.region"() ({
        %run_scoped3A = tpu.sem_alloc : memref<!tpu.dma_semaphore, #tpu.memory_space<semaphore_mem>>
        %dma_start3A = arith.constant 0 : i32
        %dma_start3A_67 = tpu.memref_slice %arg12[%mul3A_66, %dma_start3A] : memref<10000x128xf32, #tpu.memory_space<vmem_shared>> -> memref<200x128xf32, #tpu.memory_space<vmem_shared>>
        tpu.enqueue_dma source(%arg8 : memref<200x128xf32, #tpu.memory_space<hbm>>) target(%dma_start3A_67 : memref<200x128xf32, #tpu.memory_space<vmem_shared>>) target_semaphore(%run_scoped3A : memref<!tpu.dma_semaphore, #tpu.memory_space<semaphore_mem>>)
        %dma_wait3A = arith.constant 0 : i32
        %dma_wait3A_68 = tpu.memref_slice %arg12[%mul3A_66, %dma_wait3A] : memref<10000x128xf32, #tpu.memory_space<vmem_shared>> -> memref<200x128xf32, #tpu.memory_space<vmem_shared>>
        tpu.wait_dma2 semaphore(%run_scoped3A : memref<!tpu.dma_semaphore, #tpu.memory_space<semaphore_mem>>) src(%arg8 : memref<200x128xf32, #tpu.memory_space<hbm>>) dst(%dma_wait3A_68 : memref<200x128xf32, #tpu.memory_space<vmem_shared>>)
        tpu.yield
      }) : () -> ()
    } else {
    }
    %add3A_17 = arith.constant 48 : i32
    %add3A_18 = arith.addi %arg1, %add3A_17 : i32
    %lt3A_19 = arith.constant 50 : i32
    %lt3A_20 = arith.cmpi slt, %add3A_18, %lt3A_19 : i32
    %convert_element_type3A_21 = arith.extui %lt3A_20 : i1 to i32
    %cond3A_22 = arith.constant 0 : i32
    %cond3A_23 = arith.cmpi ne, %convert_element_type3A_21, %cond3A_22 : i32
    scf.if %cond3A_23 {
      %mul3A_65 = arith.constant 200 : i32
      %mul3A_66 = arith.muli %add3A_18, %mul3A_65 : i32
      "tpu.region"() ({
        %run_scoped3A = tpu.sem_alloc : memref<!tpu.dma_semaphore, #tpu.memory_space<semaphore_mem>>
        %dma_start3A = arith.constant 0 : i32
        %dma_start3A_67 = tpu.memref_slice %arg12[%mul3A_66, %dma_start3A] : memref<10000x128xf32, #tpu.memory_space<vmem_shared>> -> memref<200x128xf32, #tpu.memory_space<vmem_shared>>
        tpu.enqueue_dma source(%arg8 : memref<200x128xf32, #tpu.memory_space<hbm>>) target(%dma_start3A_67 : memref<200x128xf32, #tpu.memory_space<vmem_shared>>) target_semaphore(%run_scoped3A : memref<!tpu.dma_semaphore, #tpu.memory_space<semaphore_mem>>)
        %dma_wait3A = arith.constant 0 : i32
        %dma_wait3A_68 = tpu.memref_slice %arg12[%mul3A_66, %dma_wait3A] : memref<10000x128xf32, #tpu.memory_space<vmem_shared>> -> memref<200x128xf32, #tpu.memory_space<vmem_shared>>
        tpu.wait_dma2 semaphore(%run_scoped3A : memref<!tpu.dma_semaphore, #tpu.memory_space<semaphore_mem>>) src(%arg8 : memref<200x128xf32, #tpu.memory_space<hbm>>) dst(%dma_wait3A_68 : memref<200x128xf32, #tpu.memory_space<vmem_shared>>)
        tpu.yield
      }) : () -> ()
    } else {
    }
    "tpu.region"() ({
      %run_scoped3A = tpu.sem_alloc : memref<!tpu.dma_semaphore, #tpu.memory_space<semaphore_mem>>
      tpu.enqueue_dma source(%arg9 : memref<20000xf32, #tpu.memory_space<hbm>>) target(%arg13 : memref<20000xf32, #tpu.memory_space<vmem>>) target_semaphore(%run_scoped3A : memref<!tpu.dma_semaphore, #tpu.memory_space<semaphore_mem>>)
      tpu.wait_dma2 semaphore(%run_scoped3A : memref<!tpu.dma_semaphore, #tpu.memory_space<semaphore_mem>>) src(%arg9 : memref<20000xf32, #tpu.memory_space<hbm>>) dst(%arg13 : memref<20000xf32, #tpu.memory_space<vmem>>)
      tpu.yield
    }) : () -> ()
    "tpu.region"() ({
      %run_scoped3A = tpu.sem_alloc : memref<!tpu.dma_semaphore, #tpu.memory_space<semaphore_mem>>
      tpu.enqueue_dma source(%arg4 : memref<8x128xf32, #tpu.memory_space<hbm>>) target(%arg14 : memref<8x128xf32, #tpu.memory_space<vmem>>) target_semaphore(%run_scoped3A : memref<!tpu.dma_semaphore, #tpu.memory_space<semaphore_mem>>)
      tpu.wait_dma2 semaphore(%run_scoped3A : memref<!tpu.dma_semaphore, #tpu.memory_space<semaphore_mem>>) src(%arg4 : memref<8x128xf32, #tpu.memory_space<hbm>>) dst(%arg14 : memref<8x128xf32, #tpu.memory_space<vmem>>)
      tpu.yield
    }) : () -> ()
    %barrier3A = arith.constant 0 : index
    tpu.barrier barrier_id(%barrier3A)
    %mul3A = arith.constant 2 : i32
    %mul3A_24 = arith.muli %arg1, %mul3A : i32
    %add3A_25 = arith.addi %mul3A_24, %arg0 : i32
    %iota3A = tpu.iota {dimensions = array<i32: 0>} : vector<16xi32>
    %lt3A_26 = arith.constant 2 : i32
    %lt3A_27 = vector.broadcast %lt3A_26 : i32 to vector<16xi32>
    %lt3A_28 = arith.cmpi slt, %iota3A, %lt3A_27 : vector<16xi32>
    %min3A = arith.constant 1 : i32
    %min3A_29 = vector.broadcast %min3A : i32 to vector<16xi32>
    %min3A_30 = arith.minsi %iota3A, %min3A_29 : vector<16xi32>
    %scan3A = arith.constant 0 : i32
    %scan3A_31 = arith.constant 0 : i32
    %scan3A_32 = arith.constant 250 : i32
    %scan3A_33 = arith.addi %scan3A_31, %scan3A_32 : i32
    %scan3A_34 = arith.constant 1 : i32
    scf.for %scan3A_65 = %scan3A_31 to %scan3A_33 step %scan3A_34  : i32 {
      %mul3A_66 = arith.constant 10000 : i32
      %mul3A_67 = arith.muli %add3A_25, %mul3A_66 : i32
      %mul3A_68 = arith.constant 40 : i32
      %mul3A_69 = arith.muli %scan3A_65, %mul3A_68 : i32
      %add3A_70 = arith.addi %mul3A_67, %mul3A_69 : i32
      %multiple_of3A = tpu.assume_multiple %add3A_70, 8 : i32
      %dma_start3A = tpu.memref_slice %arg5[%multiple_of3A] : memref<320000xi32, #tpu.memory_space<hbm>> -> memref<40xi32, #tpu.memory_space<hbm>>
      %dma_start3A_71 = tpu.memref_slice %arg5[%multiple_of3A] : memref<320000xi32, #tpu.memory_space<hbm>> -> memref<40xi32, #tpu.memory_space<hbm>>
      tpu.enqueue_dma source(%dma_start3A_71 : memref<40xi32, #tpu.memory_space<hbm>>) target(%arg15 : memref<40xi32, #tpu.memory_space<vmem>>) target_semaphore(%arg21 : memref<!tpu.dma_semaphore, #tpu.memory_space<semaphore_mem>>)
      %dma_start3A_72 = tpu.memref_slice %arg6[%multiple_of3A] : memref<320000xi32, #tpu.memory_space<hbm>> -> memref<40xi32, #tpu.memory_space<hbm>>
      %dma_start3A_73 = tpu.memref_slice %arg6[%multiple_of3A] : memref<320000xi32, #tpu.memory_space<hbm>> -> memref<40xi32, #tpu.memory_space<hbm>>
      tpu.enqueue_dma source(%dma_start3A_73 : memref<40xi32, #tpu.memory_space<hbm>>) target(%arg16 : memref<40xi32, #tpu.memory_space<vmem>>) target_semaphore(%arg22 : memref<!tpu.dma_semaphore, #tpu.memory_space<semaphore_mem>>)
      %dma_start3A_74 = tpu.memref_slice %arg7[%multiple_of3A] : memref<320000xi32, #tpu.memory_space<hbm>> -> memref<40xi32, #tpu.memory_space<hbm>>
      %dma_start3A_75 = tpu.memref_slice %arg7[%multiple_of3A] : memref<320000xi32, #tpu.memory_space<hbm>> -> memref<40xi32, #tpu.memory_space<hbm>>
      tpu.enqueue_dma source(%dma_start3A_75 : memref<40xi32, #tpu.memory_space<hbm>>) target(%arg17 : memref<40xi32, #tpu.memory_space<vmem>>) target_semaphore(%arg23 : memref<!tpu.dma_semaphore, #tpu.memory_space<semaphore_mem>>)
      %dma_wait3A = tpu.memref_slice %arg5[%multiple_of3A] : memref<320000xi32, #tpu.memory_space<hbm>> -> memref<40xi32, #tpu.memory_space<hbm>>
      %dma_wait3A_76 = tpu.memref_slice %arg5[%multiple_of3A] : memref<320000xi32, #tpu.memory_space<hbm>> -> memref<40xi32, #tpu.memory_space<hbm>>
      tpu.wait_dma2 semaphore(%arg21 : memref<!tpu.dma_semaphore, #tpu.memory_space<semaphore_mem>>) src(%dma_wait3A_76 : memref<40xi32, #tpu.memory_space<hbm>>) dst(%arg15 : memref<40xi32, #tpu.memory_space<vmem>>)
      %dma_wait3A_77 = tpu.memref_slice %arg6[%multiple_of3A] : memref<320000xi32, #tpu.memory_space<hbm>> -> memref<40xi32, #tpu.memory_space<hbm>>
      %dma_wait3A_78 = tpu.memref_slice %arg6[%multiple_of3A] : memref<320000xi32, #tpu.memory_space<hbm>> -> memref<40xi32, #tpu.memory_space<hbm>>
      tpu.wait_dma2 semaphore(%arg22 : memref<!tpu.dma_semaphore, #tpu.memory_space<semaphore_mem>>) src(%dma_wait3A_78 : memref<40xi32, #tpu.memory_space<hbm>>) dst(%arg16 : memref<40xi32, #tpu.memory_space<vmem>>)
      %dma_wait3A_79 = tpu.memref_slice %arg7[%multiple_of3A] : memref<320000xi32, #tpu.memory_space<hbm>> -> memref<40xi32, #tpu.memory_space<hbm>>
      %dma_wait3A_80 = tpu.memref_slice %arg7[%multiple_of3A] : memref<320000xi32, #tpu.memory_space<hbm>> -> memref<40xi32, #tpu.memory_space<hbm>>
      tpu.wait_dma2 semaphore(%arg23 : memref<!tpu.dma_semaphore, #tpu.memory_space<semaphore_mem>>) src(%dma_wait3A_80 : memref<40xi32, #tpu.memory_space<hbm>>) dst(%arg17 : memref<40xi32, #tpu.memory_space<vmem>>)
      %dma_start3A_81 = arith.constant 0 : i32
      %dma_start3A_82 = arith.constant 0 : i32
      %dma_start3A_83 = tpu.memref_slice %arg2[%dma_start3A_81, %dma_start3A_82] : memref<10000x128xf32, #tpu.memory_space<hbm>> -> memref<10000x128xf32, #tpu.memory_space<hbm>>
      tpu.enqueue_indirect_dma source(%dma_start3A_83 : memref<10000x128xf32, #tpu.memory_space<hbm>>) target(%arg18 : memref<40x128xf32, #tpu.memory_space<vmem>>) offsets(%arg15 : memref<40xi32, #tpu.memory_space<vmem>>) semaphore(%arg21 : memref<!tpu.dma_semaphore, #tpu.memory_space<semaphore_mem>>)
      %dma_start3A_84 = arith.constant 0 : i32
      %dma_start3A_85 = arith.constant 0 : i32
      %dma_start3A_86 = tpu.memref_slice %arg2[%dma_start3A_84, %dma_start3A_85] : memref<10000x128xf32, #tpu.memory_space<hbm>> -> memref<10000x128xf32, #tpu.memory_space<hbm>>
      tpu.enqueue_indirect_dma source(%dma_start3A_86 : memref<10000x128xf32, #tpu.memory_space<hbm>>) target(%arg19 : memref<40x128xf32, #tpu.memory_space<vmem>>) offsets(%arg16 : memref<40xi32, #tpu.memory_space<vmem>>) semaphore(%arg22 : memref<!tpu.dma_semaphore, #tpu.memory_space<semaphore_mem>>)
      %dma_start3A_87 = arith.constant 0 : i32
      %dma_start3A_88 = arith.constant 0 : i32
      %dma_start3A_89 = tpu.memref_slice %arg3[%dma_start3A_87, %dma_start3A_88] : memref<10000x128xf32, #tpu.memory_space<hbm>> -> memref<10000x128xf32, #tpu.memory_space<hbm>>
      tpu.enqueue_indirect_dma source(%dma_start3A_89 : memref<10000x128xf32, #tpu.memory_space<hbm>>) target(%arg20 : memref<40x128xf32, #tpu.memory_space<vmem>>) offsets(%arg16 : memref<40xi32, #tpu.memory_space<vmem>>) semaphore(%arg23 : memref<!tpu.dma_semaphore, #tpu.memory_space<semaphore_mem>>)
      %dma_wait3A_90 = arith.constant 0 : i32
      %dma_wait3A_91 = arith.constant 0 : i32
      %dma_wait3A_92 = tpu.memref_slice %arg2[%dma_wait3A_90, %dma_wait3A_91] : memref<10000x128xf32, #tpu.memory_space<hbm>> -> memref<10000x128xf32, #tpu.memory_space<hbm>>
      tpu.wait_indirect_dma semaphore(%arg21 : memref<!tpu.dma_semaphore, #tpu.memory_space<semaphore_mem>>) src(%dma_wait3A_92 : memref<10000x128xf32, #tpu.memory_space<hbm>>) dst(%arg18 : memref<40x128xf32, #tpu.memory_space<vmem>>)
      %dma_wait3A_93 = arith.constant 0 : i32
      %dma_wait3A_94 = arith.constant 0 : i32
      %dma_wait3A_95 = tpu.memref_slice %arg2[%dma_wait3A_93, %dma_wait3A_94] : memref<10000x128xf32, #tpu.memory_space<hbm>> -> memref<10000x128xf32, #tpu.memory_space<hbm>>
      tpu.wait_indirect_dma semaphore(%arg22 : memref<!tpu.dma_semaphore, #tpu.memory_space<semaphore_mem>>) src(%dma_wait3A_95 : memref<10000x128xf32, #tpu.memory_space<hbm>>) dst(%arg19 : memref<40x128xf32, #tpu.memory_space<vmem>>)
      %dma_wait3A_96 = arith.constant 0 : i32
      %dma_wait3A_97 = arith.constant 0 : i32
      %dma_wait3A_98 = tpu.memref_slice %arg3[%dma_wait3A_96, %dma_wait3A_97] : memref<10000x128xf32, #tpu.memory_space<hbm>> -> memref<10000x128xf32, #tpu.memory_space<hbm>>
      tpu.wait_indirect_dma semaphore(%arg23 : memref<!tpu.dma_semaphore, #tpu.memory_space<semaphore_mem>>) src(%dma_wait3A_98 : memref<10000x128xf32, #tpu.memory_space<hbm>>) dst(%arg20 : memref<40x128xf32, #tpu.memory_space<vmem>>)
      %scan3A_99 = arith.constant 0 : i32
      %scan3A_100 = arith.constant 0 : i32
      %scan3A_101 = arith.constant 40 : i32
      %scan3A_102 = arith.addi %scan3A_100, %scan3A_101 : i32
      %scan3A_103 = arith.constant 1 : i32
      scf.for %scan3A_105 = %scan3A_100 to %scan3A_102 step %scan3A_103  : i32 {
        %broadcast_in_dim3A = vector.broadcast %scan3A_105 : i32 to vector<16xi32>
        %gather3A = tpu.vector_load_idx %arg17[%broadcast_in_dim3A] : memref<40xi32, #tpu.memory_space<vmem>>[vector<16xi32>], vector<16xi32>,
        %gather3A_106 = tpu.vector_load_idx %arg15[%broadcast_in_dim3A] : memref<40xi32, #tpu.memory_space<vmem>>[vector<16xi32>], vector<16xi32>,
        %broadcast_in_dim3A_107 = arith.constant 0.000000e+00 : f32
        %broadcast_in_dim3A_108 = vector.broadcast %broadcast_in_dim3A_107 : f32 to vector<16xf32>
        %broadcast_in_dim3A_109 = arith.constant 0.000000e+00 : f32
        %broadcast_in_dim3A_110 = vector.broadcast %broadcast_in_dim3A_109 : f32 to vector<16xf32>
        %get3A = arith.index_cast %scan3A_105 : i32 to index
        %get3A_111 = arith.constant 0 : index
        %get3A_112 = tpu.vector_load %arg18[%get3A, %get3A_111] {strides = array<i32>} : memref<40x128xf32, #tpu.memory_space<vmem>>, vector<16xf32>,
        %get3A_113 = arith.index_cast %scan3A_105 : i32 to index
        %get3A_114 = arith.constant 0 : index
        %get3A_115 = tpu.vector_load %arg19[%get3A_113, %get3A_114] {strides = array<i32>} : memref<40x128xf32, #tpu.memory_space<vmem>>, vector<16xf32>,
        %get3A_116 = arith.index_cast %scan3A_105 : i32 to index
        %get3A_117 = arith.constant 0 : index
        %get3A_118 = tpu.vector_load %arg20[%get3A_116, %get3A_117] {strides = array<i32>} : memref<40x128xf32, #tpu.memory_space<vmem>>, vector<16xf32>,
        %add3A_119 = arith.constant 0 : i32
        %add3A_120 = vector.broadcast %add3A_119 : i32 to vector<16xi32>
        %add3A_121 = arith.addi %iota3A, %add3A_120 : vector<16xi32>
        %gather3A_122 = tpu.vector_load_idx %arg14[%gather3A, %add3A_121] : memref<8x128xf32, #tpu.memory_space<vmem>>[vector<16xi32>, vector<16xi32>], vector<16xf32>,
        %mul3A_123 = arith.mulf %get3A_115, %gather3A_122 : vector<16xf32>
        %mul3A_124 = arith.mulf %get3A_112, %mul3A_123 : vector<16xf32>
        %add3A_125 = arith.addf %broadcast_in_dim3A_108, %mul3A_124 : vector<16xf32>
        %mul3A_126 = arith.mulf %get3A_118, %gather3A_122 : vector<16xf32>
        %get3A_127 = arith.index_cast %scan3A_105 : i32 to index
        %get3A_128 = arith.constant 16 : index
        %get3A_129 = tpu.vector_load %arg18[%get3A_127, %get3A_128] {strides = array<i32>} : memref<40x128xf32, #tpu.memory_space<vmem>>, vector<16xf32>,
        %get3A_130 = arith.index_cast %scan3A_105 : i32 to index
        %get3A_131 = arith.constant 16 : index
        %get3A_132 = tpu.vector_load %arg19[%get3A_130, %get3A_131] {strides = array<i32>} : memref<40x128xf32, #tpu.memory_space<vmem>>, vector<16xf32>,
        %get3A_133 = arith.index_cast %scan3A_105 : i32 to index
        %get3A_134 = arith.constant 16 : index
        %get3A_135 = tpu.vector_load %arg20[%get3A_133, %get3A_134] {strides = array<i32>} : memref<40x128xf32, #tpu.memory_space<vmem>>, vector<16xf32>,
        %add3A_136 = arith.constant 16 : i32
        %add3A_137 = vector.broadcast %add3A_136 : i32 to vector<16xi32>
        %add3A_138 = arith.addi %iota3A, %add3A_137 : vector<16xi32>
        %gather3A_139 = tpu.vector_load_idx %arg14[%gather3A, %add3A_138] : memref<8x128xf32, #tpu.memory_space<vmem>>[vector<16xi32>, vector<16xi32>], vector<16xf32>,
        %mul3A_140 = arith.mulf %get3A_132, %gather3A_139 : vector<16xf32>
        %mul3A_141 = arith.mulf %get3A_129, %mul3A_140 : vector<16xf32>
        %add3A_142 = arith.addf %add3A_125, %mul3A_141 : vector<16xf32>
        %mul3A_143 = arith.mulf %get3A_135, %gather3A_139 : vector<16xf32>
        %get3A_144 = arith.index_cast %scan3A_105 : i32 to index
        %get3A_145 = arith.constant 32 : index
        %get3A_146 = tpu.vector_load %arg18[%get3A_144, %get3A_145] {strides = array<i32>} : memref<40x128xf32, #tpu.memory_space<vmem>>, vector<16xf32>,
        %get3A_147 = arith.index_cast %scan3A_105 : i32 to index
        %get3A_148 = arith.constant 32 : index
        %get3A_149 = tpu.vector_load %arg19[%get3A_147, %get3A_148] {strides = array<i32>} : memref<40x128xf32, #tpu.memory_space<vmem>>, vector<16xf32>,
        %get3A_150 = arith.index_cast %scan3A_105 : i32 to index
        %get3A_151 = arith.constant 32 : index
        %get3A_152 = tpu.vector_load %arg20[%get3A_150, %get3A_151] {strides = array<i32>} : memref<40x128xf32, #tpu.memory_space<vmem>>, vector<16xf32>,
        %add3A_153 = arith.constant 32 : i32
        %add3A_154 = vector.broadcast %add3A_153 : i32 to vector<16xi32>
        %add3A_155 = arith.addi %iota3A, %add3A_154 : vector<16xi32>
        %gather3A_156 = tpu.vector_load_idx %arg14[%gather3A, %add3A_155] : memref<8x128xf32, #tpu.memory_space<vmem>>[vector<16xi32>, vector<16xi32>], vector<16xf32>,
        %mul3A_157 = arith.mulf %get3A_149, %gather3A_156 : vector<16xf32>
        %mul3A_158 = arith.mulf %get3A_146, %mul3A_157 : vector<16xf32>
        %add3A_159 = arith.addf %add3A_142, %mul3A_158 : vector<16xf32>
        %mul3A_160 = arith.mulf %get3A_152, %gather3A_156 : vector<16xf32>
        %get3A_161 = arith.index_cast %scan3A_105 : i32 to index
        %get3A_162 = arith.constant 48 : index
        %get3A_163 = tpu.vector_load %arg18[%get3A_161, %get3A_162] {strides = array<i32>} : memref<40x128xf32, #tpu.memory_space<vmem>>, vector<16xf32>,
        %get3A_164 = arith.index_cast %scan3A_105 : i32 to index
        %get3A_165 = arith.constant 48 : index
        %get3A_166 = tpu.vector_load %arg19[%get3A_164, %get3A_165] {strides = array<i32>} : memref<40x128xf32, #tpu.memory_space<vmem>>, vector<16xf32>,
        %get3A_167 = arith.index_cast %scan3A_105 : i32 to index
        %get3A_168 = arith.constant 48 : index
        %get3A_169 = tpu.vector_load %arg20[%get3A_167, %get3A_168] {strides = array<i32>} : memref<40x128xf32, #tpu.memory_space<vmem>>, vector<16xf32>,
        %add3A_170 = arith.constant 48 : i32
        %add3A_171 = vector.broadcast %add3A_170 : i32 to vector<16xi32>
        %add3A_172 = arith.addi %iota3A, %add3A_171 : vector<16xi32>
        %gather3A_173 = tpu.vector_load_idx %arg14[%gather3A, %add3A_172] : memref<8x128xf32, #tpu.memory_space<vmem>>[vector<16xi32>, vector<16xi32>], vector<16xf32>,
        %mul3A_174 = arith.mulf %get3A_166, %gather3A_173 : vector<16xf32>
        %mul3A_175 = arith.mulf %get3A_163, %mul3A_174 : vector<16xf32>
        %add3A_176 = arith.addf %add3A_159, %mul3A_175 : vector<16xf32>
        %mul3A_177 = arith.mulf %get3A_169, %gather3A_173 : vector<16xf32>
        %get3A_178 = arith.index_cast %scan3A_105 : i32 to index
        %get3A_179 = arith.constant 64 : index
        %get3A_180 = tpu.vector_load %arg18[%get3A_178, %get3A_179] {strides = array<i32>} : memref<40x128xf32, #tpu.memory_space<vmem>>, vector<16xf32>,
        %get3A_181 = arith.index_cast %scan3A_105 : i32 to index
        %get3A_182 = arith.constant 64 : index
        %get3A_183 = tpu.vector_load %arg19[%get3A_181, %get3A_182] {strides = array<i32>} : memref<40x128xf32, #tpu.memory_space<vmem>>, vector<16xf32>,
        %get3A_184 = arith.index_cast %scan3A_105 : i32 to index
        %get3A_185 = arith.constant 64 : index
        %get3A_186 = tpu.vector_load %arg20[%get3A_184, %get3A_185] {strides = array<i32>} : memref<40x128xf32, #tpu.memory_space<vmem>>, vector<16xf32>,
        %add3A_187 = arith.constant 64 : i32
        %add3A_188 = vector.broadcast %add3A_187 : i32 to vector<16xi32>
        %add3A_189 = arith.addi %iota3A, %add3A_188 : vector<16xi32>
        %gather3A_190 = tpu.vector_load_idx %arg14[%gather3A, %add3A_189] : memref<8x128xf32, #tpu.memory_space<vmem>>[vector<16xi32>, vector<16xi32>], vector<16xf32>,
        %mul3A_191 = arith.mulf %get3A_183, %gather3A_190 : vector<16xf32>
        %mul3A_192 = arith.mulf %get3A_180, %mul3A_191 : vector<16xf32>
        %add3A_193 = arith.addf %broadcast_in_dim3A_110, %mul3A_192 : vector<16xf32>
        %mul3A_194 = arith.mulf %get3A_186, %gather3A_190 : vector<16xf32>
        %get3A_195 = arith.index_cast %scan3A_105 : i32 to index
        %get3A_196 = arith.constant 80 : index
        %get3A_197 = tpu.vector_load %arg18[%get3A_195, %get3A_196] {strides = array<i32>} : memref<40x128xf32, #tpu.memory_space<vmem>>, vector<16xf32>,
        %get3A_198 = arith.index_cast %scan3A_105 : i32 to index
        %get3A_199 = arith.constant 80 : index
        %get3A_200 = tpu.vector_load %arg19[%get3A_198, %get3A_199] {strides = array<i32>} : memref<40x128xf32, #tpu.memory_space<vmem>>, vector<16xf32>,
        %get3A_201 = arith.index_cast %scan3A_105 : i32 to index
        %get3A_202 = arith.constant 80 : index
        %get3A_203 = tpu.vector_load %arg20[%get3A_201, %get3A_202] {strides = array<i32>} : memref<40x128xf32, #tpu.memory_space<vmem>>, vector<16xf32>,
        %add3A_204 = arith.constant 80 : i32
        %add3A_205 = vector.broadcast %add3A_204 : i32 to vector<16xi32>
        %add3A_206 = arith.addi %iota3A, %add3A_205 : vector<16xi32>
        %gather3A_207 = tpu.vector_load_idx %arg14[%gather3A, %add3A_206] : memref<8x128xf32, #tpu.memory_space<vmem>>[vector<16xi32>, vector<16xi32>], vector<16xf32>,
        %mul3A_208 = arith.mulf %get3A_200, %gather3A_207 : vector<16xf32>
        %mul3A_209 = arith.mulf %get3A_197, %mul3A_208 : vector<16xf32>
        %add3A_210 = arith.addf %add3A_193, %mul3A_209 : vector<16xf32>
        %mul3A_211 = arith.mulf %get3A_203, %gather3A_207 : vector<16xf32>
        %get3A_212 = arith.index_cast %scan3A_105 : i32 to index
        %get3A_213 = arith.constant 96 : index
        %get3A_214 = tpu.vector_load %arg18[%get3A_212, %get3A_213] {strides = array<i32>} : memref<40x128xf32, #tpu.memory_space<vmem>>, vector<16xf32>,
        %get3A_215 = arith.index_cast %scan3A_105 : i32 to index
        %get3A_216 = arith.constant 96 : index
        %get3A_217 = tpu.vector_load %arg19[%get3A_215, %get3A_216] {strides = array<i32>} : memref<40x128xf32, #tpu.memory_space<vmem>>, vector<16xf32>,
        %get3A_218 = arith.index_cast %scan3A_105 : i32 to index
        %get3A_219 = arith.constant 96 : index
        %get3A_220 = tpu.vector_load %arg20[%get3A_218, %get3A_219] {strides = array<i32>} : memref<40x128xf32, #tpu.memory_space<vmem>>, vector<16xf32>,
        %add3A_221 = arith.constant 96 : i32
        %add3A_222 = vector.broadcast %add3A_221 : i32 to vector<16xi32>
        %add3A_223 = arith.addi %iota3A, %add3A_222 : vector<16xi32>
        %gather3A_224 = tpu.vector_load_idx %arg14[%gather3A, %add3A_223] : memref<8x128xf32, #tpu.memory_space<vmem>>[vector<16xi32>, vector<16xi32>], vector<16xf32>,
        %mul3A_225 = arith.mulf %get3A_217, %gather3A_224 : vector<16xf32>
        %mul3A_226 = arith.mulf %get3A_214, %mul3A_225 : vector<16xf32>
        %add3A_227 = arith.addf %add3A_210, %mul3A_226 : vector<16xf32>
        %mul3A_228 = arith.mulf %get3A_220, %gather3A_224 : vector<16xf32>
        %get3A_229 = arith.index_cast %scan3A_105 : i32 to index
        %get3A_230 = arith.constant 112 : index
        %get3A_231 = tpu.vector_load %arg18[%get3A_229, %get3A_230] {strides = array<i32>} : memref<40x128xf32, #tpu.memory_space<vmem>>, vector<16xf32>,
        %get3A_232 = arith.index_cast %scan3A_105 : i32 to index
        %get3A_233 = arith.constant 112 : index
        %get3A_234 = tpu.vector_load %arg19[%get3A_232, %get3A_233] {strides = array<i32>} : memref<40x128xf32, #tpu.memory_space<vmem>>, vector<16xf32>,
        %get3A_235 = arith.index_cast %scan3A_105 : i32 to index
        %get3A_236 = arith.constant 112 : index
        %get3A_237 = tpu.vector_load %arg20[%get3A_235, %get3A_236] {strides = array<i32>} : memref<40x128xf32, #tpu.memory_space<vmem>>, vector<16xf32>,
        %add3A_238 = arith.constant 112 : i32
        %add3A_239 = vector.broadcast %add3A_238 : i32 to vector<16xi32>
        %add3A_240 = arith.addi %iota3A, %add3A_239 : vector<16xi32>
        %gather3A_241 = tpu.vector_load_idx %arg14[%gather3A, %add3A_240] : memref<8x128xf32, #tpu.memory_space<vmem>>[vector<16xi32>, vector<16xi32>], vector<16xf32>,
        %mul3A_242 = arith.mulf %get3A_234, %gather3A_241 : vector<16xf32>
        %mul3A_243 = arith.mulf %get3A_231, %mul3A_242 : vector<16xf32>
        %add3A_244 = arith.addf %add3A_227, %mul3A_243 : vector<16xf32>
        %mul3A_245 = arith.mulf %get3A_237, %gather3A_241 : vector<16xf32>
        %reduce_sum3A = arith.constant true
        %reduce_sum3A_246 = vector.broadcast %reduce_sum3A : i1 to vector<16xi1>
        %reduce_sum3A_247 = tpu.scan <sum>, %add3A_176 masked %reduce_sum3A_246 : vector<16xf32>, vector<16xi1> -> vector<16xf32>
        %reduce_sum3A_248 = vector.extract %reduce_sum3A_247[15] : f32 from vector<16xf32>
        %mul3A_249 = arith.constant 1.250000e-01 : f32
        %mul3A_250 = arith.mulf %reduce_sum3A_248, %mul3A_249 : f32
        %reduce_sum3A_251 = arith.constant true
        %reduce_sum3A_252 = vector.broadcast %reduce_sum3A_251 : i1 to vector<16xi1>
        %reduce_sum3A_253 = tpu.scan <sum>, %add3A_244 masked %reduce_sum3A_252 : vector<16xf32>, vector<16xi1> -> vector<16xf32>
        %reduce_sum3A_254 = vector.extract %reduce_sum3A_253[15] : f32 from vector<16xf32>
        %mul3A_255 = arith.constant 1.250000e-01 : f32
        %mul3A_256 = arith.mulf %reduce_sum3A_254, %mul3A_255 : f32
        %broadcast_in_dim3A_257 = vector.broadcast %mul3A_250 : f32 to vector<16xf32>
        %exp3A = math.exp %broadcast_in_dim3A_257 : vector<16xf32>
        %broadcast_in_dim3A_258 = vector.broadcast %mul3A_256 : f32 to vector<16xf32>
        %exp3A_259 = math.exp %broadcast_in_dim3A_258 : vector<16xf32>
        %mul3A_260 = arith.constant 2 : i32
        %mul3A_261 = vector.broadcast %mul3A_260 : i32 to vector<16xi32>
        %mul3A_262 = arith.muli %gather3A_106, %mul3A_261 : vector<16xi32>
        %add3A_263 = arith.addi %mul3A_262, %min3A_30 : vector<16xi32>
        %eq3A = arith.constant 0 : i32
        %eq3A_264 = vector.broadcast %eq3A : i32 to vector<16xi32>
        %eq3A_265 = arith.cmpi eq, %iota3A, %eq3A_264 : vector<16xi32>
        %select_n3A = arith.select %eq3A_265, %exp3A, %exp3A_259 : vector<16xi1>, vector<16xf32>
        tpu.vector_store_idx %arg13[%add3A_263], %select_n3A masked %lt3A_28 {add = true} : memref<20000xf32, #tpu.memory_space<vmem>>[vector<16xi32>], vector<16xf32>, vector<16xi1>
        %mul3A_266 = arith.mulf %mul3A_126, %exp3A : vector<16xf32>
        %swap3A = arith.index_cast %scan3A_105 : i32 to index
        %swap3A_267 = arith.constant 0 : index
        %swap3A_268 = tpu.vector_load %arg20[%swap3A, %swap3A_267] {strides = array<i32>} : memref<40x128xf32, #tpu.memory_space<vmem>>, vector<16xf32>,
        tpu.vector_store %arg20[%swap3A, %swap3A_267], %mul3A_266 {strides = array<i32>} : memref<40x128xf32, #tpu.memory_space<vmem>>, vector<16xf32>,
        %mul3A_269 = arith.mulf %mul3A_143, %exp3A : vector<16xf32>
        %swap3A_270 = arith.index_cast %scan3A_105 : i32 to index
        %swap3A_271 = arith.constant 16 : index
        %swap3A_272 = tpu.vector_load %arg20[%swap3A_270, %swap3A_271] {strides = array<i32>} : memref<40x128xf32, #tpu.memory_space<vmem>>, vector<16xf32>,
        tpu.vector_store %arg20[%swap3A_270, %swap3A_271], %mul3A_269 {strides = array<i32>} : memref<40x128xf32, #tpu.memory_space<vmem>>, vector<16xf32>,
        %mul3A_273 = arith.mulf %mul3A_160, %exp3A : vector<16xf32>
        %swap3A_274 = arith.index_cast %scan3A_105 : i32 to index
        %swap3A_275 = arith.constant 32 : index
        %swap3A_276 = tpu.vector_load %arg20[%swap3A_274, %swap3A_275] {strides = array<i32>} : memref<40x128xf32, #tpu.memory_space<vmem>>, vector<16xf32>,
        tpu.vector_store %arg20[%swap3A_274, %swap3A_275], %mul3A_273 {strides = array<i32>} : memref<40x128xf32, #tpu.memory_space<vmem>>, vector<16xf32>,
        %mul3A_277 = arith.mulf %mul3A_177, %exp3A : vector<16xf32>
        %swap3A_278 = arith.index_cast %scan3A_105 : i32 to index
        %swap3A_279 = arith.constant 48 : index
        %swap3A_280 = tpu.vector_load %arg20[%swap3A_278, %swap3A_279] {strides = array<i32>} : memref<40x128xf32, #tpu.memory_space<vmem>>, vector<16xf32>,
        tpu.vector_store %arg20[%swap3A_278, %swap3A_279], %mul3A_277 {strides = array<i32>} : memref<40x128xf32, #tpu.memory_space<vmem>>, vector<16xf32>,
        %mul3A_281 = arith.mulf %mul3A_194, %exp3A_259 : vector<16xf32>
        %swap3A_282 = arith.index_cast %scan3A_105 : i32 to index
        %swap3A_283 = arith.constant 64 : index
        %swap3A_284 = tpu.vector_load %arg20[%swap3A_282, %swap3A_283] {strides = array<i32>} : memref<40x128xf32, #tpu.memory_space<vmem>>, vector<16xf32>,
        tpu.vector_store %arg20[%swap3A_282, %swap3A_283], %mul3A_281 {strides = array<i32>} : memref<40x128xf32, #tpu.memory_space<vmem>>, vector<16xf32>,
        %mul3A_285 = arith.mulf %mul3A_211, %exp3A_259 : vector<16xf32>
        %swap3A_286 = arith.index_cast %scan3A_105 : i32 to index
        %swap3A_287 = arith.constant 80 : index
        %swap3A_288 = tpu.vector_load %arg20[%swap3A_286, %swap3A_287] {strides = array<i32>} : memref<40x128xf32, #tpu.memory_space<vmem>>, vector<16xf32>,
        tpu.vector_store %arg20[%swap3A_286, %swap3A_287], %mul3A_285 {strides = array<i32>} : memref<40x128xf32, #tpu.memory_space<vmem>>, vector<16xf32>,
        %mul3A_289 = arith.mulf %mul3A_228, %exp3A_259 : vector<16xf32>
        %swap3A_290 = arith.index_cast %scan3A_105 : i32 to index
        %swap3A_291 = arith.constant 96 : index
        %swap3A_292 = tpu.vector_load %arg20[%swap3A_290, %swap3A_291] {strides = array<i32>} : memref<40x128xf32, #tpu.memory_space<vmem>>, vector<16xf32>,
        tpu.vector_store %arg20[%swap3A_290, %swap3A_291], %mul3A_289 {strides = array<i32>} : memref<40x128xf32, #tpu.memory_space<vmem>>, vector<16xf32>,
        %mul3A_293 = arith.mulf %mul3A_245, %exp3A_259 : vector<16xf32>
        %swap3A_294 = arith.index_cast %scan3A_105 : i32 to index
        %swap3A_295 = arith.constant 112 : index
        %swap3A_296 = tpu.vector_load %arg20[%swap3A_294, %swap3A_295] {strides = array<i32>} : memref<40x128xf32, #tpu.memory_space<vmem>>, vector<16xf32>,
        tpu.vector_store %arg20[%swap3A_294, %swap3A_295], %mul3A_293 {strides = array<i32>} : memref<40x128xf32, #tpu.memory_space<vmem>>, vector<16xf32>,
      }
      %scan3A_104 = arith.constant 40 : i32
      "tpu.region"() ({
        %run_scoped3A = tpu.sem_alloc : memref<!tpu.dma_semaphore, #tpu.memory_space<semaphore_mem>>
        %dma_start3A_105 = arith.constant 0 : i32
        %dma_start3A_106 = arith.constant 0 : i32
        %dma_start3A_107 = tpu.memref_slice %arg12[%dma_start3A_105, %dma_start3A_106] : memref<10000x128xf32, #tpu.memory_space<vmem_shared>> -> memref<10000x128xf32, #tpu.memory_space<vmem_shared>>
        tpu.enqueue_indirect_dma source(%arg20 : memref<40x128xf32, #tpu.memory_space<vmem>>) target(%dma_start3A_107 : memref<10000x128xf32, #tpu.memory_space<vmem_shared>>) offsets(%arg15 : memref<40xi32, #tpu.memory_space<vmem>>) semaphore(%run_scoped3A : memref<!tpu.dma_semaphore, #tpu.memory_space<semaphore_mem>>) {add = true}
        %dma_wait3A_108 = arith.constant 0 : i32
        %dma_wait3A_109 = arith.constant 0 : i32
        %dma_wait3A_110 = tpu.memref_slice %arg12[%dma_wait3A_108, %dma_wait3A_109] : memref<10000x128xf32, #tpu.memory_space<vmem_shared>> -> memref<10000x128xf32, #tpu.memory_space<vmem_shared>>
        tpu.wait_indirect_dma semaphore(%run_scoped3A : memref<!tpu.dma_semaphore, #tpu.memory_space<semaphore_mem>>) src(%arg20 : memref<40x128xf32, #tpu.memory_space<vmem>>) dst(%dma_wait3A_110 : memref<10000x128xf32, #tpu.memory_space<vmem_shared>>)
        tpu.yield
      }) : () -> ()
    }
    %scan3A_35 = arith.constant 250 : i32
    "tpu.region"() ({
      %run_scoped3A = tpu.sem_alloc : memref<!tpu.dma_semaphore, #tpu.memory_space<semaphore_mem>>
      %dma_start3A = arith.constant 0 : i32
      %dma_start3A_65 = tpu.memref_slice %arg11[%arg0, %arg1, %dma_start3A] : memref<2x16x20000xf32, #tpu.memory_space<hbm>> -> memref<1x1x20000xf32, #tpu.memory_space<hbm>>
      %dma_start3A_66 = tpu.memref_squeeze %dma_start3A_65 : memref<1x1x20000xf32, #tpu.memory_space<hbm>> -> memref<20000xf32, #tpu.memory_space<hbm>>
      %dma_start3A_67 = arith.constant 0 : i32
      %dma_start3A_68 = tpu.memref_slice %arg11[%arg0, %arg1, %dma_start3A_67] : memref<2x16x20000xf32, #tpu.memory_space<hbm>> -> memref<1x1x20000xf32, #tpu.memory_space<hbm>>
      %dma_start3A_69 = tpu.memref_squeeze %dma_start3A_68 : memref<1x1x20000xf32, #tpu.memory_space<hbm>> -> memref<20000xf32, #tpu.memory_space<hbm>>
      tpu.enqueue_dma source(%arg13 : memref<20000xf32, #tpu.memory_space<vmem>>) target(%dma_start3A_69 : memref<20000xf32, #tpu.memory_space<hbm>>) target_semaphore(%run_scoped3A : memref<!tpu.dma_semaphore, #tpu.memory_space<semaphore_mem>>)
      %dma_wait3A = arith.constant 0 : i32
      %dma_wait3A_70 = tpu.memref_slice %arg11[%arg0, %arg1, %dma_wait3A] : memref<2x16x20000xf32, #tpu.memory_space<hbm>> -> memref<1x1x20000xf32, #tpu.memory_space<hbm>>
      %dma_wait3A_71 = tpu.memref_squeeze %dma_wait3A_70 : memref<1x1x20000xf32, #tpu.memory_space<hbm>> -> memref<20000xf32, #tpu.memory_space<hbm>>
      %dma_wait3A_72 = arith.constant 0 : i32
      %dma_wait3A_73 = tpu.memref_slice %arg11[%arg0, %arg1, %dma_wait3A_72] : memref<2x16x20000xf32, #tpu.memory_space<hbm>> -> memref<1x1x20000xf32, #tpu.memory_space<hbm>>
      %dma_wait3A_74 = tpu.memref_squeeze %dma_wait3A_73 : memref<1x1x20000xf32, #tpu.memory_space<hbm>> -> memref<20000xf32, #tpu.memory_space<hbm>>
      tpu.wait_dma2 semaphore(%run_scoped3A : memref<!tpu.dma_semaphore, #tpu.memory_space<semaphore_mem>>) src(%arg13 : memref<20000xf32, #tpu.memory_space<vmem>>) dst(%dma_wait3A_74 : memref<20000xf32, #tpu.memory_space<hbm>>)
      tpu.yield
    }) : () -> ()
    %barrier3A_36 = arith.constant 0 : index
    tpu.barrier barrier_id(%barrier3A_36)
    %add3A_37 = arith.constant 0 : i32
    %add3A_38 = arith.addi %arg1, %add3A_37 : i32
    %lt3A_39 = arith.constant 50 : i32
    %lt3A_40 = arith.cmpi slt, %add3A_38, %lt3A_39 : i32
    %convert_element_type3A_41 = arith.extui %lt3A_40 : i1 to i32
    %cond3A_42 = arith.constant 0 : i32
    %cond3A_43 = arith.cmpi ne, %convert_element_type3A_41, %cond3A_42 : i32
    scf.if %cond3A_43 {
      %mul3A_65 = arith.constant 200 : i32
      %mul3A_66 = arith.muli %add3A_38, %mul3A_65 : i32
      "tpu.region"() ({
        %run_scoped3A = tpu.sem_alloc : memref<!tpu.dma_semaphore, #tpu.memory_space<semaphore_mem>>
        %dma_start3A = arith.constant 0 : i32
        %dma_start3A_67 = tpu.memref_slice %arg10[%arg0, %mul3A_66, %dma_start3A] : memref<2x10000x128xf32, #tpu.memory_space<hbm>> -> memref<1x200x128xf32, #tpu.memory_space<hbm>>
        %dma_start3A_68 = tpu.memref_squeeze %dma_start3A_67 : memref<1x200x128xf32, #tpu.memory_space<hbm>> -> memref<200x128xf32, #tpu.memory_space<hbm>>
        %dma_start3A_69 = arith.constant 0 : i32
        %dma_start3A_70 = tpu.memref_slice %arg12[%mul3A_66, %dma_start3A_69] : memref<10000x128xf32, #tpu.memory_space<vmem_shared>> -> memref<200x128xf32, #tpu.memory_space<vmem_shared>>
        tpu.enqueue_dma source(%dma_start3A_70 : memref<200x128xf32, #tpu.memory_space<vmem_shared>>) target(%dma_start3A_68 : memref<200x128xf32, #tpu.memory_space<hbm>>) target_semaphore(%run_scoped3A : memref<!tpu.dma_semaphore, #tpu.memory_space<semaphore_mem>>)
        %dma_wait3A = arith.constant 0 : i32
        %dma_wait3A_71 = tpu.memref_slice %arg10[%arg0, %mul3A_66, %dma_wait3A] : memref<2x10000x128xf32, #tpu.memory_space<hbm>> -> memref<1x200x128xf32, #tpu.memory_space<hbm>>
        %dma_wait3A_72 = tpu.memref_squeeze %dma_wait3A_71 : memref<1x200x128xf32, #tpu.memory_space<hbm>> -> memref<200x128xf32, #tpu.memory_space<hbm>>
        %dma_wait3A_73 = arith.constant 0 : i32
        %dma_wait3A_74 = tpu.memref_slice %arg12[%mul3A_66, %dma_wait3A_73] : memref<10000x128xf32, #tpu.memory_space<vmem_shared>> -> memref<200x128xf32, #tpu.memory_space<vmem_shared>>
        tpu.wait_dma2 semaphore(%run_scoped3A : memref<!tpu.dma_semaphore, #tpu.memory_space<semaphore_mem>>) src(%dma_wait3A_74 : memref<200x128xf32, #tpu.memory_space<vmem_shared>>) dst(%dma_wait3A_72 : memref<200x128xf32, #tpu.memory_space<hbm>>)
        tpu.yield
      }) : () -> ()
    } else {
    }
    %add3A_44 = arith.constant 16 : i32
    %add3A_45 = arith.addi %arg1, %add3A_44 : i32
    %lt3A_46 = arith.constant 50 : i32
    %lt3A_47 = arith.cmpi slt, %add3A_45, %lt3A_46 : i32
    %convert_element_type3A_48 = arith.extui %lt3A_47 : i1 to i32
    %cond3A_49 = arith.constant 0 : i32
    %cond3A_50 = arith.cmpi ne, %convert_element_type3A_48, %cond3A_49 : i32
    scf.if %cond3A_50 {
      %mul3A_65 = arith.constant 200 : i32
      %mul3A_66 = arith.muli %add3A_45, %mul3A_65 : i32
      "tpu.region"() ({
        %run_scoped3A = tpu.sem_alloc : memref<!tpu.dma_semaphore, #tpu.memory_space<semaphore_mem>>
        %dma_start3A = arith.constant 0 : i32
        %dma_start3A_67 = tpu.memref_slice %arg10[%arg0, %mul3A_66, %dma_start3A] : memref<2x10000x128xf32, #tpu.memory_space<hbm>> -> memref<1x200x128xf32, #tpu.memory_space<hbm>>
        %dma_start3A_68 = tpu.memref_squeeze %dma_start3A_67 : memref<1x200x128xf32, #tpu.memory_space<hbm>> -> memref<200x128xf32, #tpu.memory_space<hbm>>
        %dma_start3A_69 = arith.constant 0 : i32
        %dma_start3A_70 = tpu.memref_slice %arg12[%mul3A_66, %dma_start3A_69] : memref<10000x128xf32, #tpu.memory_space<vmem_shared>> -> memref<200x128xf32, #tpu.memory_space<vmem_shared>>
        tpu.enqueue_dma source(%dma_start3A_70 : memref<200x128xf32, #tpu.memory_space<vmem_shared>>) target(%dma_start3A_68 : memref<200x128xf32, #tpu.memory_space<hbm>>) target_semaphore(%run_scoped3A : memref<!tpu.dma_semaphore, #tpu.memory_space<semaphore_mem>>)
        %dma_wait3A = arith.constant 0 : i32
        %dma_wait3A_71 = tpu.memref_slice %arg10[%arg0, %mul3A_66, %dma_wait3A] : memref<2x10000x128xf32, #tpu.memory_space<hbm>> -> memref<1x200x128xf32, #tpu.memory_space<hbm>>
        %dma_wait3A_72 = tpu.memref_squeeze %dma_wait3A_71 : memref<1x200x128xf32, #tpu.memory_space<hbm>> -> memref<200x128xf32, #tpu.memory_space<hbm>>
        %dma_wait3A_73 = arith.constant 0 : i32
        %dma_wait3A_74 = tpu.memref_slice %arg12[%mul3A_66, %dma_wait3A_73] : memref<10000x128xf32, #tpu.memory_space<vmem_shared>> -> memref<200x128xf32, #tpu.memory_space<vmem_shared>>
        tpu.wait_dma2 semaphore(%run_scoped3A : memref<!tpu.dma_semaphore, #tpu.memory_space<semaphore_mem>>) src(%dma_wait3A_74 : memref<200x128xf32, #tpu.memory_space<vmem_shared>>) dst(%dma_wait3A_72 : memref<200x128xf32, #tpu.memory_space<hbm>>)
        tpu.yield
      }) : () -> ()
    } else {
    }
    %add3A_51 = arith.constant 32 : i32
    %add3A_52 = arith.addi %arg1, %add3A_51 : i32
    %lt3A_53 = arith.constant 50 : i32
    %lt3A_54 = arith.cmpi slt, %add3A_52, %lt3A_53 : i32
    %convert_element_type3A_55 = arith.extui %lt3A_54 : i1 to i32
    %cond3A_56 = arith.constant 0 : i32
    %cond3A_57 = arith.cmpi ne, %convert_element_type3A_55, %cond3A_56 : i32
    scf.if %cond3A_57 {
      %mul3A_65 = arith.constant 200 : i32
      %mul3A_66 = arith.muli %add3A_52, %mul3A_65 : i32
      "tpu.region"() ({
        %run_scoped3A = tpu.sem_alloc : memref<!tpu.dma_semaphore, #tpu.memory_space<semaphore_mem>>
        %dma_start3A = arith.constant 0 : i32
        %dma_start3A_67 = tpu.memref_slice %arg10[%arg0, %mul3A_66, %dma_start3A] : memref<2x10000x128xf32, #tpu.memory_space<hbm>> -> memref<1x200x128xf32, #tpu.memory_space<hbm>>
        %dma_start3A_68 = tpu.memref_squeeze %dma_start3A_67 : memref<1x200x128xf32, #tpu.memory_space<hbm>> -> memref<200x128xf32, #tpu.memory_space<hbm>>
        %dma_start3A_69 = arith.constant 0 : i32
        %dma_start3A_70 = tpu.memref_slice %arg12[%mul3A_66, %dma_start3A_69] : memref<10000x128xf32, #tpu.memory_space<vmem_shared>> -> memref<200x128xf32, #tpu.memory_space<vmem_shared>>
        tpu.enqueue_dma source(%dma_start3A_70 : memref<200x128xf32, #tpu.memory_space<vmem_shared>>) target(%dma_start3A_68 : memref<200x128xf32, #tpu.memory_space<hbm>>) target_semaphore(%run_scoped3A : memref<!tpu.dma_semaphore, #tpu.memory_space<semaphore_mem>>)
        %dma_wait3A = arith.constant 0 : i32
        %dma_wait3A_71 = tpu.memref_slice %arg10[%arg0, %mul3A_66, %dma_wait3A] : memref<2x10000x128xf32, #tpu.memory_space<hbm>> -> memref<1x200x128xf32, #tpu.memory_space<hbm>>
        %dma_wait3A_72 = tpu.memref_squeeze %dma_wait3A_71 : memref<1x200x128xf32, #tpu.memory_space<hbm>> -> memref<200x128xf32, #tpu.memory_space<hbm>>
        %dma_wait3A_73 = arith.constant 0 : i32
        %dma_wait3A_74 = tpu.memref_slice %arg12[%mul3A_66, %dma_wait3A_73] : memref<10000x128xf32, #tpu.memory_space<vmem_shared>> -> memref<200x128xf32, #tpu.memory_space<vmem_shared>>
        tpu.wait_dma2 semaphore(%run_scoped3A : memref<!tpu.dma_semaphore, #tpu.memory_space<semaphore_mem>>) src(%dma_wait3A_74 : memref<200x128xf32, #tpu.memory_space<vmem_shared>>) dst(%dma_wait3A_72 : memref<200x128xf32, #tpu.memory_space<hbm>>)
        tpu.yield
      }) : () -> ()
    } else {
    }
    %add3A_58 = arith.constant 48 : i32
    %add3A_59 = arith.addi %arg1, %add3A_58 : i32
    %lt3A_60 = arith.constant 50 : i32
    %lt3A_61 = arith.cmpi slt, %add3A_59, %lt3A_60 : i32
    %convert_element_type3A_62 = arith.extui %lt3A_61 : i1 to i32
    %cond3A_63 = arith.constant 0 : i32
    %cond3A_64 = arith.cmpi ne, %convert_element_type3A_62, %cond3A_63 : i32
    scf.if %cond3A_64 {
      %mul3A_65 = arith.constant 200 : i32
      %mul3A_66 = arith.muli %add3A_59, %mul3A_65 : i32
      "tpu.region"() ({
        %run_scoped3A = tpu.sem_alloc : memref<!tpu.dma_semaphore, #tpu.memory_space<semaphore_mem>>
        %dma_start3A = arith.constant 0 : i32
        %dma_start3A_67 = tpu.memref_slice %arg10[%arg0, %mul3A_66, %dma_start3A] : memref<2x10000x128xf32, #tpu.memory_space<hbm>> -> memref<1x200x128xf32, #tpu.memory_space<hbm>>
        %dma_start3A_68 = tpu.memref_squeeze %dma_start3A_67 : memref<1x200x128xf32, #tpu.memory_space<hbm>> -> memref<200x128xf32, #tpu.memory_space<hbm>>
        %dma_start3A_69 = arith.constant 0 : i32
        %dma_start3A_70 = tpu.memref_slice %arg12[%mul3A_66, %dma_start3A_69] : memref<10000x128xf32, #tpu.memory_space<vmem_shared>> -> memref<200x128xf32, #tpu.memory_space<vmem_shared>>
        tpu.enqueue_dma source(%dma_start3A_70 : memref<200x128xf32, #tpu.memory_space<vmem_shared>>) target(%dma_start3A_68 : memref<200x128xf32, #tpu.memory_space<hbm>>) target_semaphore(%run_scoped3A : memref<!tpu.dma_semaphore, #tpu.memory_space<semaphore_mem>>)
        %dma_wait3A = arith.constant 0 : i32
        %dma_wait3A_71 = tpu.memref_slice %arg10[%arg0, %mul3A_66, %dma_wait3A] : memref<2x10000x128xf32, #tpu.memory_space<hbm>> -> memref<1x200x128xf32, #tpu.memory_space<hbm>>
        %dma_wait3A_72 = tpu.memref_squeeze %dma_wait3A_71 : memref<1x200x128xf32, #tpu.memory_space<hbm>> -> memref<200x128xf32, #tpu.memory_space<hbm>>
        %dma_wait3A_73 = arith.constant 0 : i32
        %dma_wait3A_74 = tpu.memref_slice %arg12[%mul3A_66, %dma_wait3A_73] : memref<10000x128xf32, #tpu.memory_space<vmem_shared>> -> memref<200x128xf32, #tpu.memory_space<vmem_shared>>
        tpu.wait_dma2 semaphore(%run_scoped3A : memref<!tpu.dma_semaphore, #tpu.memory_space<semaphore_mem>>) src(%dma_wait3A_74 : memref<200x128xf32, #tpu.memory_space<vmem_shared>>) dst(%dma_wait3A_72 : memref<200x128xf32, #tpu.memory_space<hbm>>)
        tpu.yield
      }) : () -> ()
    } else {
    }
    return
  }
}

#map = affine_map<(d0, d1) -> (0, 0)>
#map1 = affine_map<(d0, d1) -> (0)>
module attributes {stable_mosaic.version = 14 : i64} {
  func.func @_inter_pass(%arg0: i32, %arg1: i32, %arg2: memref<10000x128xf32, #tpu.memory_space<hbm>>, %arg3: memref<640000xi32, #tpu.memory_space<hbm>>, %arg4: memref<320000xi32, #tpu.memory_space<hbm>>, %arg5: memref<640000xf32, #tpu.memory_space<hbm>>, %arg6: memref<200x128xf32, #tpu.memory_space<hbm>>, %arg7: memref<30000x128xf32, #tpu.memory_space<hbm>>, %arg8: memref<15000x128xf32, #tpu.memory_space<vmem_shared>>, %arg9: memref<80xi32, #tpu.memory_space<vmem>>, %arg10: memref<80xi32, #tpu.memory_space<vmem>>, %arg11: memref<80xf32, #tpu.memory_space<vmem>>, %arg12: memref<80x128xf32, #tpu.memory_space<vmem>>, %arg13: memref<!tpu.dma_semaphore, #tpu.memory_space<semaphore_mem>>, %arg14: memref<!tpu.dma_semaphore, #tpu.memory_space<semaphore_mem>>, %arg15: memref<!tpu.dma_semaphore, #tpu.memory_space<semaphore_mem>>) attributes {dimension_semantics = [#tpu.dimension_semantics<core_parallel>, #tpu.dimension_semantics<subcore_parallel>], iteration_bounds = array<i64: 2, 16>, scalar_prefetch = 0 : i64, scratch_operands = 8 : i64, tpu.core_type = #tpu.core_type<sc_vector_subcore>, window_params = [{transform_indices = #map}, {transform_indices = #map1}, {transform_indices = #map1}, {transform_indices = #map1}, {transform_indices = #map}, {transform_indices = #map}]} {
    %add3A = arith.constant 0 : i32
    %add3A_0 = arith.addi %arg1, %add3A : i32
    %lt3A = arith.constant 75 : i32
    %lt3A_1 = arith.cmpi slt, %add3A_0, %lt3A : i32
    %convert_element_type3A = arith.extui %lt3A_1 : i1 to i32
    %cond3A = arith.constant 0 : i32
    %cond3A_2 = arith.cmpi ne, %convert_element_type3A, %cond3A : i32
    scf.if %cond3A_2 {
      %mul3A_73 = arith.constant 200 : i32
      %mul3A_74 = arith.muli %add3A_0, %mul3A_73 : i32
      "tpu.region"() ({
        %run_scoped3A = tpu.sem_alloc : memref<!tpu.dma_semaphore, #tpu.memory_space<semaphore_mem>>
        %dma_start3A = arith.constant 0 : i32
        %dma_start3A_75 = tpu.memref_slice %arg8[%mul3A_74, %dma_start3A] : memref<15000x128xf32, #tpu.memory_space<vmem_shared>> -> memref<200x128xf32, #tpu.memory_space<vmem_shared>>
        tpu.enqueue_dma source(%arg6 : memref<200x128xf32, #tpu.memory_space<hbm>>) target(%dma_start3A_75 : memref<200x128xf32, #tpu.memory_space<vmem_shared>>) target_semaphore(%run_scoped3A : memref<!tpu.dma_semaphore, #tpu.memory_space<semaphore_mem>>)
        %dma_wait3A = arith.constant 0 : i32
        %dma_wait3A_76 = tpu.memref_slice %arg8[%mul3A_74, %dma_wait3A] : memref<15000x128xf32, #tpu.memory_space<vmem_shared>> -> memref<200x128xf32, #tpu.memory_space<vmem_shared>>
        tpu.wait_dma2 semaphore(%run_scoped3A : memref<!tpu.dma_semaphore, #tpu.memory_space<semaphore_mem>>) src(%arg6 : memref<200x128xf32, #tpu.memory_space<hbm>>) dst(%dma_wait3A_76 : memref<200x128xf32, #tpu.memory_space<vmem_shared>>)
        tpu.yield
      }) : () -> ()
    } else {
    }
    %add3A_3 = arith.constant 16 : i32
    %add3A_4 = arith.addi %arg1, %add3A_3 : i32
    %lt3A_5 = arith.constant 75 : i32
    %lt3A_6 = arith.cmpi slt, %add3A_4, %lt3A_5 : i32
    %convert_element_type3A_7 = arith.extui %lt3A_6 : i1 to i32
    %cond3A_8 = arith.constant 0 : i32
    %cond3A_9 = arith.cmpi ne, %convert_element_type3A_7, %cond3A_8 : i32
    scf.if %cond3A_9 {
      %mul3A_73 = arith.constant 200 : i32
      %mul3A_74 = arith.muli %add3A_4, %mul3A_73 : i32
      "tpu.region"() ({
        %run_scoped3A = tpu.sem_alloc : memref<!tpu.dma_semaphore, #tpu.memory_space<semaphore_mem>>
        %dma_start3A = arith.constant 0 : i32
        %dma_start3A_75 = tpu.memref_slice %arg8[%mul3A_74, %dma_start3A] : memref<15000x128xf32, #tpu.memory_space<vmem_shared>> -> memref<200x128xf32, #tpu.memory_space<vmem_shared>>
        tpu.enqueue_dma source(%arg6 : memref<200x128xf32, #tpu.memory_space<hbm>>) target(%dma_start3A_75 : memref<200x128xf32, #tpu.memory_space<vmem_shared>>) target_semaphore(%run_scoped3A : memref<!tpu.dma_semaphore, #tpu.memory_space<semaphore_mem>>)
        %dma_wait3A = arith.constant 0 : i32
        %dma_wait3A_76 = tpu.memref_slice %arg8[%mul3A_74, %dma_wait3A] : memref<15000x128xf32, #tpu.memory_space<vmem_shared>> -> memref<200x128xf32, #tpu.memory_space<vmem_shared>>
        tpu.wait_dma2 semaphore(%run_scoped3A : memref<!tpu.dma_semaphore, #tpu.memory_space<semaphore_mem>>) src(%arg6 : memref<200x128xf32, #tpu.memory_space<hbm>>) dst(%dma_wait3A_76 : memref<200x128xf32, #tpu.memory_space<vmem_shared>>)
        tpu.yield
      }) : () -> ()
    } else {
    }
    %add3A_10 = arith.constant 32 : i32
    %add3A_11 = arith.addi %arg1, %add3A_10 : i32
    %lt3A_12 = arith.constant 75 : i32
    %lt3A_13 = arith.cmpi slt, %add3A_11, %lt3A_12 : i32
    %convert_element_type3A_14 = arith.extui %lt3A_13 : i1 to i32
    %cond3A_15 = arith.constant 0 : i32
    %cond3A_16 = arith.cmpi ne, %convert_element_type3A_14, %cond3A_15 : i32
    scf.if %cond3A_16 {
      %mul3A_73 = arith.constant 200 : i32
      %mul3A_74 = arith.muli %add3A_11, %mul3A_73 : i32
      "tpu.region"() ({
        %run_scoped3A = tpu.sem_alloc : memref<!tpu.dma_semaphore, #tpu.memory_space<semaphore_mem>>
        %dma_start3A = arith.constant 0 : i32
        %dma_start3A_75 = tpu.memref_slice %arg8[%mul3A_74, %dma_start3A] : memref<15000x128xf32, #tpu.memory_space<vmem_shared>> -> memref<200x128xf32, #tpu.memory_space<vmem_shared>>
        tpu.enqueue_dma source(%arg6 : memref<200x128xf32, #tpu.memory_space<hbm>>) target(%dma_start3A_75 : memref<200x128xf32, #tpu.memory_space<vmem_shared>>) target_semaphore(%run_scoped3A : memref<!tpu.dma_semaphore, #tpu.memory_space<semaphore_mem>>)
        %dma_wait3A = arith.constant 0 : i32
        %dma_wait3A_76 = tpu.memref_slice %arg8[%mul3A_74, %dma_wait3A] : memref<15000x128xf32, #tpu.memory_space<vmem_shared>> -> memref<200x128xf32, #tpu.memory_space<vmem_shared>>
        tpu.wait_dma2 semaphore(%run_scoped3A : memref<!tpu.dma_semaphore, #tpu.memory_space<semaphore_mem>>) src(%arg6 : memref<200x128xf32, #tpu.memory_space<hbm>>) dst(%dma_wait3A_76 : memref<200x128xf32, #tpu.memory_space<vmem_shared>>)
        tpu.yield
      }) : () -> ()
    } else {
    }
    %add3A_17 = arith.constant 48 : i32
    %add3A_18 = arith.addi %arg1, %add3A_17 : i32
    %lt3A_19 = arith.constant 75 : i32
    %lt3A_20 = arith.cmpi slt, %add3A_18, %lt3A_19 : i32
    %convert_element_type3A_21 = arith.extui %lt3A_20 : i1 to i32
    %cond3A_22 = arith.constant 0 : i32
    %cond3A_23 = arith.cmpi ne, %convert_element_type3A_21, %cond3A_22 : i32
    scf.if %cond3A_23 {
      %mul3A_73 = arith.constant 200 : i32
      %mul3A_74 = arith.muli %add3A_18, %mul3A_73 : i32
      "tpu.region"() ({
        %run_scoped3A = tpu.sem_alloc : memref<!tpu.dma_semaphore, #tpu.memory_space<semaphore_mem>>
        %dma_start3A = arith.constant 0 : i32
        %dma_start3A_75 = tpu.memref_slice %arg8[%mul3A_74, %dma_start3A] : memref<15000x128xf32, #tpu.memory_space<vmem_shared>> -> memref<200x128xf32, #tpu.memory_space<vmem_shared>>
        tpu.enqueue_dma source(%arg6 : memref<200x128xf32, #tpu.memory_space<hbm>>) target(%dma_start3A_75 : memref<200x128xf32, #tpu.memory_space<vmem_shared>>) target_semaphore(%run_scoped3A : memref<!tpu.dma_semaphore, #tpu.memory_space<semaphore_mem>>)
        %dma_wait3A = arith.constant 0 : i32
        %dma_wait3A_76 = tpu.memref_slice %arg8[%mul3A_74, %dma_wait3A] : memref<15000x128xf32, #tpu.memory_space<vmem_shared>> -> memref<200x128xf32, #tpu.memory_space<vmem_shared>>
        tpu.wait_dma2 semaphore(%run_scoped3A : memref<!tpu.dma_semaphore, #tpu.memory_space<semaphore_mem>>) src(%arg6 : memref<200x128xf32, #tpu.memory_space<hbm>>) dst(%dma_wait3A_76 : memref<200x128xf32, #tpu.memory_space<vmem_shared>>)
        tpu.yield
      }) : () -> ()
    } else {
    }
    %add3A_24 = arith.constant 64 : i32
    %add3A_25 = arith.addi %arg1, %add3A_24 : i32
    %lt3A_26 = arith.constant 75 : i32
    %lt3A_27 = arith.cmpi slt, %add3A_25, %lt3A_26 : i32
    %convert_element_type3A_28 = arith.extui %lt3A_27 : i1 to i32
    %cond3A_29 = arith.constant 0 : i32
    %cond3A_30 = arith.cmpi ne, %convert_element_type3A_28, %cond3A_29 : i32
    scf.if %cond3A_30 {
      %mul3A_73 = arith.constant 200 : i32
      %mul3A_74 = arith.muli %add3A_25, %mul3A_73 : i32
      "tpu.region"() ({
        %run_scoped3A = tpu.sem_alloc : memref<!tpu.dma_semaphore, #tpu.memory_space<semaphore_mem>>
        %dma_start3A = arith.constant 0 : i32
        %dma_start3A_75 = tpu.memref_slice %arg8[%mul3A_74, %dma_start3A] : memref<15000x128xf32, #tpu.memory_space<vmem_shared>> -> memref<200x128xf32, #tpu.memory_space<vmem_shared>>
        tpu.enqueue_dma source(%arg6 : memref<200x128xf32, #tpu.memory_space<hbm>>) target(%dma_start3A_75 : memref<200x128xf32, #tpu.memory_space<vmem_shared>>) target_semaphore(%run_scoped3A : memref<!tpu.dma_semaphore, #tpu.memory_space<semaphore_mem>>)
        %dma_wait3A = arith.constant 0 : i32
        %dma_wait3A_76 = tpu.memref_slice %arg8[%mul3A_74, %dma_wait3A] : memref<15000x128xf32, #tpu.memory_space<vmem_shared>> -> memref<200x128xf32, #tpu.memory_space<vmem_shared>>
        tpu.wait_dma2 semaphore(%run_scoped3A : memref<!tpu.dma_semaphore, #tpu.memory_space<semaphore_mem>>) src(%arg6 : memref<200x128xf32, #tpu.memory_space<hbm>>) dst(%dma_wait3A_76 : memref<200x128xf32, #tpu.memory_space<vmem_shared>>)
        tpu.yield
      }) : () -> ()
    } else {
    }
    %barrier3A = arith.constant 0 : index
    tpu.barrier barrier_id(%barrier3A)
    %mul3A = arith.constant 15000 : i32
    %mul3A_31 = arith.muli %arg0, %mul3A : i32
    %scan3A = arith.constant 0 : i32
    %scan3A_32 = arith.constant 0 : i32
    %scan3A_33 = arith.constant 250 : i32
    %scan3A_34 = arith.addi %scan3A_32, %scan3A_33 : i32
    %scan3A_35 = arith.constant 1 : i32
    scf.for %scan3A_73 = %scan3A_32 to %scan3A_34 step %scan3A_35  : i32 {
      %mul3A_74 = arith.constant 20000 : i32
      %mul3A_75 = arith.muli %arg1, %mul3A_74 : i32
      %mul3A_76 = arith.constant 80 : i32
      %mul3A_77 = arith.muli %scan3A_73, %mul3A_76 : i32
      %add3A_78 = arith.addi %mul3A_75, %mul3A_77 : i32
      %multiple_of3A = tpu.assume_multiple %add3A_78, 8 : i32
      %mul3A_79 = arith.constant 320000 : i32
      %mul3A_80 = arith.muli %arg0, %mul3A_79 : i32
      %add3A_81 = arith.addi %mul3A_80, %multiple_of3A : i32
      "tpu.region"() ({
        %run_scoped3A = tpu.sem_alloc : memref<!tpu.dma_semaphore, #tpu.memory_space<semaphore_mem>>
        %dma_start3A_95 = tpu.memref_slice %arg3[%add3A_81] : memref<640000xi32, #tpu.memory_space<hbm>> -> memref<80xi32, #tpu.memory_space<hbm>>
        %dma_start3A_96 = tpu.memref_slice %arg3[%add3A_81] : memref<640000xi32, #tpu.memory_space<hbm>> -> memref<80xi32, #tpu.memory_space<hbm>>
        tpu.enqueue_dma source(%dma_start3A_96 : memref<80xi32, #tpu.memory_space<hbm>>) target(%arg9 : memref<80xi32, #tpu.memory_space<vmem>>) target_semaphore(%run_scoped3A : memref<!tpu.dma_semaphore, #tpu.memory_space<semaphore_mem>>)
        %dma_wait3A_97 = tpu.memref_slice %arg3[%add3A_81] : memref<640000xi32, #tpu.memory_space<hbm>> -> memref<80xi32, #tpu.memory_space<hbm>>
        %dma_wait3A_98 = tpu.memref_slice %arg3[%add3A_81] : memref<640000xi32, #tpu.memory_space<hbm>> -> memref<80xi32, #tpu.memory_space<hbm>>
        tpu.wait_dma2 semaphore(%run_scoped3A : memref<!tpu.dma_semaphore, #tpu.memory_space<semaphore_mem>>) src(%dma_wait3A_98 : memref<80xi32, #tpu.memory_space<hbm>>) dst(%arg9 : memref<80xi32, #tpu.memory_space<vmem>>)
        tpu.yield
      }) : () -> ()
      "tpu.region"() ({
        %run_scoped3A = tpu.sem_alloc : memref<!tpu.dma_semaphore, #tpu.memory_space<semaphore_mem>>
        %dma_start3A_95 = tpu.memref_slice %arg4[%multiple_of3A] : memref<320000xi32, #tpu.memory_space<hbm>> -> memref<80xi32, #tpu.memory_space<hbm>>
        %dma_start3A_96 = tpu.memref_slice %arg4[%multiple_of3A] : memref<320000xi32, #tpu.memory_space<hbm>> -> memref<80xi32, #tpu.memory_space<hbm>>
        tpu.enqueue_dma source(%dma_start3A_96 : memref<80xi32, #tpu.memory_space<hbm>>) target(%arg10 : memref<80xi32, #tpu.memory_space<vmem>>) target_semaphore(%run_scoped3A : memref<!tpu.dma_semaphore, #tpu.memory_space<semaphore_mem>>)
        %dma_wait3A_97 = tpu.memref_slice %arg4[%multiple_of3A] : memref<320000xi32, #tpu.memory_space<hbm>> -> memref<80xi32, #tpu.memory_space<hbm>>
        %dma_wait3A_98 = tpu.memref_slice %arg4[%multiple_of3A] : memref<320000xi32, #tpu.memory_space<hbm>> -> memref<80xi32, #tpu.memory_space<hbm>>
        tpu.wait_dma2 semaphore(%run_scoped3A : memref<!tpu.dma_semaphore, #tpu.memory_space<semaphore_mem>>) src(%dma_wait3A_98 : memref<80xi32, #tpu.memory_space<hbm>>) dst(%arg10 : memref<80xi32, #tpu.memory_space<vmem>>)
        tpu.yield
      }) : () -> ()
      %mul3A_82 = arith.constant 320000 : i32
      %mul3A_83 = arith.muli %arg0, %mul3A_82 : i32
      %add3A_84 = arith.addi %mul3A_83, %multiple_of3A : i32
      "tpu.region"() ({
        %run_scoped3A = tpu.sem_alloc : memref<!tpu.dma_semaphore, #tpu.memory_space<semaphore_mem>>
        %dma_start3A_95 = tpu.memref_slice %arg5[%add3A_84] : memref<640000xf32, #tpu.memory_space<hbm>> -> memref<80xf32, #tpu.memory_space<hbm>>
        %dma_start3A_96 = tpu.memref_slice %arg5[%add3A_84] : memref<640000xf32, #tpu.memory_space<hbm>> -> memref<80xf32, #tpu.memory_space<hbm>>
        tpu.enqueue_dma source(%dma_start3A_96 : memref<80xf32, #tpu.memory_space<hbm>>) target(%arg11 : memref<80xf32, #tpu.memory_space<vmem>>) target_semaphore(%run_scoped3A : memref<!tpu.dma_semaphore, #tpu.memory_space<semaphore_mem>>)
        %dma_wait3A_97 = tpu.memref_slice %arg5[%add3A_84] : memref<640000xf32, #tpu.memory_space<hbm>> -> memref<80xf32, #tpu.memory_space<hbm>>
        %dma_wait3A_98 = tpu.memref_slice %arg5[%add3A_84] : memref<640000xf32, #tpu.memory_space<hbm>> -> memref<80xf32, #tpu.memory_space<hbm>>
        tpu.wait_dma2 semaphore(%run_scoped3A : memref<!tpu.dma_semaphore, #tpu.memory_space<semaphore_mem>>) src(%dma_wait3A_98 : memref<80xf32, #tpu.memory_space<hbm>>) dst(%arg11 : memref<80xf32, #tpu.memory_space<vmem>>)
        tpu.yield
      }) : () -> ()
      %dma_start3A = arith.constant 0 : i32
      %dma_start3A_85 = arith.constant 0 : i32
      %dma_start3A_86 = tpu.memref_slice %arg2[%dma_start3A, %dma_start3A_85] : memref<10000x128xf32, #tpu.memory_space<hbm>> -> memref<10000x128xf32, #tpu.memory_space<hbm>>
      tpu.enqueue_indirect_dma source(%dma_start3A_86 : memref<10000x128xf32, #tpu.memory_space<hbm>>) target(%arg12 : memref<80x128xf32, #tpu.memory_space<vmem>>) offsets(%arg10 : memref<80xi32, #tpu.memory_space<vmem>>) semaphore(%arg13 : memref<!tpu.dma_semaphore, #tpu.memory_space<semaphore_mem>>)
      %dma_wait3A = arith.constant 0 : i32
      %dma_wait3A_87 = arith.constant 0 : i32
      %dma_wait3A_88 = tpu.memref_slice %arg2[%dma_wait3A, %dma_wait3A_87] : memref<10000x128xf32, #tpu.memory_space<hbm>> -> memref<10000x128xf32, #tpu.memory_space<hbm>>
      tpu.wait_indirect_dma semaphore(%arg13 : memref<!tpu.dma_semaphore, #tpu.memory_space<semaphore_mem>>) src(%dma_wait3A_88 : memref<10000x128xf32, #tpu.memory_space<hbm>>) dst(%arg12 : memref<80x128xf32, #tpu.memory_space<vmem>>)
      %scan3A_89 = arith.constant 0 : i32
      %scan3A_90 = arith.constant 0 : i32
      %scan3A_91 = arith.constant 80 : i32
      %scan3A_92 = arith.addi %scan3A_90, %scan3A_91 : i32
      %scan3A_93 = arith.constant 1 : i32
      scf.for %scan3A_95 = %scan3A_90 to %scan3A_92 step %scan3A_93  : i32 {
        %broadcast_in_dim3A = vector.broadcast %scan3A_95 : i32 to vector<16xi32>
        %gather3A = tpu.vector_load_idx %arg11[%broadcast_in_dim3A] : memref<80xf32, #tpu.memory_space<vmem>>[vector<16xi32>], vector<16xf32>,
        %get3A = arith.index_cast %scan3A_95 : i32 to index
        %get3A_96 = arith.constant 0 : index
        %get3A_97 = tpu.vector_load %arg12[%get3A, %get3A_96] {strides = array<i32>} : memref<80x128xf32, #tpu.memory_space<vmem>>, vector<16xf32>,
        %mul3A_98 = arith.mulf %get3A_97, %gather3A : vector<16xf32>
        %swap3A = arith.index_cast %scan3A_95 : i32 to index
        %swap3A_99 = arith.constant 0 : index
        %swap3A_100 = tpu.vector_load %arg12[%swap3A, %swap3A_99] {strides = array<i32>} : memref<80x128xf32, #tpu.memory_space<vmem>>, vector<16xf32>,
        tpu.vector_store %arg12[%swap3A, %swap3A_99], %mul3A_98 {strides = array<i32>} : memref<80x128xf32, #tpu.memory_space<vmem>>, vector<16xf32>,
        %get3A_101 = arith.index_cast %scan3A_95 : i32 to index
        %get3A_102 = arith.constant 16 : index
        %get3A_103 = tpu.vector_load %arg12[%get3A_101, %get3A_102] {strides = array<i32>} : memref<80x128xf32, #tpu.memory_space<vmem>>, vector<16xf32>,
        %mul3A_104 = arith.mulf %get3A_103, %gather3A : vector<16xf32>
        %swap3A_105 = arith.index_cast %scan3A_95 : i32 to index
        %swap3A_106 = arith.constant 16 : index
        %swap3A_107 = tpu.vector_load %arg12[%swap3A_105, %swap3A_106] {strides = array<i32>} : memref<80x128xf32, #tpu.memory_space<vmem>>, vector<16xf32>,
        tpu.vector_store %arg12[%swap3A_105, %swap3A_106], %mul3A_104 {strides = array<i32>} : memref<80x128xf32, #tpu.memory_space<vmem>>, vector<16xf32>,
        %get3A_108 = arith.index_cast %scan3A_95 : i32 to index
        %get3A_109 = arith.constant 32 : index
        %get3A_110 = tpu.vector_load %arg12[%get3A_108, %get3A_109] {strides = array<i32>} : memref<80x128xf32, #tpu.memory_space<vmem>>, vector<16xf32>,
        %mul3A_111 = arith.mulf %get3A_110, %gather3A : vector<16xf32>
        %swap3A_112 = arith.index_cast %scan3A_95 : i32 to index
        %swap3A_113 = arith.constant 32 : index
        %swap3A_114 = tpu.vector_load %arg12[%swap3A_112, %swap3A_113] {strides = array<i32>} : memref<80x128xf32, #tpu.memory_space<vmem>>, vector<16xf32>,
        tpu.vector_store %arg12[%swap3A_112, %swap3A_113], %mul3A_111 {strides = array<i32>} : memref<80x128xf32, #tpu.memory_space<vmem>>, vector<16xf32>,
        %get3A_115 = arith.index_cast %scan3A_95 : i32 to index
        %get3A_116 = arith.constant 48 : index
        %get3A_117 = tpu.vector_load %arg12[%get3A_115, %get3A_116] {strides = array<i32>} : memref<80x128xf32, #tpu.memory_space<vmem>>, vector<16xf32>,
        %mul3A_118 = arith.mulf %get3A_117, %gather3A : vector<16xf32>
        %swap3A_119 = arith.index_cast %scan3A_95 : i32 to index
        %swap3A_120 = arith.constant 48 : index
        %swap3A_121 = tpu.vector_load %arg12[%swap3A_119, %swap3A_120] {strides = array<i32>} : memref<80x128xf32, #tpu.memory_space<vmem>>, vector<16xf32>,
        tpu.vector_store %arg12[%swap3A_119, %swap3A_120], %mul3A_118 {strides = array<i32>} : memref<80x128xf32, #tpu.memory_space<vmem>>, vector<16xf32>,
        %get3A_122 = arith.index_cast %scan3A_95 : i32 to index
        %get3A_123 = arith.constant 64 : index
        %get3A_124 = tpu.vector_load %arg12[%get3A_122, %get3A_123] {strides = array<i32>} : memref<80x128xf32, #tpu.memory_space<vmem>>, vector<16xf32>,
        %mul3A_125 = arith.mulf %get3A_124, %gather3A : vector<16xf32>
        %swap3A_126 = arith.index_cast %scan3A_95 : i32 to index
        %swap3A_127 = arith.constant 64 : index
        %swap3A_128 = tpu.vector_load %arg12[%swap3A_126, %swap3A_127] {strides = array<i32>} : memref<80x128xf32, #tpu.memory_space<vmem>>, vector<16xf32>,
        tpu.vector_store %arg12[%swap3A_126, %swap3A_127], %mul3A_125 {strides = array<i32>} : memref<80x128xf32, #tpu.memory_space<vmem>>, vector<16xf32>,
        %get3A_129 = arith.index_cast %scan3A_95 : i32 to index
        %get3A_130 = arith.constant 80 : index
        %get3A_131 = tpu.vector_load %arg12[%get3A_129, %get3A_130] {strides = array<i32>} : memref<80x128xf32, #tpu.memory_space<vmem>>, vector<16xf32>,
        %mul3A_132 = arith.mulf %get3A_131, %gather3A : vector<16xf32>
        %swap3A_133 = arith.index_cast %scan3A_95 : i32 to index
        %swap3A_134 = arith.constant 80 : index
        %swap3A_135 = tpu.vector_load %arg12[%swap3A_133, %swap3A_134] {strides = array<i32>} : memref<80x128xf32, #tpu.memory_space<vmem>>, vector<16xf32>,
        tpu.vector_store %arg12[%swap3A_133, %swap3A_134], %mul3A_132 {strides = array<i32>} : memref<80x128xf32, #tpu.memory_space<vmem>>, vector<16xf32>,
        %get3A_136 = arith.index_cast %scan3A_95 : i32 to index
        %get3A_137 = arith.constant 96 : index
        %get3A_138 = tpu.vector_load %arg12[%get3A_136, %get3A_137] {strides = array<i32>} : memref<80x128xf32, #tpu.memory_space<vmem>>, vector<16xf32>,
        %mul3A_139 = arith.mulf %get3A_138, %gather3A : vector<16xf32>
        %swap3A_140 = arith.index_cast %scan3A_95 : i32 to index
        %swap3A_141 = arith.constant 96 : index
        %swap3A_142 = tpu.vector_load %arg12[%swap3A_140, %swap3A_141] {strides = array<i32>} : memref<80x128xf32, #tpu.memory_space<vmem>>, vector<16xf32>,
        tpu.vector_store %arg12[%swap3A_140, %swap3A_141], %mul3A_139 {strides = array<i32>} : memref<80x128xf32, #tpu.memory_space<vmem>>, vector<16xf32>,
        %get3A_143 = arith.index_cast %scan3A_95 : i32 to index
        %get3A_144 = arith.constant 112 : index
        %get3A_145 = tpu.vector_load %arg12[%get3A_143, %get3A_144] {strides = array<i32>} : memref<80x128xf32, #tpu.memory_space<vmem>>, vector<16xf32>,
        %mul3A_146 = arith.mulf %get3A_145, %gather3A : vector<16xf32>
        %swap3A_147 = arith.index_cast %scan3A_95 : i32 to index
        %swap3A_148 = arith.constant 112 : index
        %swap3A_149 = tpu.vector_load %arg12[%swap3A_147, %swap3A_148] {strides = array<i32>} : memref<80x128xf32, #tpu.memory_space<vmem>>, vector<16xf32>,
        tpu.vector_store %arg12[%swap3A_147, %swap3A_148], %mul3A_146 {strides = array<i32>} : memref<80x128xf32, #tpu.memory_space<vmem>>, vector<16xf32>,
      }
      %scan3A_94 = arith.constant 80 : i32
      "tpu.region"() ({
        %run_scoped3A = tpu.sem_alloc : memref<!tpu.dma_semaphore, #tpu.memory_space<semaphore_mem>>
        %dma_start3A_95 = arith.constant 0 : i32
        %dma_start3A_96 = arith.constant 0 : i32
        %dma_start3A_97 = tpu.memref_slice %arg8[%dma_start3A_95, %dma_start3A_96] : memref<15000x128xf32, #tpu.memory_space<vmem_shared>> -> memref<15000x128xf32, #tpu.memory_space<vmem_shared>>
        tpu.enqueue_indirect_dma source(%arg12 : memref<80x128xf32, #tpu.memory_space<vmem>>) target(%dma_start3A_97 : memref<15000x128xf32, #tpu.memory_space<vmem_shared>>) offsets(%arg9 : memref<80xi32, #tpu.memory_space<vmem>>) semaphore(%run_scoped3A : memref<!tpu.dma_semaphore, #tpu.memory_space<semaphore_mem>>) {add = true}
        %dma_wait3A_98 = arith.constant 0 : i32
        %dma_wait3A_99 = arith.constant 0 : i32
        %dma_wait3A_100 = tpu.memref_slice %arg8[%dma_wait3A_98, %dma_wait3A_99] : memref<15000x128xf32, #tpu.memory_space<vmem_shared>> -> memref<15000x128xf32, #tpu.memory_space<vmem_shared>>
        tpu.wait_indirect_dma semaphore(%run_scoped3A : memref<!tpu.dma_semaphore, #tpu.memory_space<semaphore_mem>>) src(%arg12 : memref<80x128xf32, #tpu.memory_space<vmem>>) dst(%dma_wait3A_100 : memref<15000x128xf32, #tpu.memory_space<vmem_shared>>)
        tpu.yield
      }) : () -> ()
    }
    %scan3A_36 = arith.constant 250 : i32
    %barrier3A_37 = arith.constant 0 : index
    tpu.barrier barrier_id(%barrier3A_37)
    %add3A_38 = arith.constant 0 : i32
    %add3A_39 = arith.addi %arg1, %add3A_38 : i32
    %lt3A_40 = arith.constant 75 : i32
    %lt3A_41 = arith.cmpi slt, %add3A_39, %lt3A_40 : i32
    %convert_element_type3A_42 = arith.extui %lt3A_41 : i1 to i32
    %cond3A_43 = arith.constant 0 : i32
    %cond3A_44 = arith.cmpi ne, %convert_element_type3A_42, %cond3A_43 : i32
    scf.if %cond3A_44 {
      %mul3A_73 = arith.constant 200 : i32
      %mul3A_74 = arith.muli %add3A_39, %mul3A_73 : i32
      %mul3A_75 = arith.constant 200 : i32
      %mul3A_76 = arith.muli %add3A_39, %mul3A_75 : i32
      %add3A_77 = arith.addi %mul3A_31, %mul3A_76 : i32
      "tpu.region"() ({
        %run_scoped3A = tpu.sem_alloc : memref<!tpu.dma_semaphore, #tpu.memory_space<semaphore_mem>>
        %dma_start3A = arith.constant 0 : i32
        %dma_start3A_78 = tpu.memref_slice %arg7[%add3A_77, %dma_start3A] : memref<30000x128xf32, #tpu.memory_space<hbm>> -> memref<200x128xf32, #tpu.memory_space<hbm>>
        %dma_start3A_79 = arith.constant 0 : i32
        %dma_start3A_80 = tpu.memref_slice %arg8[%mul3A_74, %dma_start3A_79] : memref<15000x128xf32, #tpu.memory_space<vmem_shared>> -> memref<200x128xf32, #tpu.memory_space<vmem_shared>>
        tpu.enqueue_dma source(%dma_start3A_80 : memref<200x128xf32, #tpu.memory_space<vmem_shared>>) target(%dma_start3A_78 : memref<200x128xf32, #tpu.memory_space<hbm>>) target_semaphore(%run_scoped3A : memref<!tpu.dma_semaphore, #tpu.memory_space<semaphore_mem>>)
        %dma_wait3A = arith.constant 0 : i32
        %dma_wait3A_81 = tpu.memref_slice %arg7[%add3A_77, %dma_wait3A] : memref<30000x128xf32, #tpu.memory_space<hbm>> -> memref<200x128xf32, #tpu.memory_space<hbm>>
        %dma_wait3A_82 = arith.constant 0 : i32
        %dma_wait3A_83 = tpu.memref_slice %arg8[%mul3A_74, %dma_wait3A_82] : memref<15000x128xf32, #tpu.memory_space<vmem_shared>> -> memref<200x128xf32, #tpu.memory_space<vmem_shared>>
        tpu.wait_dma2 semaphore(%run_scoped3A : memref<!tpu.dma_semaphore, #tpu.memory_space<semaphore_mem>>) src(%dma_wait3A_83 : memref<200x128xf32, #tpu.memory_space<vmem_shared>>) dst(%dma_wait3A_81 : memref<200x128xf32, #tpu.memory_space<hbm>>)
        tpu.yield
      }) : () -> ()
    } else {
    }
    %add3A_45 = arith.constant 16 : i32
    %add3A_46 = arith.addi %arg1, %add3A_45 : i32
    %lt3A_47 = arith.constant 75 : i32
    %lt3A_48 = arith.cmpi slt, %add3A_46, %lt3A_47 : i32
    %convert_element_type3A_49 = arith.extui %lt3A_48 : i1 to i32
    %cond3A_50 = arith.constant 0 : i32
    %cond3A_51 = arith.cmpi ne, %convert_element_type3A_49, %cond3A_50 : i32
    scf.if %cond3A_51 {
      %mul3A_73 = arith.constant 200 : i32
      %mul3A_74 = arith.muli %add3A_46, %mul3A_73 : i32
      %mul3A_75 = arith.constant 200 : i32
      %mul3A_76 = arith.muli %add3A_46, %mul3A_75 : i32
      %add3A_77 = arith.addi %mul3A_31, %mul3A_76 : i32
      "tpu.region"() ({
        %run_scoped3A = tpu.sem_alloc : memref<!tpu.dma_semaphore, #tpu.memory_space<semaphore_mem>>
        %dma_start3A = arith.constant 0 : i32
        %dma_start3A_78 = tpu.memref_slice %arg7[%add3A_77, %dma_start3A] : memref<30000x128xf32, #tpu.memory_space<hbm>> -> memref<200x128xf32, #tpu.memory_space<hbm>>
        %dma_start3A_79 = arith.constant 0 : i32
        %dma_start3A_80 = tpu.memref_slice %arg8[%mul3A_74, %dma_start3A_79] : memref<15000x128xf32, #tpu.memory_space<vmem_shared>> -> memref<200x128xf32, #tpu.memory_space<vmem_shared>>
        tpu.enqueue_dma source(%dma_start3A_80 : memref<200x128xf32, #tpu.memory_space<vmem_shared>>) target(%dma_start3A_78 : memref<200x128xf32, #tpu.memory_space<hbm>>) target_semaphore(%run_scoped3A : memref<!tpu.dma_semaphore, #tpu.memory_space<semaphore_mem>>)
        %dma_wait3A = arith.constant 0 : i32
        %dma_wait3A_81 = tpu.memref_slice %arg7[%add3A_77, %dma_wait3A] : memref<30000x128xf32, #tpu.memory_space<hbm>> -> memref<200x128xf32, #tpu.memory_space<hbm>>
        %dma_wait3A_82 = arith.constant 0 : i32
        %dma_wait3A_83 = tpu.memref_slice %arg8[%mul3A_74, %dma_wait3A_82] : memref<15000x128xf32, #tpu.memory_space<vmem_shared>> -> memref<200x128xf32, #tpu.memory_space<vmem_shared>>
        tpu.wait_dma2 semaphore(%run_scoped3A : memref<!tpu.dma_semaphore, #tpu.memory_space<semaphore_mem>>) src(%dma_wait3A_83 : memref<200x128xf32, #tpu.memory_space<vmem_shared>>) dst(%dma_wait3A_81 : memref<200x128xf32, #tpu.memory_space<hbm>>)
        tpu.yield
      }) : () -> ()
    } else {
    }
    %add3A_52 = arith.constant 32 : i32
    %add3A_53 = arith.addi %arg1, %add3A_52 : i32
    %lt3A_54 = arith.constant 75 : i32
    %lt3A_55 = arith.cmpi slt, %add3A_53, %lt3A_54 : i32
    %convert_element_type3A_56 = arith.extui %lt3A_55 : i1 to i32
    %cond3A_57 = arith.constant 0 : i32
    %cond3A_58 = arith.cmpi ne, %convert_element_type3A_56, %cond3A_57 : i32
    scf.if %cond3A_58 {
      %mul3A_73 = arith.constant 200 : i32
      %mul3A_74 = arith.muli %add3A_53, %mul3A_73 : i32
      %mul3A_75 = arith.constant 200 : i32
      %mul3A_76 = arith.muli %add3A_53, %mul3A_75 : i32
      %add3A_77 = arith.addi %mul3A_31, %mul3A_76 : i32
      "tpu.region"() ({
        %run_scoped3A = tpu.sem_alloc : memref<!tpu.dma_semaphore, #tpu.memory_space<semaphore_mem>>
        %dma_start3A = arith.constant 0 : i32
        %dma_start3A_78 = tpu.memref_slice %arg7[%add3A_77, %dma_start3A] : memref<30000x128xf32, #tpu.memory_space<hbm>> -> memref<200x128xf32, #tpu.memory_space<hbm>>
        %dma_start3A_79 = arith.constant 0 : i32
        %dma_start3A_80 = tpu.memref_slice %arg8[%mul3A_74, %dma_start3A_79] : memref<15000x128xf32, #tpu.memory_space<vmem_shared>> -> memref<200x128xf32, #tpu.memory_space<vmem_shared>>
        tpu.enqueue_dma source(%dma_start3A_80 : memref<200x128xf32, #tpu.memory_space<vmem_shared>>) target(%dma_start3A_78 : memref<200x128xf32, #tpu.memory_space<hbm>>) target_semaphore(%run_scoped3A : memref<!tpu.dma_semaphore, #tpu.memory_space<semaphore_mem>>)
        %dma_wait3A = arith.constant 0 : i32
        %dma_wait3A_81 = tpu.memref_slice %arg7[%add3A_77, %dma_wait3A] : memref<30000x128xf32, #tpu.memory_space<hbm>> -> memref<200x128xf32, #tpu.memory_space<hbm>>
        %dma_wait3A_82 = arith.constant 0 : i32
        %dma_wait3A_83 = tpu.memref_slice %arg8[%mul3A_74, %dma_wait3A_82] : memref<15000x128xf32, #tpu.memory_space<vmem_shared>> -> memref<200x128xf32, #tpu.memory_space<vmem_shared>>
        tpu.wait_dma2 semaphore(%run_scoped3A : memref<!tpu.dma_semaphore, #tpu.memory_space<semaphore_mem>>) src(%dma_wait3A_83 : memref<200x128xf32, #tpu.memory_space<vmem_shared>>) dst(%dma_wait3A_81 : memref<200x128xf32, #tpu.memory_space<hbm>>)
        tpu.yield
      }) : () -> ()
    } else {
    }
    %add3A_59 = arith.constant 48 : i32
    %add3A_60 = arith.addi %arg1, %add3A_59 : i32
    %lt3A_61 = arith.constant 75 : i32
    %lt3A_62 = arith.cmpi slt, %add3A_60, %lt3A_61 : i32
    %convert_element_type3A_63 = arith.extui %lt3A_62 : i1 to i32
    %cond3A_64 = arith.constant 0 : i32
    %cond3A_65 = arith.cmpi ne, %convert_element_type3A_63, %cond3A_64 : i32
    scf.if %cond3A_65 {
      %mul3A_73 = arith.constant 200 : i32
      %mul3A_74 = arith.muli %add3A_60, %mul3A_73 : i32
      %mul3A_75 = arith.constant 200 : i32
      %mul3A_76 = arith.muli %add3A_60, %mul3A_75 : i32
      %add3A_77 = arith.addi %mul3A_31, %mul3A_76 : i32
      "tpu.region"() ({
        %run_scoped3A = tpu.sem_alloc : memref<!tpu.dma_semaphore, #tpu.memory_space<semaphore_mem>>
        %dma_start3A = arith.constant 0 : i32
        %dma_start3A_78 = tpu.memref_slice %arg7[%add3A_77, %dma_start3A] : memref<30000x128xf32, #tpu.memory_space<hbm>> -> memref<200x128xf32, #tpu.memory_space<hbm>>
        %dma_start3A_79 = arith.constant 0 : i32
        %dma_start3A_80 = tpu.memref_slice %arg8[%mul3A_74, %dma_start3A_79] : memref<15000x128xf32, #tpu.memory_space<vmem_shared>> -> memref<200x128xf32, #tpu.memory_space<vmem_shared>>
        tpu.enqueue_dma source(%dma_start3A_80 : memref<200x128xf32, #tpu.memory_space<vmem_shared>>) target(%dma_start3A_78 : memref<200x128xf32, #tpu.memory_space<hbm>>) target_semaphore(%run_scoped3A : memref<!tpu.dma_semaphore, #tpu.memory_space<semaphore_mem>>)
        %dma_wait3A = arith.constant 0 : i32
        %dma_wait3A_81 = tpu.memref_slice %arg7[%add3A_77, %dma_wait3A] : memref<30000x128xf32, #tpu.memory_space<hbm>> -> memref<200x128xf32, #tpu.memory_space<hbm>>
        %dma_wait3A_82 = arith.constant 0 : i32
        %dma_wait3A_83 = tpu.memref_slice %arg8[%mul3A_74, %dma_wait3A_82] : memref<15000x128xf32, #tpu.memory_space<vmem_shared>> -> memref<200x128xf32, #tpu.memory_space<vmem_shared>>
        tpu.wait_dma2 semaphore(%run_scoped3A : memref<!tpu.dma_semaphore, #tpu.memory_space<semaphore_mem>>) src(%dma_wait3A_83 : memref<200x128xf32, #tpu.memory_space<vmem_shared>>) dst(%dma_wait3A_81 : memref<200x128xf32, #tpu.memory_space<hbm>>)
        tpu.yield
      }) : () -> ()
    } else {
    }
    %add3A_66 = arith.constant 64 : i32
    %add3A_67 = arith.addi %arg1, %add3A_66 : i32
    %lt3A_68 = arith.constant 75 : i32
    %lt3A_69 = arith.cmpi slt, %add3A_67, %lt3A_68 : i32
    %convert_element_type3A_70 = arith.extui %lt3A_69 : i1 to i32
    %cond3A_71 = arith.constant 0 : i32
    %cond3A_72 = arith.cmpi ne, %convert_element_type3A_70, %cond3A_71 : i32
    scf.if %cond3A_72 {
      %mul3A_73 = arith.constant 200 : i32
      %mul3A_74 = arith.muli %add3A_67, %mul3A_73 : i32
      %mul3A_75 = arith.constant 200 : i32
      %mul3A_76 = arith.muli %add3A_67, %mul3A_75 : i32
      %add3A_77 = arith.addi %mul3A_31, %mul3A_76 : i32
      "tpu.region"() ({
        %run_scoped3A = tpu.sem_alloc : memref<!tpu.dma_semaphore, #tpu.memory_space<semaphore_mem>>
        %dma_start3A = arith.constant 0 : i32
        %dma_start3A_78 = tpu.memref_slice %arg7[%add3A_77, %dma_start3A] : memref<30000x128xf32, #tpu.memory_space<hbm>> -> memref<200x128xf32, #tpu.memory_space<hbm>>
        %dma_start3A_79 = arith.constant 0 : i32
        %dma_start3A_80 = tpu.memref_slice %arg8[%mul3A_74, %dma_start3A_79] : memref<15000x128xf32, #tpu.memory_space<vmem_shared>> -> memref<200x128xf32, #tpu.memory_space<vmem_shared>>
        tpu.enqueue_dma source(%dma_start3A_80 : memref<200x128xf32, #tpu.memory_space<vmem_shared>>) target(%dma_start3A_78 : memref<200x128xf32, #tpu.memory_space<hbm>>) target_semaphore(%run_scoped3A : memref<!tpu.dma_semaphore, #tpu.memory_space<semaphore_mem>>)
        %dma_wait3A = arith.constant 0 : i32
        %dma_wait3A_81 = tpu.memref_slice %arg7[%add3A_77, %dma_wait3A] : memref<30000x128xf32, #tpu.memory_space<hbm>> -> memref<200x128xf32, #tpu.memory_space<hbm>>
        %dma_wait3A_82 = arith.constant 0 : i32
        %dma_wait3A_83 = tpu.memref_slice %arg8[%mul3A_74, %dma_wait3A_82] : memref<15000x128xf32, #tpu.memory_space<vmem_shared>> -> memref<200x128xf32, #tpu.memory_space<vmem_shared>>
        tpu.wait_dma2 semaphore(%run_scoped3A : memref<!tpu.dma_semaphore, #tpu.memory_space<semaphore_mem>>) src(%dma_wait3A_83 : memref<200x128xf32, #tpu.memory_space<vmem_shared>>) dst(%dma_wait3A_81 : memref<200x128xf32, #tpu.memory_space<hbm>>)
        tpu.yield
      }) : () -> ()
    } else {
    }
    return
  }
}

#map = affine_map<(d0, d1) -> (0, 0)>
#map1 = affine_map<(d0, d1) -> (0)>
module attributes {stable_mosaic.version = 14 : i64} {
  func.func @_inter_pass(%arg0: i32, %arg1: i32, %arg2: memref<10000x128xf32, #tpu.memory_space<hbm>>, %arg3: memref<640000xi32, #tpu.memory_space<hbm>>, %arg4: memref<320000xi32, #tpu.memory_space<hbm>>, %arg5: memref<640000xf32, #tpu.memory_space<hbm>>, %arg6: memref<200x128xf32, #tpu.memory_space<hbm>>, %arg7: memref<30000x128xf32, #tpu.memory_space<hbm>>, %arg8: memref<15000x128xf32, #tpu.memory_space<vmem_shared>>, %arg9: memref<80xi32, #tpu.memory_space<vmem>>, %arg10: memref<80xi32, #tpu.memory_space<vmem>>, %arg11: memref<80xf32, #tpu.memory_space<vmem>>, %arg12: memref<80x128xf32, #tpu.memory_space<vmem>>, %arg13: memref<!tpu.dma_semaphore, #tpu.memory_space<semaphore_mem>>, %arg14: memref<!tpu.dma_semaphore, #tpu.memory_space<semaphore_mem>>, %arg15: memref<!tpu.dma_semaphore, #tpu.memory_space<semaphore_mem>>) attributes {dimension_semantics = [#tpu.dimension_semantics<core_parallel>, #tpu.dimension_semantics<subcore_parallel>], iteration_bounds = array<i64: 2, 16>, scalar_prefetch = 0 : i64, scratch_operands = 8 : i64, tpu.core_type = #tpu.core_type<sc_vector_subcore>, window_params = [{transform_indices = #map}, {transform_indices = #map1}, {transform_indices = #map1}, {transform_indices = #map1}, {transform_indices = #map}, {transform_indices = #map}]} {
    %add3A = arith.constant 0 : i32
    %add3A_0 = arith.addi %arg1, %add3A : i32
    %lt3A = arith.constant 75 : i32
    %lt3A_1 = arith.cmpi slt, %add3A_0, %lt3A : i32
    %convert_element_type3A = arith.extui %lt3A_1 : i1 to i32
    %cond3A = arith.constant 0 : i32
    %cond3A_2 = arith.cmpi ne, %convert_element_type3A, %cond3A : i32
    scf.if %cond3A_2 {
      %mul3A_73 = arith.constant 200 : i32
      %mul3A_74 = arith.muli %add3A_0, %mul3A_73 : i32
      "tpu.region"() ({
        %run_scoped3A = tpu.sem_alloc : memref<!tpu.dma_semaphore, #tpu.memory_space<semaphore_mem>>
        %dma_start3A = arith.constant 0 : i32
        %dma_start3A_75 = tpu.memref_slice %arg8[%mul3A_74, %dma_start3A] : memref<15000x128xf32, #tpu.memory_space<vmem_shared>> -> memref<200x128xf32, #tpu.memory_space<vmem_shared>>
        tpu.enqueue_dma source(%arg6 : memref<200x128xf32, #tpu.memory_space<hbm>>) target(%dma_start3A_75 : memref<200x128xf32, #tpu.memory_space<vmem_shared>>) target_semaphore(%run_scoped3A : memref<!tpu.dma_semaphore, #tpu.memory_space<semaphore_mem>>)
        %dma_wait3A = arith.constant 0 : i32
        %dma_wait3A_76 = tpu.memref_slice %arg8[%mul3A_74, %dma_wait3A] : memref<15000x128xf32, #tpu.memory_space<vmem_shared>> -> memref<200x128xf32, #tpu.memory_space<vmem_shared>>
        tpu.wait_dma2 semaphore(%run_scoped3A : memref<!tpu.dma_semaphore, #tpu.memory_space<semaphore_mem>>) src(%arg6 : memref<200x128xf32, #tpu.memory_space<hbm>>) dst(%dma_wait3A_76 : memref<200x128xf32, #tpu.memory_space<vmem_shared>>)
        tpu.yield
      }) : () -> ()
    } else {
    }
    %add3A_3 = arith.constant 16 : i32
    %add3A_4 = arith.addi %arg1, %add3A_3 : i32
    %lt3A_5 = arith.constant 75 : i32
    %lt3A_6 = arith.cmpi slt, %add3A_4, %lt3A_5 : i32
    %convert_element_type3A_7 = arith.extui %lt3A_6 : i1 to i32
    %cond3A_8 = arith.constant 0 : i32
    %cond3A_9 = arith.cmpi ne, %convert_element_type3A_7, %cond3A_8 : i32
    scf.if %cond3A_9 {
      %mul3A_73 = arith.constant 200 : i32
      %mul3A_74 = arith.muli %add3A_4, %mul3A_73 : i32
      "tpu.region"() ({
        %run_scoped3A = tpu.sem_alloc : memref<!tpu.dma_semaphore, #tpu.memory_space<semaphore_mem>>
        %dma_start3A = arith.constant 0 : i32
        %dma_start3A_75 = tpu.memref_slice %arg8[%mul3A_74, %dma_start3A] : memref<15000x128xf32, #tpu.memory_space<vmem_shared>> -> memref<200x128xf32, #tpu.memory_space<vmem_shared>>
        tpu.enqueue_dma source(%arg6 : memref<200x128xf32, #tpu.memory_space<hbm>>) target(%dma_start3A_75 : memref<200x128xf32, #tpu.memory_space<vmem_shared>>) target_semaphore(%run_scoped3A : memref<!tpu.dma_semaphore, #tpu.memory_space<semaphore_mem>>)
        %dma_wait3A = arith.constant 0 : i32
        %dma_wait3A_76 = tpu.memref_slice %arg8[%mul3A_74, %dma_wait3A] : memref<15000x128xf32, #tpu.memory_space<vmem_shared>> -> memref<200x128xf32, #tpu.memory_space<vmem_shared>>
        tpu.wait_dma2 semaphore(%run_scoped3A : memref<!tpu.dma_semaphore, #tpu.memory_space<semaphore_mem>>) src(%arg6 : memref<200x128xf32, #tpu.memory_space<hbm>>) dst(%dma_wait3A_76 : memref<200x128xf32, #tpu.memory_space<vmem_shared>>)
        tpu.yield
      }) : () -> ()
    } else {
    }
    %add3A_10 = arith.constant 32 : i32
    %add3A_11 = arith.addi %arg1, %add3A_10 : i32
    %lt3A_12 = arith.constant 75 : i32
    %lt3A_13 = arith.cmpi slt, %add3A_11, %lt3A_12 : i32
    %convert_element_type3A_14 = arith.extui %lt3A_13 : i1 to i32
    %cond3A_15 = arith.constant 0 : i32
    %cond3A_16 = arith.cmpi ne, %convert_element_type3A_14, %cond3A_15 : i32
    scf.if %cond3A_16 {
      %mul3A_73 = arith.constant 200 : i32
      %mul3A_74 = arith.muli %add3A_11, %mul3A_73 : i32
      "tpu.region"() ({
        %run_scoped3A = tpu.sem_alloc : memref<!tpu.dma_semaphore, #tpu.memory_space<semaphore_mem>>
        %dma_start3A = arith.constant 0 : i32
        %dma_start3A_75 = tpu.memref_slice %arg8[%mul3A_74, %dma_start3A] : memref<15000x128xf32, #tpu.memory_space<vmem_shared>> -> memref<200x128xf32, #tpu.memory_space<vmem_shared>>
        tpu.enqueue_dma source(%arg6 : memref<200x128xf32, #tpu.memory_space<hbm>>) target(%dma_start3A_75 : memref<200x128xf32, #tpu.memory_space<vmem_shared>>) target_semaphore(%run_scoped3A : memref<!tpu.dma_semaphore, #tpu.memory_space<semaphore_mem>>)
        %dma_wait3A = arith.constant 0 : i32
        %dma_wait3A_76 = tpu.memref_slice %arg8[%mul3A_74, %dma_wait3A] : memref<15000x128xf32, #tpu.memory_space<vmem_shared>> -> memref<200x128xf32, #tpu.memory_space<vmem_shared>>
        tpu.wait_dma2 semaphore(%run_scoped3A : memref<!tpu.dma_semaphore, #tpu.memory_space<semaphore_mem>>) src(%arg6 : memref<200x128xf32, #tpu.memory_space<hbm>>) dst(%dma_wait3A_76 : memref<200x128xf32, #tpu.memory_space<vmem_shared>>)
        tpu.yield
      }) : () -> ()
    } else {
    }
    %add3A_17 = arith.constant 48 : i32
    %add3A_18 = arith.addi %arg1, %add3A_17 : i32
    %lt3A_19 = arith.constant 75 : i32
    %lt3A_20 = arith.cmpi slt, %add3A_18, %lt3A_19 : i32
    %convert_element_type3A_21 = arith.extui %lt3A_20 : i1 to i32
    %cond3A_22 = arith.constant 0 : i32
    %cond3A_23 = arith.cmpi ne, %convert_element_type3A_21, %cond3A_22 : i32
    scf.if %cond3A_23 {
      %mul3A_73 = arith.constant 200 : i32
      %mul3A_74 = arith.muli %add3A_18, %mul3A_73 : i32
      "tpu.region"() ({
        %run_scoped3A = tpu.sem_alloc : memref<!tpu.dma_semaphore, #tpu.memory_space<semaphore_mem>>
        %dma_start3A = arith.constant 0 : i32
        %dma_start3A_75 = tpu.memref_slice %arg8[%mul3A_74, %dma_start3A] : memref<15000x128xf32, #tpu.memory_space<vmem_shared>> -> memref<200x128xf32, #tpu.memory_space<vmem_shared>>
        tpu.enqueue_dma source(%arg6 : memref<200x128xf32, #tpu.memory_space<hbm>>) target(%dma_start3A_75 : memref<200x128xf32, #tpu.memory_space<vmem_shared>>) target_semaphore(%run_scoped3A : memref<!tpu.dma_semaphore, #tpu.memory_space<semaphore_mem>>)
        %dma_wait3A = arith.constant 0 : i32
        %dma_wait3A_76 = tpu.memref_slice %arg8[%mul3A_74, %dma_wait3A] : memref<15000x128xf32, #tpu.memory_space<vmem_shared>> -> memref<200x128xf32, #tpu.memory_space<vmem_shared>>
        tpu.wait_dma2 semaphore(%run_scoped3A : memref<!tpu.dma_semaphore, #tpu.memory_space<semaphore_mem>>) src(%arg6 : memref<200x128xf32, #tpu.memory_space<hbm>>) dst(%dma_wait3A_76 : memref<200x128xf32, #tpu.memory_space<vmem_shared>>)
        tpu.yield
      }) : () -> ()
    } else {
    }
    %add3A_24 = arith.constant 64 : i32
    %add3A_25 = arith.addi %arg1, %add3A_24 : i32
    %lt3A_26 = arith.constant 75 : i32
    %lt3A_27 = arith.cmpi slt, %add3A_25, %lt3A_26 : i32
    %convert_element_type3A_28 = arith.extui %lt3A_27 : i1 to i32
    %cond3A_29 = arith.constant 0 : i32
    %cond3A_30 = arith.cmpi ne, %convert_element_type3A_28, %cond3A_29 : i32
    scf.if %cond3A_30 {
      %mul3A_73 = arith.constant 200 : i32
      %mul3A_74 = arith.muli %add3A_25, %mul3A_73 : i32
      "tpu.region"() ({
        %run_scoped3A = tpu.sem_alloc : memref<!tpu.dma_semaphore, #tpu.memory_space<semaphore_mem>>
        %dma_start3A = arith.constant 0 : i32
        %dma_start3A_75 = tpu.memref_slice %arg8[%mul3A_74, %dma_start3A] : memref<15000x128xf32, #tpu.memory_space<vmem_shared>> -> memref<200x128xf32, #tpu.memory_space<vmem_shared>>
        tpu.enqueue_dma source(%arg6 : memref<200x128xf32, #tpu.memory_space<hbm>>) target(%dma_start3A_75 : memref<200x128xf32, #tpu.memory_space<vmem_shared>>) target_semaphore(%run_scoped3A : memref<!tpu.dma_semaphore, #tpu.memory_space<semaphore_mem>>)
        %dma_wait3A = arith.constant 0 : i32
        %dma_wait3A_76 = tpu.memref_slice %arg8[%mul3A_74, %dma_wait3A] : memref<15000x128xf32, #tpu.memory_space<vmem_shared>> -> memref<200x128xf32, #tpu.memory_space<vmem_shared>>
        tpu.wait_dma2 semaphore(%run_scoped3A : memref<!tpu.dma_semaphore, #tpu.memory_space<semaphore_mem>>) src(%arg6 : memref<200x128xf32, #tpu.memory_space<hbm>>) dst(%dma_wait3A_76 : memref<200x128xf32, #tpu.memory_space<vmem_shared>>)
        tpu.yield
      }) : () -> ()
    } else {
    }
    %barrier3A = arith.constant 0 : index
    tpu.barrier barrier_id(%barrier3A)
    %mul3A = arith.constant 15000 : i32
    %mul3A_31 = arith.muli %arg0, %mul3A : i32
    %scan3A = arith.constant 0 : i32
    %scan3A_32 = arith.constant 0 : i32
    %scan3A_33 = arith.constant 250 : i32
    %scan3A_34 = arith.addi %scan3A_32, %scan3A_33 : i32
    %scan3A_35 = arith.constant 1 : i32
    scf.for %scan3A_73 = %scan3A_32 to %scan3A_34 step %scan3A_35  : i32 {
      %mul3A_74 = arith.constant 20000 : i32
      %mul3A_75 = arith.muli %arg1, %mul3A_74 : i32
      %mul3A_76 = arith.constant 80 : i32
      %mul3A_77 = arith.muli %scan3A_73, %mul3A_76 : i32
      %add3A_78 = arith.addi %mul3A_75, %mul3A_77 : i32
      %multiple_of3A = tpu.assume_multiple %add3A_78, 8 : i32
      %mul3A_79 = arith.constant 320000 : i32
      %mul3A_80 = arith.muli %arg0, %mul3A_79 : i32
      %add3A_81 = arith.addi %mul3A_80, %multiple_of3A : i32
      "tpu.region"() ({
        %run_scoped3A = tpu.sem_alloc : memref<!tpu.dma_semaphore, #tpu.memory_space<semaphore_mem>>
        %dma_start3A_95 = tpu.memref_slice %arg3[%add3A_81] : memref<640000xi32, #tpu.memory_space<hbm>> -> memref<80xi32, #tpu.memory_space<hbm>>
        %dma_start3A_96 = tpu.memref_slice %arg3[%add3A_81] : memref<640000xi32, #tpu.memory_space<hbm>> -> memref<80xi32, #tpu.memory_space<hbm>>
        tpu.enqueue_dma source(%dma_start3A_96 : memref<80xi32, #tpu.memory_space<hbm>>) target(%arg9 : memref<80xi32, #tpu.memory_space<vmem>>) target_semaphore(%run_scoped3A : memref<!tpu.dma_semaphore, #tpu.memory_space<semaphore_mem>>)
        %dma_wait3A_97 = tpu.memref_slice %arg3[%add3A_81] : memref<640000xi32, #tpu.memory_space<hbm>> -> memref<80xi32, #tpu.memory_space<hbm>>
        %dma_wait3A_98 = tpu.memref_slice %arg3[%add3A_81] : memref<640000xi32, #tpu.memory_space<hbm>> -> memref<80xi32, #tpu.memory_space<hbm>>
        tpu.wait_dma2 semaphore(%run_scoped3A : memref<!tpu.dma_semaphore, #tpu.memory_space<semaphore_mem>>) src(%dma_wait3A_98 : memref<80xi32, #tpu.memory_space<hbm>>) dst(%arg9 : memref<80xi32, #tpu.memory_space<vmem>>)
        tpu.yield
      }) : () -> ()
      "tpu.region"() ({
        %run_scoped3A = tpu.sem_alloc : memref<!tpu.dma_semaphore, #tpu.memory_space<semaphore_mem>>
        %dma_start3A_95 = tpu.memref_slice %arg4[%multiple_of3A] : memref<320000xi32, #tpu.memory_space<hbm>> -> memref<80xi32, #tpu.memory_space<hbm>>
        %dma_start3A_96 = tpu.memref_slice %arg4[%multiple_of3A] : memref<320000xi32, #tpu.memory_space<hbm>> -> memref<80xi32, #tpu.memory_space<hbm>>
        tpu.enqueue_dma source(%dma_start3A_96 : memref<80xi32, #tpu.memory_space<hbm>>) target(%arg10 : memref<80xi32, #tpu.memory_space<vmem>>) target_semaphore(%run_scoped3A : memref<!tpu.dma_semaphore, #tpu.memory_space<semaphore_mem>>)
        %dma_wait3A_97 = tpu.memref_slice %arg4[%multiple_of3A] : memref<320000xi32, #tpu.memory_space<hbm>> -> memref<80xi32, #tpu.memory_space<hbm>>
        %dma_wait3A_98 = tpu.memref_slice %arg4[%multiple_of3A] : memref<320000xi32, #tpu.memory_space<hbm>> -> memref<80xi32, #tpu.memory_space<hbm>>
        tpu.wait_dma2 semaphore(%run_scoped3A : memref<!tpu.dma_semaphore, #tpu.memory_space<semaphore_mem>>) src(%dma_wait3A_98 : memref<80xi32, #tpu.memory_space<hbm>>) dst(%arg10 : memref<80xi32, #tpu.memory_space<vmem>>)
        tpu.yield
      }) : () -> ()
      %mul3A_82 = arith.constant 320000 : i32
      %mul3A_83 = arith.muli %arg0, %mul3A_82 : i32
      %add3A_84 = arith.addi %mul3A_83, %multiple_of3A : i32
      "tpu.region"() ({
        %run_scoped3A = tpu.sem_alloc : memref<!tpu.dma_semaphore, #tpu.memory_space<semaphore_mem>>
        %dma_start3A_95 = tpu.memref_slice %arg5[%add3A_84] : memref<640000xf32, #tpu.memory_space<hbm>> -> memref<80xf32, #tpu.memory_space<hbm>>
        %dma_start3A_96 = tpu.memref_slice %arg5[%add3A_84] : memref<640000xf32, #tpu.memory_space<hbm>> -> memref<80xf32, #tpu.memory_space<hbm>>
        tpu.enqueue_dma source(%dma_start3A_96 : memref<80xf32, #tpu.memory_space<hbm>>) target(%arg11 : memref<80xf32, #tpu.memory_space<vmem>>) target_semaphore(%run_scoped3A : memref<!tpu.dma_semaphore, #tpu.memory_space<semaphore_mem>>)
        %dma_wait3A_97 = tpu.memref_slice %arg5[%add3A_84] : memref<640000xf32, #tpu.memory_space<hbm>> -> memref<80xf32, #tpu.memory_space<hbm>>
        %dma_wait3A_98 = tpu.memref_slice %arg5[%add3A_84] : memref<640000xf32, #tpu.memory_space<hbm>> -> memref<80xf32, #tpu.memory_space<hbm>>
        tpu.wait_dma2 semaphore(%run_scoped3A : memref<!tpu.dma_semaphore, #tpu.memory_space<semaphore_mem>>) src(%dma_wait3A_98 : memref<80xf32, #tpu.memory_space<hbm>>) dst(%arg11 : memref<80xf32, #tpu.memory_space<vmem>>)
        tpu.yield
      }) : () -> ()
      %dma_start3A = arith.constant 0 : i32
      %dma_start3A_85 = arith.constant 0 : i32
      %dma_start3A_86 = tpu.memref_slice %arg2[%dma_start3A, %dma_start3A_85] : memref<10000x128xf32, #tpu.memory_space<hbm>> -> memref<10000x128xf32, #tpu.memory_space<hbm>>
      tpu.enqueue_indirect_dma source(%dma_start3A_86 : memref<10000x128xf32, #tpu.memory_space<hbm>>) target(%arg12 : memref<80x128xf32, #tpu.memory_space<vmem>>) offsets(%arg10 : memref<80xi32, #tpu.memory_space<vmem>>) semaphore(%arg13 : memref<!tpu.dma_semaphore, #tpu.memory_space<semaphore_mem>>)
      %dma_wait3A = arith.constant 0 : i32
      %dma_wait3A_87 = arith.constant 0 : i32
      %dma_wait3A_88 = tpu.memref_slice %arg2[%dma_wait3A, %dma_wait3A_87] : memref<10000x128xf32, #tpu.memory_space<hbm>> -> memref<10000x128xf32, #tpu.memory_space<hbm>>
      tpu.wait_indirect_dma semaphore(%arg13 : memref<!tpu.dma_semaphore, #tpu.memory_space<semaphore_mem>>) src(%dma_wait3A_88 : memref<10000x128xf32, #tpu.memory_space<hbm>>) dst(%arg12 : memref<80x128xf32, #tpu.memory_space<vmem>>)
      %scan3A_89 = arith.constant 0 : i32
      %scan3A_90 = arith.constant 0 : i32
      %scan3A_91 = arith.constant 80 : i32
      %scan3A_92 = arith.addi %scan3A_90, %scan3A_91 : i32
      %scan3A_93 = arith.constant 1 : i32
      scf.for %scan3A_95 = %scan3A_90 to %scan3A_92 step %scan3A_93  : i32 {
        %broadcast_in_dim3A = vector.broadcast %scan3A_95 : i32 to vector<16xi32>
        %gather3A = tpu.vector_load_idx %arg11[%broadcast_in_dim3A] : memref<80xf32, #tpu.memory_space<vmem>>[vector<16xi32>], vector<16xf32>,
        %get3A = arith.index_cast %scan3A_95 : i32 to index
        %get3A_96 = arith.constant 0 : index
        %get3A_97 = tpu.vector_load %arg12[%get3A, %get3A_96] {strides = array<i32>} : memref<80x128xf32, #tpu.memory_space<vmem>>, vector<16xf32>,
        %mul3A_98 = arith.mulf %get3A_97, %gather3A : vector<16xf32>
        %swap3A = arith.index_cast %scan3A_95 : i32 to index
        %swap3A_99 = arith.constant 0 : index
        %swap3A_100 = tpu.vector_load %arg12[%swap3A, %swap3A_99] {strides = array<i32>} : memref<80x128xf32, #tpu.memory_space<vmem>>, vector<16xf32>,
        tpu.vector_store %arg12[%swap3A, %swap3A_99], %mul3A_98 {strides = array<i32>} : memref<80x128xf32, #tpu.memory_space<vmem>>, vector<16xf32>,
        %get3A_101 = arith.index_cast %scan3A_95 : i32 to index
        %get3A_102 = arith.constant 16 : index
        %get3A_103 = tpu.vector_load %arg12[%get3A_101, %get3A_102] {strides = array<i32>} : memref<80x128xf32, #tpu.memory_space<vmem>>, vector<16xf32>,
        %mul3A_104 = arith.mulf %get3A_103, %gather3A : vector<16xf32>
        %swap3A_105 = arith.index_cast %scan3A_95 : i32 to index
        %swap3A_106 = arith.constant 16 : index
        %swap3A_107 = tpu.vector_load %arg12[%swap3A_105, %swap3A_106] {strides = array<i32>} : memref<80x128xf32, #tpu.memory_space<vmem>>, vector<16xf32>,
        tpu.vector_store %arg12[%swap3A_105, %swap3A_106], %mul3A_104 {strides = array<i32>} : memref<80x128xf32, #tpu.memory_space<vmem>>, vector<16xf32>,
        %get3A_108 = arith.index_cast %scan3A_95 : i32 to index
        %get3A_109 = arith.constant 32 : index
        %get3A_110 = tpu.vector_load %arg12[%get3A_108, %get3A_109] {strides = array<i32>} : memref<80x128xf32, #tpu.memory_space<vmem>>, vector<16xf32>,
        %mul3A_111 = arith.mulf %get3A_110, %gather3A : vector<16xf32>
        %swap3A_112 = arith.index_cast %scan3A_95 : i32 to index
        %swap3A_113 = arith.constant 32 : index
        %swap3A_114 = tpu.vector_load %arg12[%swap3A_112, %swap3A_113] {strides = array<i32>} : memref<80x128xf32, #tpu.memory_space<vmem>>, vector<16xf32>,
        tpu.vector_store %arg12[%swap3A_112, %swap3A_113], %mul3A_111 {strides = array<i32>} : memref<80x128xf32, #tpu.memory_space<vmem>>, vector<16xf32>,
        %get3A_115 = arith.index_cast %scan3A_95 : i32 to index
        %get3A_116 = arith.constant 48 : index
        %get3A_117 = tpu.vector_load %arg12[%get3A_115, %get3A_116] {strides = array<i32>} : memref<80x128xf32, #tpu.memory_space<vmem>>, vector<16xf32>,
        %mul3A_118 = arith.mulf %get3A_117, %gather3A : vector<16xf32>
        %swap3A_119 = arith.index_cast %scan3A_95 : i32 to index
        %swap3A_120 = arith.constant 48 : index
        %swap3A_121 = tpu.vector_load %arg12[%swap3A_119, %swap3A_120] {strides = array<i32>} : memref<80x128xf32, #tpu.memory_space<vmem>>, vector<16xf32>,
        tpu.vector_store %arg12[%swap3A_119, %swap3A_120], %mul3A_118 {strides = array<i32>} : memref<80x128xf32, #tpu.memory_space<vmem>>, vector<16xf32>,
        %get3A_122 = arith.index_cast %scan3A_95 : i32 to index
        %get3A_123 = arith.constant 64 : index
        %get3A_124 = tpu.vector_load %arg12[%get3A_122, %get3A_123] {strides = array<i32>} : memref<80x128xf32, #tpu.memory_space<vmem>>, vector<16xf32>,
        %mul3A_125 = arith.mulf %get3A_124, %gather3A : vector<16xf32>
        %swap3A_126 = arith.index_cast %scan3A_95 : i32 to index
        %swap3A_127 = arith.constant 64 : index
        %swap3A_128 = tpu.vector_load %arg12[%swap3A_126, %swap3A_127] {strides = array<i32>} : memref<80x128xf32, #tpu.memory_space<vmem>>, vector<16xf32>,
        tpu.vector_store %arg12[%swap3A_126, %swap3A_127], %mul3A_125 {strides = array<i32>} : memref<80x128xf32, #tpu.memory_space<vmem>>, vector<16xf32>,
        %get3A_129 = arith.index_cast %scan3A_95 : i32 to index
        %get3A_130 = arith.constant 80 : index
        %get3A_131 = tpu.vector_load %arg12[%get3A_129, %get3A_130] {strides = array<i32>} : memref<80x128xf32, #tpu.memory_space<vmem>>, vector<16xf32>,
        %mul3A_132 = arith.mulf %get3A_131, %gather3A : vector<16xf32>
        %swap3A_133 = arith.index_cast %scan3A_95 : i32 to index
        %swap3A_134 = arith.constant 80 : index
        %swap3A_135 = tpu.vector_load %arg12[%swap3A_133, %swap3A_134] {strides = array<i32>} : memref<80x128xf32, #tpu.memory_space<vmem>>, vector<16xf32>,
        tpu.vector_store %arg12[%swap3A_133, %swap3A_134], %mul3A_132 {strides = array<i32>} : memref<80x128xf32, #tpu.memory_space<vmem>>, vector<16xf32>,
        %get3A_136 = arith.index_cast %scan3A_95 : i32 to index
        %get3A_137 = arith.constant 96 : index
        %get3A_138 = tpu.vector_load %arg12[%get3A_136, %get3A_137] {strides = array<i32>} : memref<80x128xf32, #tpu.memory_space<vmem>>, vector<16xf32>,
        %mul3A_139 = arith.mulf %get3A_138, %gather3A : vector<16xf32>
        %swap3A_140 = arith.index_cast %scan3A_95 : i32 to index
        %swap3A_141 = arith.constant 96 : index
        %swap3A_142 = tpu.vector_load %arg12[%swap3A_140, %swap3A_141] {strides = array<i32>} : memref<80x128xf32, #tpu.memory_space<vmem>>, vector<16xf32>,
        tpu.vector_store %arg12[%swap3A_140, %swap3A_141], %mul3A_139 {strides = array<i32>} : memref<80x128xf32, #tpu.memory_space<vmem>>, vector<16xf32>,
        %get3A_143 = arith.index_cast %scan3A_95 : i32 to index
        %get3A_144 = arith.constant 112 : index
        %get3A_145 = tpu.vector_load %arg12[%get3A_143, %get3A_144] {strides = array<i32>} : memref<80x128xf32, #tpu.memory_space<vmem>>, vector<16xf32>,
        %mul3A_146 = arith.mulf %get3A_145, %gather3A : vector<16xf32>
        %swap3A_147 = arith.index_cast %scan3A_95 : i32 to index
        %swap3A_148 = arith.constant 112 : index
        %swap3A_149 = tpu.vector_load %arg12[%swap3A_147, %swap3A_148] {strides = array<i32>} : memref<80x128xf32, #tpu.memory_space<vmem>>, vector<16xf32>,
        tpu.vector_store %arg12[%swap3A_147, %swap3A_148], %mul3A_146 {strides = array<i32>} : memref<80x128xf32, #tpu.memory_space<vmem>>, vector<16xf32>,
      }
      %scan3A_94 = arith.constant 80 : i32
      "tpu.region"() ({
        %run_scoped3A = tpu.sem_alloc : memref<!tpu.dma_semaphore, #tpu.memory_space<semaphore_mem>>
        %dma_start3A_95 = arith.constant 0 : i32
        %dma_start3A_96 = arith.constant 0 : i32
        %dma_start3A_97 = tpu.memref_slice %arg8[%dma_start3A_95, %dma_start3A_96] : memref<15000x128xf32, #tpu.memory_space<vmem_shared>> -> memref<15000x128xf32, #tpu.memory_space<vmem_shared>>
        tpu.enqueue_indirect_dma source(%arg12 : memref<80x128xf32, #tpu.memory_space<vmem>>) target(%dma_start3A_97 : memref<15000x128xf32, #tpu.memory_space<vmem_shared>>) offsets(%arg9 : memref<80xi32, #tpu.memory_space<vmem>>) semaphore(%run_scoped3A : memref<!tpu.dma_semaphore, #tpu.memory_space<semaphore_mem>>) {add = true}
        %dma_wait3A_98 = arith.constant 0 : i32
        %dma_wait3A_99 = arith.constant 0 : i32
        %dma_wait3A_100 = tpu.memref_slice %arg8[%dma_wait3A_98, %dma_wait3A_99] : memref<15000x128xf32, #tpu.memory_space<vmem_shared>> -> memref<15000x128xf32, #tpu.memory_space<vmem_shared>>
        tpu.wait_indirect_dma semaphore(%run_scoped3A : memref<!tpu.dma_semaphore, #tpu.memory_space<semaphore_mem>>) src(%arg12 : memref<80x128xf32, #tpu.memory_space<vmem>>) dst(%dma_wait3A_100 : memref<15000x128xf32, #tpu.memory_space<vmem_shared>>)
        tpu.yield
      }) : () -> ()
    }
    %scan3A_36 = arith.constant 250 : i32
    %barrier3A_37 = arith.constant 0 : index
    tpu.barrier barrier_id(%barrier3A_37)
    %add3A_38 = arith.constant 0 : i32
    %add3A_39 = arith.addi %arg1, %add3A_38 : i32
    %lt3A_40 = arith.constant 75 : i32
    %lt3A_41 = arith.cmpi slt, %add3A_39, %lt3A_40 : i32
    %convert_element_type3A_42 = arith.extui %lt3A_41 : i1 to i32
    %cond3A_43 = arith.constant 0 : i32
    %cond3A_44 = arith.cmpi ne, %convert_element_type3A_42, %cond3A_43 : i32
    scf.if %cond3A_44 {
      %mul3A_73 = arith.constant 200 : i32
      %mul3A_74 = arith.muli %add3A_39, %mul3A_73 : i32
      %mul3A_75 = arith.constant 200 : i32
      %mul3A_76 = arith.muli %add3A_39, %mul3A_75 : i32
      %add3A_77 = arith.addi %mul3A_31, %mul3A_76 : i32
      "tpu.region"() ({
        %run_scoped3A = tpu.sem_alloc : memref<!tpu.dma_semaphore, #tpu.memory_space<semaphore_mem>>
        %dma_start3A = arith.constant 0 : i32
        %dma_start3A_78 = tpu.memref_slice %arg7[%add3A_77, %dma_start3A] : memref<30000x128xf32, #tpu.memory_space<hbm>> -> memref<200x128xf32, #tpu.memory_space<hbm>>
        %dma_start3A_79 = arith.constant 0 : i32
        %dma_start3A_80 = tpu.memref_slice %arg8[%mul3A_74, %dma_start3A_79] : memref<15000x128xf32, #tpu.memory_space<vmem_shared>> -> memref<200x128xf32, #tpu.memory_space<vmem_shared>>
        tpu.enqueue_dma source(%dma_start3A_80 : memref<200x128xf32, #tpu.memory_space<vmem_shared>>) target(%dma_start3A_78 : memref<200x128xf32, #tpu.memory_space<hbm>>) target_semaphore(%run_scoped3A : memref<!tpu.dma_semaphore, #tpu.memory_space<semaphore_mem>>)
        %dma_wait3A = arith.constant 0 : i32
        %dma_wait3A_81 = tpu.memref_slice %arg7[%add3A_77, %dma_wait3A] : memref<30000x128xf32, #tpu.memory_space<hbm>> -> memref<200x128xf32, #tpu.memory_space<hbm>>
        %dma_wait3A_82 = arith.constant 0 : i32
        %dma_wait3A_83 = tpu.memref_slice %arg8[%mul3A_74, %dma_wait3A_82] : memref<15000x128xf32, #tpu.memory_space<vmem_shared>> -> memref<200x128xf32, #tpu.memory_space<vmem_shared>>
        tpu.wait_dma2 semaphore(%run_scoped3A : memref<!tpu.dma_semaphore, #tpu.memory_space<semaphore_mem>>) src(%dma_wait3A_83 : memref<200x128xf32, #tpu.memory_space<vmem_shared>>) dst(%dma_wait3A_81 : memref<200x128xf32, #tpu.memory_space<hbm>>)
        tpu.yield
      }) : () -> ()
    } else {
    }
    %add3A_45 = arith.constant 16 : i32
    %add3A_46 = arith.addi %arg1, %add3A_45 : i32
    %lt3A_47 = arith.constant 75 : i32
    %lt3A_48 = arith.cmpi slt, %add3A_46, %lt3A_47 : i32
    %convert_element_type3A_49 = arith.extui %lt3A_48 : i1 to i32
    %cond3A_50 = arith.constant 0 : i32
    %cond3A_51 = arith.cmpi ne, %convert_element_type3A_49, %cond3A_50 : i32
    scf.if %cond3A_51 {
      %mul3A_73 = arith.constant 200 : i32
      %mul3A_74 = arith.muli %add3A_46, %mul3A_73 : i32
      %mul3A_75 = arith.constant 200 : i32
      %mul3A_76 = arith.muli %add3A_46, %mul3A_75 : i32
      %add3A_77 = arith.addi %mul3A_31, %mul3A_76 : i32
      "tpu.region"() ({
        %run_scoped3A = tpu.sem_alloc : memref<!tpu.dma_semaphore, #tpu.memory_space<semaphore_mem>>
        %dma_start3A = arith.constant 0 : i32
        %dma_start3A_78 = tpu.memref_slice %arg7[%add3A_77, %dma_start3A] : memref<30000x128xf32, #tpu.memory_space<hbm>> -> memref<200x128xf32, #tpu.memory_space<hbm>>
        %dma_start3A_79 = arith.constant 0 : i32
        %dma_start3A_80 = tpu.memref_slice %arg8[%mul3A_74, %dma_start3A_79] : memref<15000x128xf32, #tpu.memory_space<vmem_shared>> -> memref<200x128xf32, #tpu.memory_space<vmem_shared>>
        tpu.enqueue_dma source(%dma_start3A_80 : memref<200x128xf32, #tpu.memory_space<vmem_shared>>) target(%dma_start3A_78 : memref<200x128xf32, #tpu.memory_space<hbm>>) target_semaphore(%run_scoped3A : memref<!tpu.dma_semaphore, #tpu.memory_space<semaphore_mem>>)
        %dma_wait3A = arith.constant 0 : i32
        %dma_wait3A_81 = tpu.memref_slice %arg7[%add3A_77, %dma_wait3A] : memref<30000x128xf32, #tpu.memory_space<hbm>> -> memref<200x128xf32, #tpu.memory_space<hbm>>
        %dma_wait3A_82 = arith.constant 0 : i32
        %dma_wait3A_83 = tpu.memref_slice %arg8[%mul3A_74, %dma_wait3A_82] : memref<15000x128xf32, #tpu.memory_space<vmem_shared>> -> memref<200x128xf32, #tpu.memory_space<vmem_shared>>
        tpu.wait_dma2 semaphore(%run_scoped3A : memref<!tpu.dma_semaphore, #tpu.memory_space<semaphore_mem>>) src(%dma_wait3A_83 : memref<200x128xf32, #tpu.memory_space<vmem_shared>>) dst(%dma_wait3A_81 : memref<200x128xf32, #tpu.memory_space<hbm>>)
        tpu.yield
      }) : () -> ()
    } else {
    }
    %add3A_52 = arith.constant 32 : i32
    %add3A_53 = arith.addi %arg1, %add3A_52 : i32
    %lt3A_54 = arith.constant 75 : i32
    %lt3A_55 = arith.cmpi slt, %add3A_53, %lt3A_54 : i32
    %convert_element_type3A_56 = arith.extui %lt3A_55 : i1 to i32
    %cond3A_57 = arith.constant 0 : i32
    %cond3A_58 = arith.cmpi ne, %convert_element_type3A_56, %cond3A_57 : i32
    scf.if %cond3A_58 {
      %mul3A_73 = arith.constant 200 : i32
      %mul3A_74 = arith.muli %add3A_53, %mul3A_73 : i32
      %mul3A_75 = arith.constant 200 : i32
      %mul3A_76 = arith.muli %add3A_53, %mul3A_75 : i32
      %add3A_77 = arith.addi %mul3A_31, %mul3A_76 : i32
      "tpu.region"() ({
        %run_scoped3A = tpu.sem_alloc : memref<!tpu.dma_semaphore, #tpu.memory_space<semaphore_mem>>
        %dma_start3A = arith.constant 0 : i32
        %dma_start3A_78 = tpu.memref_slice %arg7[%add3A_77, %dma_start3A] : memref<30000x128xf32, #tpu.memory_space<hbm>> -> memref<200x128xf32, #tpu.memory_space<hbm>>
        %dma_start3A_79 = arith.constant 0 : i32
        %dma_start3A_80 = tpu.memref_slice %arg8[%mul3A_74, %dma_start3A_79] : memref<15000x128xf32, #tpu.memory_space<vmem_shared>> -> memref<200x128xf32, #tpu.memory_space<vmem_shared>>
        tpu.enqueue_dma source(%dma_start3A_80 : memref<200x128xf32, #tpu.memory_space<vmem_shared>>) target(%dma_start3A_78 : memref<200x128xf32, #tpu.memory_space<hbm>>) target_semaphore(%run_scoped3A : memref<!tpu.dma_semaphore, #tpu.memory_space<semaphore_mem>>)
        %dma_wait3A = arith.constant 0 : i32
        %dma_wait3A_81 = tpu.memref_slice %arg7[%add3A_77, %dma_wait3A] : memref<30000x128xf32, #tpu.memory_space<hbm>> -> memref<200x128xf32, #tpu.memory_space<hbm>>
        %dma_wait3A_82 = arith.constant 0 : i32
        %dma_wait3A_83 = tpu.memref_slice %arg8[%mul3A_74, %dma_wait3A_82] : memref<15000x128xf32, #tpu.memory_space<vmem_shared>> -> memref<200x128xf32, #tpu.memory_space<vmem_shared>>
        tpu.wait_dma2 semaphore(%run_scoped3A : memref<!tpu.dma_semaphore, #tpu.memory_space<semaphore_mem>>) src(%dma_wait3A_83 : memref<200x128xf32, #tpu.memory_space<vmem_shared>>) dst(%dma_wait3A_81 : memref<200x128xf32, #tpu.memory_space<hbm>>)
        tpu.yield
      }) : () -> ()
    } else {
    }
    %add3A_59 = arith.constant 48 : i32
    %add3A_60 = arith.addi %arg1, %add3A_59 : i32
    %lt3A_61 = arith.constant 75 : i32
    %lt3A_62 = arith.cmpi slt, %add3A_60, %lt3A_61 : i32
    %convert_element_type3A_63 = arith.extui %lt3A_62 : i1 to i32
    %cond3A_64 = arith.constant 0 : i32
    %cond3A_65 = arith.cmpi ne, %convert_element_type3A_63, %cond3A_64 : i32
    scf.if %cond3A_65 {
      %mul3A_73 = arith.constant 200 : i32
      %mul3A_74 = arith.muli %add3A_60, %mul3A_73 : i32
      %mul3A_75 = arith.constant 200 : i32
      %mul3A_76 = arith.muli %add3A_60, %mul3A_75 : i32
      %add3A_77 = arith.addi %mul3A_31, %mul3A_76 : i32
      "tpu.region"() ({
        %run_scoped3A = tpu.sem_alloc : memref<!tpu.dma_semaphore, #tpu.memory_space<semaphore_mem>>
        %dma_start3A = arith.constant 0 : i32
        %dma_start3A_78 = tpu.memref_slice %arg7[%add3A_77, %dma_start3A] : memref<30000x128xf32, #tpu.memory_space<hbm>> -> memref<200x128xf32, #tpu.memory_space<hbm>>
        %dma_start3A_79 = arith.constant 0 : i32
        %dma_start3A_80 = tpu.memref_slice %arg8[%mul3A_74, %dma_start3A_79] : memref<15000x128xf32, #tpu.memory_space<vmem_shared>> -> memref<200x128xf32, #tpu.memory_space<vmem_shared>>
        tpu.enqueue_dma source(%dma_start3A_80 : memref<200x128xf32, #tpu.memory_space<vmem_shared>>) target(%dma_start3A_78 : memref<200x128xf32, #tpu.memory_space<hbm>>) target_semaphore(%run_scoped3A : memref<!tpu.dma_semaphore, #tpu.memory_space<semaphore_mem>>)
        %dma_wait3A = arith.constant 0 : i32
        %dma_wait3A_81 = tpu.memref_slice %arg7[%add3A_77, %dma_wait3A] : memref<30000x128xf32, #tpu.memory_space<hbm>> -> memref<200x128xf32, #tpu.memory_space<hbm>>
        %dma_wait3A_82 = arith.constant 0 : i32
        %dma_wait3A_83 = tpu.memref_slice %arg8[%mul3A_74, %dma_wait3A_82] : memref<15000x128xf32, #tpu.memory_space<vmem_shared>> -> memref<200x128xf32, #tpu.memory_space<vmem_shared>>
        tpu.wait_dma2 semaphore(%run_scoped3A : memref<!tpu.dma_semaphore, #tpu.memory_space<semaphore_mem>>) src(%dma_wait3A_83 : memref<200x128xf32, #tpu.memory_space<vmem_shared>>) dst(%dma_wait3A_81 : memref<200x128xf32, #tpu.memory_space<hbm>>)
        tpu.yield
      }) : () -> ()
    } else {
    }
    %add3A_66 = arith.constant 64 : i32
    %add3A_67 = arith.addi %arg1, %add3A_66 : i32
    %lt3A_68 = arith.constant 75 : i32
    %lt3A_69 = arith.cmpi slt, %add3A_67, %lt3A_68 : i32
    %convert_element_type3A_70 = arith.extui %lt3A_69 : i1 to i32
    %cond3A_71 = arith.constant 0 : i32
    %cond3A_72 = arith.cmpi ne, %convert_element_type3A_70, %cond3A_71 : i32
    scf.if %cond3A_72 {
      %mul3A_73 = arith.constant 200 : i32
      %mul3A_74 = arith.muli %add3A_67, %mul3A_73 : i32
      %mul3A_75 = arith.constant 200 : i32
      %mul3A_76 = arith.muli %add3A_67, %mul3A_75 : i32
      %add3A_77 = arith.addi %mul3A_31, %mul3A_76 : i32
      "tpu.region"() ({
        %run_scoped3A = tpu.sem_alloc : memref<!tpu.dma_semaphore, #tpu.memory_space<semaphore_mem>>
        %dma_start3A = arith.constant 0 : i32
        %dma_start3A_78 = tpu.memref_slice %arg7[%add3A_77, %dma_start3A] : memref<30000x128xf32, #tpu.memory_space<hbm>> -> memref<200x128xf32, #tpu.memory_space<hbm>>
        %dma_start3A_79 = arith.constant 0 : i32
        %dma_start3A_80 = tpu.memref_slice %arg8[%mul3A_74, %dma_start3A_79] : memref<15000x128xf32, #tpu.memory_space<vmem_shared>> -> memref<200x128xf32, #tpu.memory_space<vmem_shared>>
        tpu.enqueue_dma source(%dma_start3A_80 : memref<200x128xf32, #tpu.memory_space<vmem_shared>>) target(%dma_start3A_78 : memref<200x128xf32, #tpu.memory_space<hbm>>) target_semaphore(%run_scoped3A : memref<!tpu.dma_semaphore, #tpu.memory_space<semaphore_mem>>)
        %dma_wait3A = arith.constant 0 : i32
        %dma_wait3A_81 = tpu.memref_slice %arg7[%add3A_77, %dma_wait3A] : memref<30000x128xf32, #tpu.memory_space<hbm>> -> memref<200x128xf32, #tpu.memory_space<hbm>>
        %dma_wait3A_82 = arith.constant 0 : i32
        %dma_wait3A_83 = tpu.memref_slice %arg8[%mul3A_74, %dma_wait3A_82] : memref<15000x128xf32, #tpu.memory_space<vmem_shared>> -> memref<200x128xf32, #tpu.memory_space<vmem_shared>>
        tpu.wait_dma2 semaphore(%run_scoped3A : memref<!tpu.dma_semaphore, #tpu.memory_space<semaphore_mem>>) src(%dma_wait3A_83 : memref<200x128xf32, #tpu.memory_space<vmem_shared>>) dst(%dma_wait3A_81 : memref<200x128xf32, #tpu.memory_space<hbm>>)
        tpu.yield
      }) : () -> ()
    } else {
    }
    return
  }
}

module attributes {stable_mosaic.version = 14 : i64} {
  func.func @_matmul_body(%arg0: i32, %arg1: memref<1000x128xf32, #tpu.memory_space<vmem>>, %arg2: memref<128x128xf32, #tpu.memory_space<vmem>>, %arg3: memref<1000x128xf32, #tpu.memory_space<vmem>>) attributes {dimension_semantics = [#tpu.dimension_semantics<arbitrary>], iteration_bounds = array<i64: 10>, scalar_prefetch = 0 : i64, scratch_operands = 0 : i64, tpu.core_type = #tpu.core_type<tc>, window_params = [{transform_indices = @transform_0, window_bounds = array<i64: 1000, 128>}, {pipeline_mode = #tpu.pipeline_mode<synchronous>, transform_indices = @transform_1, window_bounds = array<i64: 128, 128>}, {transform_indices = @transform_2, window_bounds = array<i64: 1000, 128>}]} {
    %get3A = arith.constant 0 : index
    %get3A_0 = arith.constant 0 : index
    %get3A_1 = vector.load %arg1[%get3A, %get3A_0] : memref<1000x128xf32, #tpu.memory_space<vmem>>, vector<1000x128xf32>
    %get3A_2 = arith.constant 0 : index
    %get3A_3 = arith.constant 0 : index
    %get3A_4 = vector.load %arg2[%get3A_2, %get3A_3] : memref<128x128xf32, #tpu.memory_space<vmem>>, vector<128x128xf32>
    %dot_general3A = arith.constant dense<0.000000e+00> : vector<1000x128xf32>
    %dot_general3A_5 = tpu.matmul %get3A_1, %get3A_4, %dot_general3A {dimension_numbers = #tpu.dot_dimension_numbers<[1], [0], [0], [1], [0, 0, 1, 1], [], []>, transpose_lhs_hint = false} : vector<1000x128xf32>, vector<128x128xf32>, vector<1000x128xf32> -> vector<1000x128xf32>
    %swap3A = arith.constant 0 : index
    %swap3A_6 = arith.constant 0 : index
    %swap3A_7 = vector.load %arg3[%swap3A, %swap3A_6] : memref<1000x128xf32, #tpu.memory_space<vmem>>, vector<1000x128xf32>
    tpu.vector_store %arg3[%swap3A, %swap3A_6], %dot_general3A_5 {strides = array<i32>} : memref<1000x128xf32, #tpu.memory_space<vmem>>, vector<1000x128xf32>,
    return
  }
  func.func @transform_0(%arg0: i32) -> (i32, i32) {
    %c0_i32 = arith.constant 0 : i32
    %c0_i32_0 = arith.constant 0 : i32
    return %arg0, %c0_i32 : i32, i32
  }
  func.func @transform_1(%arg0: i32) -> (i32, i32) {
    %c0_i32 = arith.constant 0 : i32
    %c0_i32_0 = arith.constant 0 : i32
    %c0_i32_1 = arith.constant 0 : i32
    return %c0_i32, %c0_i32_0 : i32, i32
  }
  func.func @transform_2(%arg0: i32) -> (i32, i32) {
    %c0_i32 = arith.constant 0 : i32
    %c0_i32_0 = arith.constant 0 : i32
    return %arg0, %c0_i32 : i32, i32
  }
}

module attributes {stable_mosaic.version = 14 : i64} {
  func.func @_entcomb_body(%arg0: i32, %arg1: memref<2x200x128xf32, #tpu.memory_space<vmem>>, %arg2: memref<32x200x2xf32, #tpu.memory_space<vmem>>, %arg3: memref<200x128xf32, #tpu.memory_space<vmem>>, %arg4: memref<200x128xf32, #tpu.memory_space<vmem>>, %arg5: memref<200x128xf32, #tpu.memory_space<vmem>>) attributes {dimension_semantics = [#tpu.dimension_semantics<arbitrary>], iteration_bounds = array<i64: 50>, scalar_prefetch = 0 : i64, scratch_operands = 0 : i64, tpu.core_type = #tpu.core_type<tc>, window_params = [{transform_indices = @transform_0, window_bounds = array<i64: 2, 200, 128>}, {transform_indices = @transform_1, window_bounds = array<i64: 32, 200, 2>}, {transform_indices = @transform_2, window_bounds = array<i64: 200, 128>}, {transform_indices = @transform_3, window_bounds = array<i64: 200, 128>}, {transform_indices = @transform_4, window_bounds = array<i64: 200, 128>}]} {
    %get3A = arith.constant 0 : index
    %get3A_0 = arith.constant 0 : index
    %get3A_1 = arith.constant 0 : index
    %get3A_2 = vector.load %arg1[%get3A, %get3A_0, %get3A_1] : memref<2x200x128xf32, #tpu.memory_space<vmem>>, vector<1x200x128xf32>
    %get3A_3 = vector.shape_cast %get3A_2 : vector<1x200x128xf32> to vector<200x128xf32>
    %get3A_4 = arith.constant 1 : index
    %get3A_5 = arith.constant 0 : index
    %get3A_6 = arith.constant 0 : index
    %get3A_7 = vector.load %arg1[%get3A_4, %get3A_5, %get3A_6] : memref<2x200x128xf32, #tpu.memory_space<vmem>>, vector<1x200x128xf32>
    %get3A_8 = vector.shape_cast %get3A_7 : vector<1x200x128xf32> to vector<200x128xf32>
    %add3A = arith.addf %get3A_3, %get3A_8 : vector<200x128xf32>
    %get3A_9 = arith.constant 0 : index
    %get3A_10 = arith.constant 0 : index
    %get3A_11 = arith.constant 0 : index
    %get3A_12 = vector.load %arg2[%get3A_9, %get3A_10, %get3A_11] : memref<32x200x2xf32, #tpu.memory_space<vmem>>, vector<32x200x2xf32>
    %reduce_sum3A = arith.constant dense<0.000000e+00> : vector<200x2xf32>
    %reduce_sum3A_13 = vector.multi_reduction <add>, %get3A_12, %reduce_sum3A [0] : vector<32x200x2xf32> to vector<200x2xf32>
    %slice3A = vector.extract_strided_slice %reduce_sum3A_13 {offsets = [0, 0], sizes = [200, 1], strides = [1, 1]} : vector<200x2xf32> to vector<200x1xf32>
    %slice3A_14 = vector.extract_strided_slice %reduce_sum3A_13 {offsets = [0, 1], sizes = [200, 1], strides = [1, 1]} : vector<200x2xf32> to vector<200x1xf32>
    %iota3A = tpu.iota {dimensions = array<i32: 1>} : vector<200x128xi32>
    %lt3A = arith.constant 64 : i32
    %lt3A_15 = vector.broadcast %lt3A : i32 to vector<200x128xi32>
    %lt3A_16 = arith.cmpi slt, %iota3A, %lt3A_15 : vector<200x128xi32>
    %broadcast_in_dim3A = vector.shape_cast %slice3A : vector<200x1xf32> to vector<200x1xf32>
    %broadcast_in_dim3A_17 = vector.broadcast %broadcast_in_dim3A : vector<200x1xf32> to vector<200x128xf32>
    %broadcast_in_dim3A_18 = vector.shape_cast %slice3A_14 : vector<200x1xf32> to vector<200x1xf32>
    %broadcast_in_dim3A_19 = vector.broadcast %broadcast_in_dim3A_18 : vector<200x1xf32> to vector<200x128xf32>
    %select_n3A = arith.select %lt3A_16, %broadcast_in_dim3A_17, %broadcast_in_dim3A_19 : vector<200x128xi1>, vector<200x128xf32>
    %add3A_20 = arith.constant 1.000000e-16 : f32
    %add3A_21 = vector.broadcast %add3A_20 : f32 to vector<200x128xf32>
    %add3A_22 = arith.addf %select_n3A, %add3A_21 : vector<200x128xf32>
    %div3A = arith.divf %add3A, %add3A_22 : vector<200x128xf32>
    %mul3A = arith.mulf %div3A, %div3A : vector<200x128xf32>
    %reduce_sum3A_23 = arith.constant dense<0.000000e+00> : vector<200xf32>
    %reduce_sum3A_24 = vector.multi_reduction <add>, %mul3A, %reduce_sum3A_23 [1] : vector<200x128xf32> to vector<200xf32>
    %broadcast_in_dim3A_25 = vector.shape_cast %reduce_sum3A_24 : vector<200xf32> to vector<200x1xf32>
    %sqrt3A = math.sqrt %broadcast_in_dim3A_25 : vector<200x1xf32>
    %max3A = arith.constant 9.99999996E-13 : f32
    %max3A_26 = vector.broadcast %max3A : f32 to vector<200x1xf32>
    %max3A_27 = arith.maximumf %sqrt3A, %max3A_26 : vector<200x1xf32>
    %div3A_28 = vector.broadcast %max3A_27 : vector<200x1xf32> to vector<200x128xf32>
    %div3A_29 = arith.divf %div3A, %div3A_28 : vector<200x128xf32>
    %swap3A = arith.constant 0 : index
    %swap3A_30 = arith.constant 0 : index
    %swap3A_31 = vector.load %arg4[%swap3A, %swap3A_30] : memref<200x128xf32, #tpu.memory_space<vmem>>, vector<200x128xf32>
    tpu.vector_store %arg4[%swap3A, %swap3A_30], %div3A_29 {strides = array<i32>} : memref<200x128xf32, #tpu.memory_space<vmem>>, vector<200x128xf32>,
    %get3A_32 = arith.constant 0 : index
    %get3A_33 = arith.constant 0 : index
    %get3A_34 = vector.load %arg3[%get3A_32, %get3A_33] : memref<200x128xf32, #tpu.memory_space<vmem>>, vector<200x128xf32>
    %add3A_35 = arith.addf %get3A_34, %div3A_29 : vector<200x128xf32>
    %swap3A_36 = arith.constant 0 : index
    %swap3A_37 = arith.constant 0 : index
    %swap3A_38 = vector.load %arg5[%swap3A_36, %swap3A_37] : memref<200x128xf32, #tpu.memory_space<vmem>>, vector<200x128xf32>
    tpu.vector_store %arg5[%swap3A_36, %swap3A_37], %add3A_35 {strides = array<i32>} : memref<200x128xf32, #tpu.memory_space<vmem>>, vector<200x128xf32>,
    return
  }
  func.func @transform_0(%arg0: i32) -> (i32, i32, i32) {
    %c0_i32 = arith.constant 0 : i32
    %c0_i32_0 = arith.constant 0 : i32
    %c0_i32_1 = arith.constant 0 : i32
    return %c0_i32, %arg0, %c0_i32_0 : i32, i32, i32
  }
  func.func @transform_1(%arg0: i32) -> (i32, i32, i32) {
    %c0_i32 = arith.constant 0 : i32
    %c0_i32_0 = arith.constant 0 : i32
    %c0_i32_1 = arith.constant 0 : i32
    return %c0_i32, %arg0, %c0_i32_0 : i32, i32, i32
  }
  func.func @transform_2(%arg0: i32) -> (i32, i32) {
    %c0_i32 = arith.constant 0 : i32
    %c0_i32_0 = arith.constant 0 : i32
    return %arg0, %c0_i32 : i32, i32
  }
  func.func @transform_3(%arg0: i32) -> (i32, i32) {
    %c0_i32 = arith.constant 0 : i32
    %c0_i32_0 = arith.constant 0 : i32
    return %arg0, %c0_i32 : i32, i32
  }
  func.func @transform_4(%arg0: i32) -> (i32, i32) {
    %c0_i32 = arith.constant 0 : i32
    %c0_i32_0 = arith.constant 0 : i32
    return %arg0, %c0_i32 : i32, i32
  }
}

module attributes {stable_mosaic.version = 14 : i64} {
  func.func @_usercomb_body(%arg0: i32, %arg1: memref<1000x128xf32, #tpu.memory_space<vmem>>, %arg2: memref<1000x128xf32, #tpu.memory_space<vmem>>, %arg3: memref<1000x128xf32, #tpu.memory_space<vmem>>) attributes {dimension_semantics = [#tpu.dimension_semantics<arbitrary>], iteration_bounds = array<i64: 30>, scalar_prefetch = 0 : i64, scratch_operands = 0 : i64, tpu.core_type = #tpu.core_type<tc>, window_params = [{transform_indices = @transform_0, window_bounds = array<i64: 1000, 128>}, {transform_indices = @transform_1, window_bounds = array<i64: 1000, 128>}, {transform_indices = @transform_2, window_bounds = array<i64: 1000, 128>}]} {
    %get3A = arith.constant 0 : index
    %get3A_0 = arith.constant 0 : index
    %get3A_1 = vector.load %arg1[%get3A, %get3A_0] : memref<1000x128xf32, #tpu.memory_space<vmem>>, vector<1000x128xf32>
    %mul3A = arith.mulf %get3A_1, %get3A_1 : vector<1000x128xf32>
    %reduce_sum3A = arith.constant dense<0.000000e+00> : vector<1000xf32>
    %reduce_sum3A_2 = vector.multi_reduction <add>, %mul3A, %reduce_sum3A [1] : vector<1000x128xf32> to vector<1000xf32>
    %broadcast_in_dim3A = vector.shape_cast %reduce_sum3A_2 : vector<1000xf32> to vector<1000x1xf32>
    %sqrt3A = math.sqrt %broadcast_in_dim3A : vector<1000x1xf32>
    %max3A = arith.constant 9.99999996E-13 : f32
    %max3A_3 = vector.broadcast %max3A : f32 to vector<1000x1xf32>
    %max3A_4 = arith.maximumf %sqrt3A, %max3A_3 : vector<1000x1xf32>
    %div3A = vector.broadcast %max3A_4 : vector<1000x1xf32> to vector<1000x128xf32>
    %div3A_5 = arith.divf %get3A_1, %div3A : vector<1000x128xf32>
    %get3A_6 = arith.constant 0 : index
    %get3A_7 = arith.constant 0 : index
    %get3A_8 = vector.load %arg2[%get3A_6, %get3A_7] : memref<1000x128xf32, #tpu.memory_space<vmem>>, vector<1000x128xf32>
    %add3A = arith.addf %get3A_8, %div3A_5 : vector<1000x128xf32>
    %swap3A = arith.constant 0 : index
    %swap3A_9 = arith.constant 0 : index
    %swap3A_10 = vector.load %arg3[%swap3A, %swap3A_9] : memref<1000x128xf32, #tpu.memory_space<vmem>>, vector<1000x128xf32>
    tpu.vector_store %arg3[%swap3A, %swap3A_9], %add3A {strides = array<i32>} : memref<1000x128xf32, #tpu.memory_space<vmem>>, vector<1000x128xf32>,
    return
  }
  func.func @transform_0(%arg0: i32) -> (i32, i32) {
    %c0_i32 = arith.constant 0 : i32
    %c0_i32_0 = arith.constant 0 : i32
    return %arg0, %c0_i32 : i32, i32
  }
  func.func @transform_1(%arg0: i32) -> (i32, i32) {
    %c0_i32 = arith.constant 0 : i32
    %c0_i32_0 = arith.constant 0 : i32
    return %arg0, %c0_i32 : i32, i32
  }
  func.func @transform_2(%arg0: i32) -> (i32, i32) {
    %c0_i32 = arith.constant 0 : i32
    %c0_i32_0 = arith.constant 0 : i32
    return %arg0, %c0_i32 : i32, i32
  }
}

module attributes {stable_mosaic.version = 14 : i64} {
  func.func @_entcomb_body(%arg0: i32, %arg1: memref<2x200x128xf32, #tpu.memory_space<vmem>>, %arg2: memref<32x200x2xf32, #tpu.memory_space<vmem>>, %arg3: memref<200x128xf32, #tpu.memory_space<vmem>>, %arg4: memref<200x128xf32, #tpu.memory_space<vmem>>, %arg5: memref<200x128xf32, #tpu.memory_space<vmem>>) attributes {dimension_semantics = [#tpu.dimension_semantics<arbitrary>], iteration_bounds = array<i64: 50>, scalar_prefetch = 0 : i64, scratch_operands = 0 : i64, tpu.core_type = #tpu.core_type<tc>, window_params = [{transform_indices = @transform_0, window_bounds = array<i64: 2, 200, 128>}, {transform_indices = @transform_1, window_bounds = array<i64: 32, 200, 2>}, {transform_indices = @transform_2, window_bounds = array<i64: 200, 128>}, {transform_indices = @transform_3, window_bounds = array<i64: 200, 128>}, {transform_indices = @transform_4, window_bounds = array<i64: 200, 128>}]} {
    %get3A = arith.constant 0 : index
    %get3A_0 = arith.constant 0 : index
    %get3A_1 = arith.constant 0 : index
    %get3A_2 = vector.load %arg1[%get3A, %get3A_0, %get3A_1] : memref<2x200x128xf32, #tpu.memory_space<vmem>>, vector<1x200x128xf32>
    %get3A_3 = vector.shape_cast %get3A_2 : vector<1x200x128xf32> to vector<200x128xf32>
    %get3A_4 = arith.constant 1 : index
    %get3A_5 = arith.constant 0 : index
    %get3A_6 = arith.constant 0 : index
    %get3A_7 = vector.load %arg1[%get3A_4, %get3A_5, %get3A_6] : memref<2x200x128xf32, #tpu.memory_space<vmem>>, vector<1x200x128xf32>
    %get3A_8 = vector.shape_cast %get3A_7 : vector<1x200x128xf32> to vector<200x128xf32>
    %add3A = arith.addf %get3A_3, %get3A_8 : vector<200x128xf32>
    %get3A_9 = arith.constant 0 : index
    %get3A_10 = arith.constant 0 : index
    %get3A_11 = arith.constant 0 : index
    %get3A_12 = vector.load %arg2[%get3A_9, %get3A_10, %get3A_11] : memref<32x200x2xf32, #tpu.memory_space<vmem>>, vector<32x200x2xf32>
    %reduce_sum3A = arith.constant dense<0.000000e+00> : vector<200x2xf32>
    %reduce_sum3A_13 = vector.multi_reduction <add>, %get3A_12, %reduce_sum3A [0] : vector<32x200x2xf32> to vector<200x2xf32>
    %slice3A = vector.extract_strided_slice %reduce_sum3A_13 {offsets = [0, 0], sizes = [200, 1], strides = [1, 1]} : vector<200x2xf32> to vector<200x1xf32>
    %slice3A_14 = vector.extract_strided_slice %reduce_sum3A_13 {offsets = [0, 1], sizes = [200, 1], strides = [1, 1]} : vector<200x2xf32> to vector<200x1xf32>
    %iota3A = tpu.iota {dimensions = array<i32: 1>} : vector<200x128xi32>
    %lt3A = arith.constant 64 : i32
    %lt3A_15 = vector.broadcast %lt3A : i32 to vector<200x128xi32>
    %lt3A_16 = arith.cmpi slt, %iota3A, %lt3A_15 : vector<200x128xi32>
    %broadcast_in_dim3A = vector.shape_cast %slice3A : vector<200x1xf32> to vector<200x1xf32>
    %broadcast_in_dim3A_17 = vector.broadcast %broadcast_in_dim3A : vector<200x1xf32> to vector<200x128xf32>
    %broadcast_in_dim3A_18 = vector.shape_cast %slice3A_14 : vector<200x1xf32> to vector<200x1xf32>
    %broadcast_in_dim3A_19 = vector.broadcast %broadcast_in_dim3A_18 : vector<200x1xf32> to vector<200x128xf32>
    %select_n3A = arith.select %lt3A_16, %broadcast_in_dim3A_17, %broadcast_in_dim3A_19 : vector<200x128xi1>, vector<200x128xf32>
    %add3A_20 = arith.constant 1.000000e-16 : f32
    %add3A_21 = vector.broadcast %add3A_20 : f32 to vector<200x128xf32>
    %add3A_22 = arith.addf %select_n3A, %add3A_21 : vector<200x128xf32>
    %div3A = arith.divf %add3A, %add3A_22 : vector<200x128xf32>
    %mul3A = arith.mulf %div3A, %div3A : vector<200x128xf32>
    %reduce_sum3A_23 = arith.constant dense<0.000000e+00> : vector<200xf32>
    %reduce_sum3A_24 = vector.multi_reduction <add>, %mul3A, %reduce_sum3A_23 [1] : vector<200x128xf32> to vector<200xf32>
    %broadcast_in_dim3A_25 = vector.shape_cast %reduce_sum3A_24 : vector<200xf32> to vector<200x1xf32>
    %sqrt3A = math.sqrt %broadcast_in_dim3A_25 : vector<200x1xf32>
    %max3A = arith.constant 9.99999996E-13 : f32
    %max3A_26 = vector.broadcast %max3A : f32 to vector<200x1xf32>
    %max3A_27 = arith.maximumf %sqrt3A, %max3A_26 : vector<200x1xf32>
    %div3A_28 = vector.broadcast %max3A_27 : vector<200x1xf32> to vector<200x128xf32>
    %div3A_29 = arith.divf %div3A, %div3A_28 : vector<200x128xf32>
    %swap3A = arith.constant 0 : index
    %swap3A_30 = arith.constant 0 : index
    %swap3A_31 = vector.load %arg4[%swap3A, %swap3A_30] : memref<200x128xf32, #tpu.memory_space<vmem>>, vector<200x128xf32>
    tpu.vector_store %arg4[%swap3A, %swap3A_30], %div3A_29 {strides = array<i32>} : memref<200x128xf32, #tpu.memory_space<vmem>>, vector<200x128xf32>,
    %get3A_32 = arith.constant 0 : index
    %get3A_33 = arith.constant 0 : index
    %get3A_34 = vector.load %arg3[%get3A_32, %get3A_33] : memref<200x128xf32, #tpu.memory_space<vmem>>, vector<200x128xf32>
    %add3A_35 = arith.addf %get3A_34, %div3A_29 : vector<200x128xf32>
    %swap3A_36 = arith.constant 0 : index
    %swap3A_37 = arith.constant 0 : index
    %swap3A_38 = vector.load %arg5[%swap3A_36, %swap3A_37] : memref<200x128xf32, #tpu.memory_space<vmem>>, vector<200x128xf32>
    tpu.vector_store %arg5[%swap3A_36, %swap3A_37], %add3A_35 {strides = array<i32>} : memref<200x128xf32, #tpu.memory_space<vmem>>, vector<200x128xf32>,
    return
  }
  func.func @transform_0(%arg0: i32) -> (i32, i32, i32) {
    %c0_i32 = arith.constant 0 : i32
    %c0_i32_0 = arith.constant 0 : i32
    %c0_i32_1 = arith.constant 0 : i32
    return %c0_i32, %arg0, %c0_i32_0 : i32, i32, i32
  }
  func.func @transform_1(%arg0: i32) -> (i32, i32, i32) {
    %c0_i32 = arith.constant 0 : i32
    %c0_i32_0 = arith.constant 0 : i32
    %c0_i32_1 = arith.constant 0 : i32
    return %c0_i32, %arg0, %c0_i32_0 : i32, i32, i32
  }
  func.func @transform_2(%arg0: i32) -> (i32, i32) {
    %c0_i32 = arith.constant 0 : i32
    %c0_i32_0 = arith.constant 0 : i32
    return %arg0, %c0_i32 : i32, i32
  }
  func.func @transform_3(%arg0: i32) -> (i32, i32) {
    %c0_i32 = arith.constant 0 : i32
    %c0_i32_0 = arith.constant 0 : i32
    return %arg0, %c0_i32 : i32, i32
  }
  func.func @transform_4(%arg0: i32) -> (i32, i32) {
    %c0_i32 = arith.constant 0 : i32
    %c0_i32_0 = arith.constant 0 : i32
    return %arg0, %c0_i32 : i32, i32
  }
}

module attributes {stable_mosaic.version = 14 : i64} {
  func.func @_usercomb_body(%arg0: i32, %arg1: memref<1000x128xf32, #tpu.memory_space<vmem>>, %arg2: memref<1000x128xf32, #tpu.memory_space<vmem>>, %arg3: memref<1000x128xf32, #tpu.memory_space<vmem>>) attributes {dimension_semantics = [#tpu.dimension_semantics<arbitrary>], iteration_bounds = array<i64: 30>, scalar_prefetch = 0 : i64, scratch_operands = 0 : i64, tpu.core_type = #tpu.core_type<tc>, window_params = [{transform_indices = @transform_0, window_bounds = array<i64: 1000, 128>}, {transform_indices = @transform_1, window_bounds = array<i64: 1000, 128>}, {transform_indices = @transform_2, window_bounds = array<i64: 1000, 128>}]} {
    %get3A = arith.constant 0 : index
    %get3A_0 = arith.constant 0 : index
    %get3A_1 = vector.load %arg1[%get3A, %get3A_0] : memref<1000x128xf32, #tpu.memory_space<vmem>>, vector<1000x128xf32>
    %mul3A = arith.mulf %get3A_1, %get3A_1 : vector<1000x128xf32>
    %reduce_sum3A = arith.constant dense<0.000000e+00> : vector<1000xf32>
    %reduce_sum3A_2 = vector.multi_reduction <add>, %mul3A, %reduce_sum3A [1] : vector<1000x128xf32> to vector<1000xf32>
    %broadcast_in_dim3A = vector.shape_cast %reduce_sum3A_2 : vector<1000xf32> to vector<1000x1xf32>
    %sqrt3A = math.sqrt %broadcast_in_dim3A : vector<1000x1xf32>
    %max3A = arith.constant 9.99999996E-13 : f32
    %max3A_3 = vector.broadcast %max3A : f32 to vector<1000x1xf32>
    %max3A_4 = arith.maximumf %sqrt3A, %max3A_3 : vector<1000x1xf32>
    %div3A = vector.broadcast %max3A_4 : vector<1000x1xf32> to vector<1000x128xf32>
    %div3A_5 = arith.divf %get3A_1, %div3A : vector<1000x128xf32>
    %get3A_6 = arith.constant 0 : index
    %get3A_7 = arith.constant 0 : index
    %get3A_8 = vector.load %arg2[%get3A_6, %get3A_7] : memref<1000x128xf32, #tpu.memory_space<vmem>>, vector<1000x128xf32>
    %add3A = arith.addf %get3A_8, %div3A_5 : vector<1000x128xf32>
    %swap3A = arith.constant 0 : index
    %swap3A_9 = arith.constant 0 : index
    %swap3A_10 = vector.load %arg3[%swap3A, %swap3A_9] : memref<1000x128xf32, #tpu.memory_space<vmem>>, vector<1000x128xf32>
    tpu.vector_store %arg3[%swap3A, %swap3A_9], %add3A {strides = array<i32>} : memref<1000x128xf32, #tpu.memory_space<vmem>>, vector<1000x128xf32>,
    return
  }
  func.func @transform_0(%arg0: i32) -> (i32, i32) {
    %c0_i32 = arith.constant 0 : i32
    %c0_i32_0 = arith.constant 0 : i32
    return %arg0, %c0_i32 : i32, i32
  }
  func.func @transform_1(%arg0: i32) -> (i32, i32) {
    %c0_i32 = arith.constant 0 : i32
    %c0_i32_0 = arith.constant 0 : i32
    return %arg0, %c0_i32 : i32, i32
  }
  func.func @transform_2(%arg0: i32) -> (i32, i32) {
    %c0_i32 = arith.constant 0 : i32
    %c0_i32_0 = arith.constant 0 : i32
    return %arg0, %c0_i32 : i32, i32
  }
}

</mosaic_0001>

<sc_bundles>
// kernel: kernel.12.cloned.1.call-start
scs
__scs_entry_jumppad:
0x0: {  	(pc) =	sbr.rel $0x88, $3  }
0x1: {  	(tag) =	ssettag $0x0;
	lr =	simm.s32 $0x1  }
0x2: {  	[smem:$0x3F99] =	sst lr;
	_ =	strace $0xD0000000  }
0x3: {  	_ = 	snop  }
0x4: {  	_ = 	snop  }
0x5: {  	_ = 	snop  }
0x6: {  	_ = 	snop  }
0x7: {  	_ = 	snop  }
__scs_overlays_trampoline_lowered:
0x8: {  	[smem:$0x3FA8] =	sst s0  }
0x9: {  	[smem:$0x3FA9] =	sst s1  }
0xa: {  	[smem:$0x3FAA] =	sst s2  }
0xb: {  	[smem:$0x3FAB] =	sst s3  }
0xc: {  	[smem:$0x3FAC] =	sst s4  }
0xd: {  	[smem:$0x3FAD] =	sst s5  }
0xe: {  	[smem:$0x3FAE] =	sst s6  }
0xf: {  	[smem:$0x3FAF] =	sst s7  }
0x10: {  	[smem:$0x3FB0] =	sst s8  }
0x11: {  	[smem:$0x3FB1] =	sst s9;
	s0 =	simm.s32 @!p0 $0x0  }
0x12: {  	s1 =	sld [smem:$0x3F97];
	s0 =	simm.s32 @p0 $0x1  }
0x13: {  	[smem:$0x3FB2] =	sst s0;
	s0 =	simm.s32 @!p1 $0x0  }
0x14: {  	s2 =	sld [smem:$0x3F96];
	s0 =	simm.s32 @p1 $0x1  }
0x15: {  	[smem:$0x3FB3] =	sst s0;
	s0 =	simm.s32 @!p2 $0x0  }
0x16: {  	s3 =	sld [smem:$0x3FDB];
	s0 =	simm.s32 @p2 $0x1  }
0x17: {  	s4 =	simm.s32 $0x1BF5;
	[smem:$0x3FB5] =	sst s0  }
0x18: {  	s0 =	sld [smem:$0x3F98];
	_ =	swait.ge [sflag:s4], $0x0  }
0x19: {  	s7 =	sld [smem:$0x3F99]  }
0x1a: {  	s8 =	sadd.s32 $0xFFFFE003, lr  }
0x1b: {  	s9 =	sadd.s32 $0xFFFFFEF7, lr;
	s5 =	simm.s32 $0xFFFFFFFF;
	p2 =	slt.u32 s8, $0xFFFFF086  }
0x1c: {  	p1 =	slt.u32 s9, $0xF7A;
	s5 =	simm.s32 @!p2 $0x0  }
0x1d: {  	s5 =	simm.s32 @p1 $0x1;
	p0 =	seq.s32 s7, s2  }
0x1e: {  	s7 =	smul.u32 @!p0 $0xF7A, s2;
	p2 =	seq.s32 @!p0 s5, $0x0  }
0x1f: {  	s9 =	smul.u32 $0xF7A, s1;
	s8 =	simm.s32 @!p0 $0x1BF5;
	p2 =	por !p2, p0  }
0x20: {  	[sflag:s8] =	ssyncset.s32 @!p0 $0xFFFFF086;
	s6 =	sadd.s32 @!p0 s3, s7;
	s7 =	simm.s32 @!p0 $0x108  }
0x21: {  	s3 =	sadd.s32 s3, s9;
	s6 =	sadd.s32 @!p0 $0x88, s6;
	s7 =	simm.s32 @p2 $0x1082  }
0x22: {  	[simem:s7], [sflag:s8] =	dma.local @!p0 [hbm:s6], $0xF7A  }
0x23: {  	s9 =	sor.u32 $0xD0000000, s2;
	s6 =	simm.s32 $0x108;
	_ =	swait.ge @!p0 [sflag:s8], $0x0  }
0x24: {  	s3 =	sadd.s32 $0x88, s3;
	s6 =	simm.s32 @!p1 $0x1082;
	[sflag:s4] =	ssyncset.s32 $0xFFFFF086  }
0x25: {  	[simem:s6], [sflag:s4] =	dma.local [hbm:s3], $0xF7A  }
0x26: {  	[smem:$0x3F99] =	sst s1;
	(tag) =	ssettag s2;
	_ =	strace s9  }
0x27: {  	s1 =	sld [smem:$0x3FA9]  }
0x28: {  	s2 =	sld [smem:$0x3FAA]  }
0x29: {  	s4 =	sld [smem:$0x3FAC]  }
0x2a: {  	p0 =	seq.s32 s5, $0x0;
	s5 =	sld [smem:$0x3FAD]  }
0x2b: {  	s6 =	sld [smem:$0x3FAE]  }
0x2c: {  	s7 =	sld [smem:$0x3FAF]  }
0x2d: {  	s3 =	simm.s32 $0x108;
	s8 =	sld [smem:$0x3FB0]  }
0x2e: {  	s3 =	simm.s32 @!p0 $0x1082;
	s9 =	sld [smem:$0x3FB1]  }
0x2f: {  	lr =	sadd.s32 s0, s3;
	s0 =	sld [smem:$0x3FA8]  }
0x30: {  	s3 =	sld [smem:$0x3FAB]  }
0x31: {  	[smem:$0x3FB4] =	sst s10  }
0x32: {  	s10 =	sld [smem:$0x3FB2];
	_ =	sdelay $0x3  }
0x33: {  	p0 =	seq.s32 s10, $0x1;
	s10 =	sld [smem:$0x3FB4];
	_ =	sdelay $0x3  }
0x34: {  	[smem:$0x3FB4] =	sst s10  }
0x35: {  	s10 =	sld [smem:$0x3FB3];
	_ =	sdelay $0x3  }
0x36: {  	p1 =	seq.s32 s10, $0x1;
	s10 =	sld [smem:$0x3FB4];
	_ =	sdelay $0x3  }
0x37: {  	[smem:$0x3FB4] =	sst s10  }
0x38: {  	s10 =	sld [smem:$0x3FB5]  }
0x39: {  	_ = 	snop;
	(pc) =	sbr.ind lr, $3  }
0x3a: {  	_ = 	snop  }
0x3b: {  	_ = 	snop  }
0x3c: {  	p2 =	seq.s32 s10, $0x1;
	s10 =	sld [smem:$0x3FB4]  }
0x3d: {  	_ =	shalt  }
0x3e: {  	_ =	shalt  }
0x3f: {  	_ =	shalt  }
0x40: {  	_ =	shalt  }
0x41: {  	_ =	shalt  }
0x42: {  	_ =	shalt  }
0x43: {  	_ =	shalt  }
0x44: {  	_ =	shalt  }
0x45: {  	_ =	shalt  }
0x46: {  	_ =	shalt  }
0x47: {  	_ =	shalt  }
0x48: {  	_ =	shalt  }
0x49: {  	_ =	shalt  }
0x4a: {  	_ =	shalt  }
0x4b: {  	_ =	shalt  }
0x4c: {  	_ =	shalt  }
0x4d: {  	_ =	shalt  }
0x4e: {  	_ =	shalt  }
0x4f: {  	_ =	shalt  }
0x50: {  	_ =	shalt  }
0x51: {  	_ =	shalt  }
0x52: {  	_ =	shalt  }
0x53: {  	_ =	shalt  }
0x54: {  	_ =	shalt  }
0x55: {  	_ =	shalt  }
0x56: {  	_ =	shalt  }
0x57: {  	_ =	shalt  }
0x58: {  	_ =	shalt  }
0x59: {  	_ =	shalt  }
0x5a: {  	_ =	shalt  }
0x5b: {  	_ =	shalt  }
0x5c: {  	_ =	shalt  }
0x5d: {  	_ =	shalt  }
0x5e: {  	_ =	shalt  }
0x5f: {  	_ =	shalt  }
0x60: {  	_ =	shalt  }
0x61: {  	_ =	shalt  }
0x62: {  	_ =	shalt  }
0x63: {  	_ =	shalt  }
0x64: {  	_ =	shalt  }
0x65: {  	_ =	shalt  }
0x66: {  	_ =	shalt  }
0x67: {  	_ =	shalt  }
0x68: {  	_ =	shalt  }
0x69: {  	_ =	shalt  }
0x6a: {  	_ =	shalt  }
0x6b: {  	_ =	shalt  }
0x6c: {  	_ =	shalt  }
0x6d: {  	_ =	shalt  }
0x6e: {  	_ =	shalt  }
0x6f: {  	_ =	shalt  }
0x70: {  	_ =	shalt  }
0x71: {  	_ =	shalt  }
0x72: {  	_ =	shalt  }
0x73: {  	_ =	shalt  }
0x74: {  	_ =	shalt  }
0x75: {  	_ =	shalt  }
0x76: {  	_ =	shalt  }
0x77: {  	_ =	shalt  }
0x78: {  	_ =	shalt  }
0x79: {  	_ =	shalt  }
0x7a: {  	_ =	shalt  }
0x7b: {  	_ =	shalt  }
0x7c: {  	_ =	shalt  }
0x7d: {  	_ =	shalt  }
0x7e: {  	_ =	shalt  }
0x7f: {  	_ =	shalt  }
0x80: {  	_ =	shalt  }
0x81: {  	_ =	shalt  }
0x82: {  	_ =	shalt  }
0x83: {  	_ =	shalt  }
0x84: {  	_ =	shalt  }
0x85: {  	_ =	shalt  }
0x86: {  	_ =	shalt  }
0x87: {  	_ =	shalt  }
.Lfunc_end0:
.L_simem_size_0:
called_computation_lowered:
.L_overlay_start_0:
0x88: {  	s2 =	sld [smem:$0x3FD9]  }
0x89: {  	s3 =	sld [smem:$0x3FFE];
	_ =	sdelay $0x1  }
0x8a: {  	s1 =	srdreg.scid  }
0x8b: {  	s0 =	sand.u32 $0x1, s1  }
0x8c: {  	s14 =	sshll.u32 s0, $0xA;
	s2 =	sadd.s32 s3, s2  }
0x8d: {  	s2 =	sadd.s32 s2, s14  }
0x8e: {  	[smem:$0x3FC0] =	sst s2  }
0x8f: {  	_ = 	snop  }
0x90: {  	s2 =	sld [smem:$0x3FD0]  }
0x91: {  	s15 =	sld [smem:$0x3FC8]  }
0x92: {  	s4 =	sld [smem:$0x3FC6]  }
0x93: {  	s6 =	simm.s32 $0xC;
	s7 =	simm.s32 $0x10;
	s5 =	sld [smem:$0x3FC2]  }
0x94: {  	[smem:s7], [sflag:s6] =	dma.local [hbm:s2], $0x1  }
0x95: {  	_ =	swait.eq [sflag:s6], $0x1  }
0x96: {  	[sflag:s6] =	ssyncset.done $0x0  }
0x97: {  	s16 =	sld [smem:$0x10];
	[sflag:s6] =	ssyncadd.s32 $0xFFFFFFFF  }
0x98: {  	s17 =	sld [smem:$0x11];
	(tm) =	ssettm $0x1  }
0x99: {  	s18 =	sld [smem:$0x3FFB];
	_ =	sdelay $0x3  }
0x9a: {  	_ =	strace s18  }
0x9b: {  	s7 =	sld [smem:$0x3FFC];
	_ =	sdelay $0x3  }
0x9c: {  	_ =	strace s7  }
0x9d: {  	s7 =	sld [smem:$0x3FFD];
	_ =	sdelay $0x3  }
0x9e: {  	_ =	strace s7  }
0x9f: {  	_ =	strace $0x8FFFFFFF  }
0xa0: {  	s19 =	sld [smem:$0x3FDB];
	_ =	sdelay $0x1  }
0xa1: {  	s8 =	simm.s32 $_scs_section_size  }
0xa2: {  	s9 =	simm.s32 $_size__tile_overlayer_lowered;
	s10 =	simm.s32 $_tile_overlayer_lowered  }
0xa3: {  	s22 =	simm.s32 $0x1BFF;
	s21 =	sshll.u32 s10, $0x1;
	s7 =	sadd.s32 s8, s19  }
0xa4: {  	s11 =	simm.s32 $0x0;
	s20 =	sshll.u32 s9, $0x1;
	s9 =	sadd.s32 s21, s7  }
0xa5: {  	[timem:s11], [sflag:s22] =	dma.local [hbm:s9], s20  }
0xa6: {  	_ =	swait.ge [sflag:s22], s20  }
0xa7: {  	s8 =	ssub.s32 $0x0, s20;
	[sflag:s22] =	ssyncset.done $0x0  }
0xa8: {  	[sflag:s22] =	ssyncadd.s32 s8;
	_ =	sdelay $0x1  }
0xa9: {  	s23 =	simm.s32 $0x1B8B  }
0xaa: {  	_ =	swait.ge [sflag:s23], $0x1  }
0xab: {  	[sflag:s23] =	ssyncset.done $0x0  }
0xac: {  	s25 =	simm.s32 $0x1B8E;
	s24 =	sld [smem:$0x3FFE];
	[sflag:s23] =	ssyncadd.s32 $0xFFFFFFFF  }
0xad: {  	s26 =	simm.s32 $execute0_lowered;
	[smem:$0x3FD2] =	sst s25  }
0xae: {  	s9 =	sshll.u32 s26, $0x1;
	_ =	strace $0x80000046;
	[dreg:$0x1] =	wrdreg $0xFFFFFFFF  }
0xaf: {  	s28 =	simm.s32 $_size_execute0_lowered;
	s7 =	sadd.s32 s7, s9;
	[dreg:$0x0] =	wrdreg $0x0  }
0xb0: {  	s9 =	sshll.u32 s28, $0x1;
	[dreg:$0x2] =	wrdreg s7  }
0xb1: {  	[dreg:$0x3] =	wrdreg s9  }
0xb2: {  	[dreg:$0x4] =	wrdreg $0xC0  }
0xb3: {  	_ =	task [dreg:s11], $0x5FFFF  }
0xb4: {  	[dreg:$0x1] =	wrdreg $0xFFFFFFFF  }
0xb5: {  	[dreg:$0x0] =	wrdreg $0x60  }
0xb6: {  	[dreg:$0x2] =	wrdreg s17  }
0xb7: {  	[dreg:$0x3] =	wrdreg s15  }
0xb8: {  	[dreg:$0x4] =	wrdreg s5  }
0xb9: {  	[dreg:$0x5] =	wrdreg s24  }
0xba: {  	[dreg:$0x6] =	wrdreg s4  }
0xbb: {  	[dreg:$0x7] =	wrdreg s16  }
0xbc: {  	[dreg:$0x8] =	wrdreg $0x0  }
0xbd: {  	[dreg:$0x9] =	wrdreg $0xA  }
0xbe: {  	_ =	task.clear_ibuf [dreg:s11], $0xAFFFF;
	_ =	strace $0x90000046  }
0xbf: {  	s29 =	simm.s32 $0xA;
	_ =	strace $0x80000048  }
0xc0: {  	_ =	swait.ge [sflag:s29], $0x1  }
0xc1: {  	[sflag:s29] =	ssyncadd.s32 $0xFFFFFFFF  }
0xc2: {  	_ =	strace $0x90000048  }
0xc3: {  	_ =	sfence  }
0xc4: {  	s30 =	sld [smem:$0x0];
	_ =	sdelay $0x2  }
0xc5: {  	s31 =	sshll.u32 s1, $0xD;
	s1 =	sshrl.u32 s1, $0x2  }
0xc6: {  	s3 =	sand.u32 $0x4000, s31;
	s1 =	sadd.s32 s1, s30  }
0xc7: {  	s0 =	sor.u32 s3, s0;
	s1 =	sshll.u32 s1, $0x11  }
0xc8: {  	s0 =	sor.u32 s1, s0  }
0xc9: {  	s0 =	sadd.s32 $0x8F2B, s0  }
0xca: {  	[sflag:s0] =	ssyncadd.remote.s32 $0x1  }
0xcb: {  	_ =	sfence.sel $0xFFFF  }
0xcc: {  	[dreg:$0x0] =	wrdreg $0xFFFFFFFF;
	(pc) =	sbr.abs _section_cstart, $3  }
0xcd: {  	[dreg:$0x1] =	wrdreg $0xFFFFFFFF  }
0xce: {  	_ =	task.clear_ibuf [dreg:s11], $0x2FFFF;
	_ =	strace $0x9FFFFFFF  }
0xcf: {  	(tm) =	ssettm $0x7FFFFFFF  }
tec
execute0_lowered:
.L_overlay_start_1:
0x0: {  	(tag) =	ssettag $0x1  }
0x1: {  	s0 =	rddreg [dreg:$0x0]  }
0x2: {  	s2 =	rddreg [dreg:$0x1]  }
0x3: {  	s1 =	rddreg [dreg:$0x3]  }
0x4: {  	s4 =	rddreg [dreg:$0x4]  }
0x5: {  	s3 =	rddreg [dreg:$0x5]  }
0x6: {  	s6 =	rddreg [dreg:$0x6]  }
0x7: {  	s5 =	srdreg.scid;
	s7 =	simm.s32 $0x0;
	s20 =	stileid.u32  }
0x8: {  	s28 =	simm.s32 $0x18B00;
	s29 =	simm.s32 $0x18B80;
	s30 =	simm.s32 $0x18C00  }
0x9: {  	s31 =	simm.s32 $0x1;
	s5 =	sand.u32 $0x1, s5;
	[smem:$0x7FF] =	sst s7  }
0xa: {  	s8 =	sshrl.u32 s20, $0x3;
	s9 =	sadd.s32 $0x3400, s1;
	s13 =	smul.u32 $0x19000, s20  }
0xb: {  	s12 =	sshll.u32 s20, $0x7;
	s10 =	sadd.s32 $0x17000, s1;
	s21 =	smul.u32 $0x4E800, s5  }
0xc: {  	s23 =	sadd.s32 $0x17E00, s1;
	s26 =	sor.u32 $0x10, s20;
	s11 =	smul.u32 $0x27400, s8  }
0xd: {  	s15 =	sor.u32 $0x20, s20;
	s17 =	sor.u32 $0x30, s20;
	s14 =	smul.u32 $0x19000, s26  }
0xe: {  	s18 =	sshll.u32 s20, $0x1;
	p0 =	sgt.u32 s20, $0x1;
	s16 =	smul.u32 $0x19000, s15  }
0xf: {  	_ =	strace $0x80000047;
	[dreg:$0x8] =	wrdreg s23;
	s23 =	smul.u32 $0x19000, s17  }
0x10: {  	s8 =	sadd.s32 $0xD200, s1;
	s22 =	sand.u32 $0x380, s12;
	s19 =	smul.u32 $0x138800, s5  }
0x11: {  	s24 =	ssub.s32 $0x2, s5;
	s5 =	sor.u32 s5, s18;
	s15 =	smul.u32 $0x6400, s15  }
0x12: {  	s25 =	sshrl.u32 s24, $0x1;
	s7 =	sadd.s32 s21, s11;
	s21 =	sshrl.u32 s13, $0x2  }
0x13: {  	s14 =	sshrl.u32 s14, $0x2;
	s16 =	sshrl.u32 s16, $0x2;
	s11 =	smul.u32 $0x6400, s26  }
0x14: {  	s7 =	sor.u32 s22, s7;
	s22 =	sshll.u32 s20, $0x6;
	s12 =	sadd.s32 s21, s6  }
0x15: {  	s14 =	sadd.s32 s14, s6;
	s7 =	sshrl.u32 s7, $0x3;
	[dreg:$0x9] =	wrdreg s12  }
0x16: {  	s13 =	sor.u32 $0x1C04, s22;
	[dreg:$0xa] =	wrdreg s14;
	s12 =	sshrl.u32 s23, $0x2  }
0x17: {  	s21 =	sadd.s32 s19, s11;
	s22 =	sadd.s32 s19, s15;
	s1 =	sadd.s32 s7, s1  }
0x18: {  	s7 =	ssub.s32 s24, s25;
	s24 =	smul.u32 $0x6400, s20;
	s25 =	sadd.s32 s16, s6  }
0x19: {  	s12 =	sadd.s32 s12, s6;
	s16 =	smul.u32 $0x6400, s17;
	[dreg:$0xb] =	wrdreg s25  }
0x1a: {  	s17 =	smul.u32 $0x2710, s5;
	s5 =	sshrl.u32 s22, $0x3;
	[dreg:$0xc] =	wrdreg s12  }
0x1b: {  	s1 =	sadd.s32 $0x18800, s1;
	s12 =	simm.s32 $0x1B480;
	s26 =	sadd.s32 s24, s19  }
0x1c: {  	[dreg:$0xd] =	wrdreg s1;
	s23 =	sadd.s32 s19, s16;
	s1 =	sshrl.u32 s21, $0x3  }
0x1d: {  	s24 =	sadd.s32 s3, s5;
	s5 =	simm.s32 $0x3;
	s14 =	sshrl.u32 s26, $0x3  }
0x1e: {  	s11 =	sshrl.u32 s23, $0x3;
	s1 =	sadd.s32 s3, s1;
	[dreg:$0x10] =	wrdreg s24  }
0x1f: {  	s26 =	smax.u32 s7, $0x1;
	s24 =	simm.s32 $0x4;
	s7 =	simm.s32 $0x18C80  }
0x20: {  	v0 =	vlaneseq.u32;
	v8 =	vimm.s32 $0x1;
	vm1 =	vcmask $0x300;
	s18 =	sadd.s32 s3, s14;
	[dreg:$0xf] =	wrdreg s1;
	s25 =	sadd.s32 s3, s11  }
0x21: {  	vm0 =	vmmov $0x1;
	v1 =	vor.u32 $0x10, v0;
	v2 =	vor.u32 $0x20, v0;
	[dreg:$0x12] =	wrdreg s26;
	s26 =	simm.s32 $0x18700;
	s1 =	simm.s32 $0x2  }
0x22: {  	v3 =	vor.u32 $0x30, v0;
	v4 =	vor.u32 $0x40, v0;
	v5 =	vor.u32 $0x50, v0;
	s3 =	simm.s32 $0x28;
	s11 =	simm.s32 $0x1A080;
	[dreg:$0xe] =	wrdreg s18  }
0x23: {  	v6 =	vor.u32 $0x60, v0;
	v7 =	vor.u32 $0x70, v0;
	v8 =	vsel vm1, $0x0, v8;
	s14 =	simm.s32 $0x0;
	[dreg:$0x11] =	wrdreg s25;
	s25 =	simm.s32 $0x13880  }
.LBB2_1:
0x24: {  	s15 =	rddreg [dreg:$0x9]  }
0x25: {  	s15 =	sshrl.u32 s15, $0x3  }
0x26: {  	[dreg:$0x13] =	wrdreg s15  }
0x27: {  	[spmem:s15], [sflag:s13] =	dma.local [hbm:s10], $0xC80  }
0x28: {  	_ =	swait.ge [sflag:s24], $0xC80  }
0x29: {  	s20 =	rddreg [dreg:$0xa]  }
0x2a: {  	[sflag:s24] =	ssyncset.done $0x0;
	s15 =	sshrl.u32 s20, $0x3  }
0x2b: {  	[sflag:s24] =	ssyncadd.s32 $0xFFFFF380;
	[dreg:$0x14] =	wrdreg s15  }
0x2c: {  	[spmem:s15], [sflag:s13] =	dma.local [hbm:s10], $0xC80  }
0x2d: {  	_ =	swait.ge [sflag:s24], $0xC80  }
0x2e: {  	s21 =	rddreg [dreg:$0xb]  }
0x2f: {  	[sflag:s24] =	ssyncset.done $0x0;
	s15 =	sshrl.u32 s21, $0x3  }
0x30: {  	[sflag:s24] =	ssyncadd.s32 $0xFFFFF380;
	[dreg:$0x15] =	wrdreg s15  }
0x31: {  	[spmem:s15], [sflag:s13] =	dma.local [hbm:s10], $0xC80  }
0x32: {  	_ =	swait.ge [sflag:s24], $0xC80  }
0x33: {  	s15 =	rddreg [dreg:$0xc]  }
0x34: {  	[sflag:s24] =	ssyncset.done $0x0;
	s15 =	sshrl.u32 @!p0 s15, $0x3  }
0x35: {  	[sflag:s24] =	ssyncadd.s32 $0xFFFFF380;
	[dreg:$0x16] =	wrdreg s15  }
0x36: {  	[spmem:s15], [sflag:s13] =	dma.local @!p0 [hbm:s10], $0xC80  }
0x37: {  	s15 =	simm.s32 @!p0 $0x4  }
0x38: {  	_ =	swait.ge @!p0 [sflag:s15], $0xC80  }
0x39: {  	[sflag:s15] =	ssyncset.done @!p0 $0x0  }
0x3a: {  	s16 =	simm.s32 $0x0;
	s22 =	rddreg [dreg:$0x8];
	[sflag:s15] =	ssyncadd.s32 @!p0 $0xFFFFF380  }
0x3b: {  	[tilespmem:s25], [sflag:$0x4] =	stream.linear.gather [hbm4b:s22+s16], $0x4E80, $0x38;
	[tilespmem:$0x1C880] =	vst v63  }
0x3c: {  	_ =	swait.ge [sflag:s24], $0x4E80  }
0x3d: {  	[sflag:s24] =	ssyncset.done $0x0  }
0x3e: {  	[sflag:s24] =	ssyncadd.s32 $0xFFFFB180  }
0x3f: {  	s23 =	rddreg [dreg:$0x2]  }
0x40: {  	[tilespmem:s26], [sflag:$0x4] =	stream.linear.gather [hbm4b:s23+s16], $0x400, $0x38;
	[tilespmem:$0x1C880] =	vst v63  }
0x41: {  	_ =	swait.ge [sflag:s24], $0x400  }
0x42: {  	[sflag:s24] =	ssyncset.done $0x0  }
0x43: {  	[sflag:s24] =	ssyncadd.s32 $0xFFFFFC00  }
0x44: {  	s20 =	simm.s32 $0x0;
	[bflag:$0x0] =	sbarrier.arrive $0xFFFF  }
.LBB2_2:
0x45: {  	s15 =	smul.u32 $0x28, s20;
	_ =	sdelay $0x1  }
0x46: {  	s15 =	sadd.s32 s17, s15  }
0x47: {  	s15 =	sshrl.u32 s15, $0x3  }
0x48: {  	s21 =	simm.s32 $0x0;
	s16 =	sadd.s32 s8, s15  }
0x49: {  	[tilespmem:s28], [sflag:$0x1] =	stream.linear.gather [hbm4b:s16+s21], $0x28, $0x38;
	[tilespmem:$0x1C880] =	vst v63  }
0x4a: {  	s23 =	sadd.s32 s9, s15  }
0x4b: {  	[tilespmem:s29], [sflag:$0x2] =	stream.linear.gather [hbm4b:s23+s21], $0x28, $0x38;
	[tilespmem:$0x1C880] =	vst v63  }
0x4c: {  	s15 =	sadd.s32 s4, s15  }
0x4d: {  	[tilespmem:s30], [sflag:$0x3] =	stream.linear.gather [hbm4b:s15+s21], $0x28, $0x38;
	[tilespmem:$0x1C880] =	vst v63  }
0x4e: {  	_ =	swait.ge [sflag:s31], $0x28  }
0x4f: {  	[sflag:s31] =	ssyncset.done $0x0  }
0x50: {  	[sflag:s31] =	ssyncadd.s32 $0xFFFFFFD8  }
0x51: {  	_ =	swait.ge [sflag:s1], $0x28  }
0x52: {  	[sflag:s1] =	ssyncset.done $0x0  }
0x53: {  	[sflag:s1] =	ssyncadd.s32 $0xFFFFFFD8  }
0x54: {  	_ =	swait.ge [sflag:s5], $0x28  }
0x55: {  	[sflag:s5] =	ssyncset.done $0x0  }
0x56: {  	[sflag:s5] =	ssyncadd.s32 $0xFFFFFFD8  }
0x57: {  	[tilespmem:s7], [sflag:$0x1] =	stream.indirect.gather [hbm4b:s0+s3], $0x80, s28, s3, $0xb8;
	[tilespmem:$0x1C880] =	vst v63  }
0x58: {  	_ = 	snop  }
0x59: {  	[tilespmem:s11], [sflag:$0x2] =	stream.indirect.gather [hbm4b:s0+s3], $0x80, s29, s3, $0xb8;
	[tilespmem:$0x1C880] =	vst v63  }
0x5a: {  	_ = 	snop  }
0x5b: {  	[tilespmem:s12], [sflag:$0x3] =	stream.indirect.gather [hbm4b:s2+s3], $0x80, s29, s3, $0xb8;
	[tilespmem:$0x1C880] =	vst v63  }
0x5c: {  	_ =	swait.ge [sflag:s31], $0x1400  }
0x5d: {  	[sflag:s31] =	ssyncset.done $0x0  }
0x5e: {  	[sflag:s31] =	ssyncadd.s32 $0xFFFFEC00  }
0x5f: {  	_ =	swait.ge [sflag:s1], $0x1400  }
0x60: {  	v9 =	vmov s21;
	[sflag:s1] =	ssyncset.done $0x0  }
0x61: {  	[sflag:s1] =	ssyncadd.s32 $0xFFFFEC00  }
0x62: {  	_ =	swait.ge [sflag:s5], $0x1400  }
0x63: {  	[sflag:s5] =	ssyncset.done $0x0  }
0x64: {  	[sflag:s5] =	ssyncadd.s32 $0xFFFFEC00  }
0x65: {  	s21 =	simm.s32 $0x18CC0;
	v10 =	vld.idx.msk [tilespmem:v9+s30+$0x0], $0xffff  }
0x66: {  	v18 =	vld [tilespmem:s21+$0x20]  }
0x67: {  	s22 =	simm.s32 $0x1A0C0;
	v19 =	vld [tilespmem:s21+$0x0]  }
0x68: {  	v20 =	vld [tilespmem:s22+$0x20]  }
0x69: {  	v21 =	vld [tilespmem:s22+$0xFFFFFFE0]  }
0x6a: {  	v17 =	vld [tilespmem:s22+$0x0]  }
0x6b: {  	v22 =	vld [tilespmem:s21+$0xFFFFFFE0]  }
0x6c: {  	v23 =	vld [tilespmem:s22+$0x10]  }
0x6d: {  	v24 =	vld [tilespmem:s21+$0xFFFFFFC0];
	v11 =	vshll.u32 v10, $0x7  }
0x6e: {  	v25 =	vld [tilespmem:s21+$0xFFFFFFD0];
	v12 =	vor.u32 v0, v11  }
0x6f: {  	v26 =	vld [tilespmem:s22+$0xFFFFFFC0]  }
0x70: {  	v28 =	vld [tilespmem:s22+$0xFFFFFFD0];
	v10 =	vor.u32 v1, v11  }
0x71: {  	v54 =	vld [tilespmem:s21+$0x10];
	v27 =	vor.u32 v4, v11  }
0x72: {  	v55 =	vld [tilespmem:s22+$0xFFFFFFF0];
	v14 =	vor.u32 v2, v11  }
0x73: {  	v16 =	vor.u32 v5, v11;
	v15 =	vld.idx.msk [tilespmem:v12+s26+$0x0], $0xffff  }
0x74: {  	v56 =	vld [tilespmem:s22+$0x30];
	v12 =	vor.u32 v3, v11  }
0x75: {  	v29 =	vor.u32 v6, v11;
	v13 =	vld.idx.msk [tilespmem:v10+s26+$0x0], $0xffff  }
0x76: {  	v30 =	vor.u32 v7, v11;
	v11 =	vld.idx.msk [tilespmem:v27+s26+$0x0], $0xffff  }
0x77: {  	v14 =	vld.idx.msk [tilespmem:v14+s26+$0x0], $0xffff  }
0x78: {  	v10 =	vld.idx.msk [tilespmem:v16+s26+$0x0], $0xffff;
	v26 =	vmul.f32 v15, v26  }
0x79: {  	v12 =	vld.idx.msk [tilespmem:v12+s26+$0x0], $0xffff  }
0x7a: {  	v16 =	vld.idx.msk [tilespmem:v29+s26+$0x0], $0xffff;
	v28 =	vmul.f32 v13, v28;
	v24 =	vmul.f32 v26, v24  }
0x7b: {  	v57 =	vld [tilespmem:s21+$0xFFFFFFF0];
	v31 =	vmul.f32 v11, v17  }
0x7c: {  	v17 =	vld.idx.msk [tilespmem:v30+s26+$0x0], $0xffff;
	v21 =	vmul.f32 v14, v21;
	v25 =	vmul.f32 v28, v25;
	v24 =	vadd.f32 $0.0e+00, v24  }
0x7d: {  	v23 =	vmul.f32 v10, v23;
	v19 =	vmul.f32 v31, v19  }
0x7e: {  	v58 =	vld [tilespmem:s21+$0x30];
	v21 =	vmul.f32 v21, v22;
	v60 =	vmul.f32 v12, v55;
	v59 =	vadd.f32 v25, v24  }
0x7f: {  	v20 =	vmul.f32 v16, v20;
	v23 =	vmul.f32 v23, v54;
	v19 =	vadd.f32 $0.0e+00, v19  }
0x80: {  	v62 =	vmul.f32 v60, v57;
	v21 =	vadd.f32 v21, v59  }
0x81: {  	v18 =	vmul.f32 v20, v18;
	v61 =	vmul.f32 v17, v56;
	v19 =	vadd.f32 v23, v19  }
0x82: {  	v63 =	vadd.f32 v62, v21  }
0x83: {  	v18 =	vadd.f32 v18, v19;
	v19 =	vmul.f32 v61, v58  }
0x84: {  	(xrf2) =	vadd.scan.msk.f32 $0xffff, v63  }
0x85: {  	v18 =	vadd.f32 v19, v18;
	_ =	sdelay $0x1  }
0x86: {  	(xrf2) =	vadd.scan.msk.f32 $0xffff, v18;
	_ =	sdelay $0x6  }
0x87: {  	v18, _, _ =	vpop (xrf2)  }
0x88: {  	(v2sf) =	vpush v18, $0xF;
	_ =	sdelay $0x1  }
0x89: {  	v18, _, _ =	vpop (xrf2)  }
0x8a: {  	s16 =	simm.s32 $0x1;
	s23 =	simm.s32 $0x1B4C0;
	s15 =	simm.s32 $0x1B4C0;
	(v2sf) =	vpush v18, $0xF  }
.LBB2_3:
0x8b: {  	_ =	sdelay $0x6  }
0x8c: {  	s22 =	sadd.s32 $0x80, s22;
	s15 =	sadd.s32 $0x80, s15;
	s21 =	sadd.s32 $0x80, s21  }
0x8d: {  	p1 =	sne.s32 s16, $0x27;
	s18 =	smov.u32 s16;
	s16 =	sadd.s32 $0x1, s16  }
0x8e: {  	_ =	sdelay $0x1  }
0x8f: {  	s19 =	spop (v2sf)  }
0x90: {  	s19 =	smul.f32 $1.250000000e-01, s19;
	_ =	sdelay $0x1  }
0x91: {  	v18 =	vmov s18;
	v19 =	vmov s19;
	s18 =	spop (v2sf)  }
0x92: {  	s18 =	smul.f32 $1.250000000e-01, s18;
	v19 =	vmul.f32 $1.442695020e+00, v19;
	_ =	sdelay $0x1  }
0x93: {  	v19 =	vbroadcast v19, $0x0;
	v20 =	vmov s18  }
0x94: {  	v20 =	vmul.f32 $1.442695020e+00, v20  }
0x95: {  	v21 =	vld [tilespmem:s23+$0xFFFFFFC0]  }
0x96: {  	v22 =	vld [tilespmem:s23+$0xFFFFFFD0];
	v20 =	vbroadcast v20, $0x0  }
0x97: {  	v23 =	vld.idx.msk [tilespmem:v9+s28+$0x0], $0xffff;
	(erf) = vpow2.f32 v19;
	v9 =	vmov v18  }
0x98: {  	v18 =	vld [tilespmem:s23+$0x0];
	(erf) = vpow2.f32 v20  }
0x99: {  	v19 =	vld [tilespmem:s23+$0xFFFFFFE0]  }
0x9a: {  	v20 =	vld [tilespmem:s23+$0x30]  }
0x9b: {  	v24 =	vld [tilespmem:s23+$0x10]  }
0x9c: {  	v25 =	vld [tilespmem:s23+$0x20]  }
0x9d: {  	v23 =	vshll.u32 v23, $0x1  }
0x9e: {  	v13 =	vmul.f32 v13, v22;
	v14 =	vmul.f32 v14, v19;
	v19 =	vor.u32 v8, v23  }
0x9f: {  	v15 =	vmul.f32 v15, v21;
	v21 =	vld [tilespmem:s23+$0xFFFFFFF0];
	v17 =	vmul.f32 v17, v20  }
0xa0: {  	v11 =	vmul.f32 v11, v18;
	v10 =	vmul.f32 v10, v24;
	v18 =	vpop (erf)  }
0xa1: {  	v16 =	vmul.f32 v16, v25;
	v15 =	vmul.f32 v18, v15;
	v20 =	vpop (erf)  }
0xa2: {  	v22 =	vsel vm0, v18, v20;
	v11 =	vmul.f32 v20, v11;
	v10 =	vmul.f32 v20, v10  }
0xa3: {  	v17 =	vmul.f32 v20, v17;
	[tilespmem:v19+s25+$0x0] =	vst.idx.add.f32.msk $0x3, v22;
	v16 =	vmul.f32 v20, v16  }
0xa4: {  	v13 =	vmul.f32 v18, v13;
	v12 =	vmul.f32 v12, v21;
	[tilespmem:s23+$0xFFFFFFC0] =	vst v15  }
0xa5: {  	v14 =	vmul.f32 v18, v14;
	[tilespmem:s23+$0x20] =	vst v16  }
0xa6: {  	[tilespmem:s23+$0xFFFFFFD0] =	vst v13;
	v12 =	vmul.f32 v18, v12  }
0xa7: {  	[tilespmem:s23+$0xFFFFFFE0] =	vst v14  }
0xa8: {  	[tilespmem:s23+$0xFFFFFFF0] =	vst v12  }
0xa9: {  	[tilespmem:s23+$0x30] =	vst v17  }
0xaa: {  	[tilespmem:s23+$0x0] =	vst v11  }
0xab: {  	[tilespmem:s23+$0x10] =	vst v10;
	s23 =	smov.u32 s15  }
0xac: {  	v10 =	vld.idx.msk [tilespmem:v9+s30+$0x0], $0xffff  }
0xad: {  	v18 =	vld [tilespmem:s21+$0x20]  }
0xae: {  	v19 =	vld [tilespmem:s21+$0x0]  }
0xaf: {  	v20 =	vld [tilespmem:s22+$0x20]  }
0xb0: {  	v17 =	vld [tilespmem:s22+$0xFFFFFFE0]  }
0xb1: {  	v21 =	vld [tilespmem:s22+$0x0]  }
0xb2: {  	v10 =	vshll.u32 v10, $0x7;
	v22 =	vld [tilespmem:s21+$0xFFFFFFE0]  }
0xb3: {  	v11 =	vor.u32 v0, v10;
	v12 =	vor.u32 v1, v10;
	v14 =	vor.u32 v2, v10;
	v23 =	vld [tilespmem:s22+$0x10]  }
0xb4: {  	v25 =	vor.u32 v3, v10;
	v16 =	vor.u32 v5, v10;
	v26 =	vor.u32 v7, v10;
	v24 =	vld [tilespmem:s21+$0xFFFFFFC0]  }
0xb5: {  	v27 =	vld [tilespmem:s21+$0xFFFFFFD0]  }
0xb6: {  	v29 =	vor.u32 v4, v10;
	v28 =	vld [tilespmem:s22+$0xFFFFFFC0]  }
0xb7: {  	v30 =	vld [tilespmem:s22+$0xFFFFFFD0]  }
0xb8: {  	v13 =	vld.idx.msk [tilespmem:v12+s26+$0x0], $0xffff;
	v12 =	vor.u32 v6, v10  }
0xb9: {  	v15 =	vld.idx.msk [tilespmem:v11+s26+$0x0], $0xffff  }
0xba: {  	v14 =	vld.idx.msk [tilespmem:v14+s26+$0x0], $0xffff  }
0xbb: {  	v10 =	vld.idx.msk [tilespmem:v16+s26+$0x0], $0xffff  }
0xbc: {  	v11 =	vld.idx.msk [tilespmem:v29+s26+$0x0], $0xffff  }
0xbd: {  	v16 =	vld.idx.msk [tilespmem:v12+s26+$0x0], $0xffff  }
0xbe: {  	v29 =	vmul.f32 v13, v30;
	v30 =	vld [tilespmem:s21+$0x10]  }
0xbf: {  	v28 =	vmul.f32 v15, v28;
	v12 =	vld.idx.msk [tilespmem:v25+s26+$0x0], $0xffff  }
0xc0: {  	v25 =	vmul.f32 v29, v27;
	v17 =	vmul.f32 v14, v17;
	v27 =	vld [tilespmem:s22+$0xFFFFFFF0]  }
0xc1: {  	v24 =	vmul.f32 v28, v24;
	v23 =	vmul.f32 v10, v23;
	v28 =	vld [tilespmem:s21+$0xFFFFFFF0]  }
0xc2: {  	v22 =	vmul.f32 v17, v22;
	v21 =	vmul.f32 v11, v21;
	v17 =	vld.idx.msk [tilespmem:v26+s26+$0x0], $0xffff  }
0xc3: {  	v24 =	vadd.f32 $0.0e+00, v24;
	v20 =	vmul.f32 v16, v20;
	v23 =	vmul.f32 v23, v30;
	v26 =	vld [tilespmem:s22+$0x30]  }
0xc4: {  	v19 =	vmul.f32 v21, v19  }
0xc5: {  	v21 =	vadd.f32 v25, v24;
	v18 =	vmul.f32 v20, v18;
	v24 =	vmul.f32 v12, v27;
	v20 =	vld [tilespmem:s21+$0x30]  }
0xc6: {  	v19 =	vadd.f32 $0.0e+00, v19  }
0xc7: {  	v21 =	vadd.f32 v22, v21;
	v22 =	vmul.f32 v24, v28  }
0xc8: {  	v19 =	vadd.f32 v23, v19;
	v23 =	vmul.f32 v17, v26  }
0xc9: {  	v21 =	vadd.f32 v22, v21  }
0xca: {  	v18 =	vadd.f32 v18, v19;
	v19 =	vmul.f32 v23, v20  }
0xcb: {  	(xrf2) =	vadd.scan.msk.f32 $0xffff, v21  }
0xcc: {  	v18 =	vadd.f32 v19, v18;
	_ =	sdelay $0x1  }
0xcd: {  	(xrf2) =	vadd.scan.msk.f32 $0xffff, v18;
	_ =	sdelay $0x6  }
.Ltmp0:
0xce: {  	v18, _, _ =	vpop (xrf2);
	(pc) =	sbr.rel @p1 .LBB2_3-.Ltmp0, $3  }
0xcf: {  	(v2sf) =	vpush v18, $0xF;
	_ =	sdelay $0x1  }
0xd0: {  	v18, _, _ =	vpop (xrf2)  }
0xd1: {  	(v2sf) =	vpush v18, $0xF  }
0xd2: {  	_ =	sdelay $0xc  }
0xd3: {  	s15 =	spop (v2sf)  }
0xd4: {  	s15 =	smul.f32 $1.250000000e-01, s15;
	s16 =	spop (v2sf)  }
0xd5: {  	s16 =	smul.f32 $1.250000000e-01, s16  }
0xd6: {  	v18 =	vmov s15  }
0xd7: {  	v18 =	vmul.f32 $1.442695020e+00, v18;
	v19 =	vmov s16  }
0xd8: {  	v19 =	vmul.f32 $1.442695020e+00, v19  }
0xd9: {  	v18 =	vbroadcast v18, $0x0  }
0xda: {  	v19 =	vbroadcast v19, $0x0  }
0xdb: {  	(erf) = vpow2.f32 v18  }
0xdc: {  	v9 =	vld.idx.msk [tilespmem:v9+s28+$0x0], $0xffff;
	(erf) = vpow2.f32 v19;
	_ =	sdelay $0x2  }
0xdd: {  	v57 =	vld [tilespmem:s23+$0xFFFFFFC0]  }
0xde: {  	v20 =	vld [tilespmem:s23+$0xFFFFFFD0]  }
0xdf: {  	v21 =	vld [tilespmem:s23+$0xFFFFFFE0];
	v9 =	vshll.u32 v9, $0x1  }
0xe0: {  	v58 =	vld [tilespmem:s23+$0x20];
	v9 =	vor.u32 v8, v9  }
0xe1: {  	v23 =	vld [tilespmem:s23+$0x30]  }
0xe2: {  	v25 =	vld [tilespmem:s23+$0x10];
	v15 =	vmul.f32 v15, v57;
	v59 =	vpop (erf)  }
0xe3: {  	v22 =	vld [tilespmem:s23+$0xFFFFFFF0];
	v13 =	vmul.f32 v13, v20;
	v60 =	vpop (erf)  }
0xe4: {  	v24 =	vld [tilespmem:s23+$0x0];
	v14 =	vmul.f32 v14, v21;
	v15 =	vmul.f32 v59, v15;
	v61 =	vsel vm0, v59, v60  }
0xe5: {  	v16 =	vmul.f32 v16, v58;
	v13 =	vmul.f32 v59, v13;
	[tilespmem:v9+s25+$0x0] =	vst.idx.add.f32.msk $0x3, v61  }
0xe6: {  	v62 =	vmul.f32 v17, v23;
	v14 =	vmul.f32 v59, v14;
	[tilespmem:s23+$0xFFFFFFC0] =	vst v15  }
0xe7: {  	v10 =	vmul.f32 v10, v25;
	v9 =	vmul.f32 v60, v16;
	[tilespmem:s23+$0xFFFFFFD0] =	vst v13  }
0xe8: {  	v12 =	vmul.f32 v12, v22;
	v63 =	vmul.f32 v60, v62;
	[tilespmem:s23+$0xFFFFFFE0] =	vst v14  }
0xe9: {  	v10 =	vmul.f32 v60, v10;
	[tilespmem:s23+$0x20] =	vst v9;
	v9 =	vmul.f32 v11, v24  }
0xea: {  	[tilespmem:s23+$0x30] =	vst v63;
	v11 =	vmul.f32 v59, v12  }
0xeb: {  	s20 =	sadd.s32 $0x1, s20;
	[tilespmem:s23+$0x10] =	vst v10;
	v9 =	vmul.f32 v60, v9  }
0xec: {  	p1 =	sne.s32 s20, $0xFA;
	[tilespmem:s23+$0xFFFFFFF0] =	vst v11  }
.Ltmp1:
0xed: {  	[tilespmem:s23+$0x0] =	vst v9;
	(pc) =	sbr.rel @p1 .LBB2_2-.Ltmp1, $4  }
0xee: {  	[spmem:s6] =	stream.indirect.scatter.add.f32 [tilespmem:s12], [sflag:$0x4], $0x80, s28, s3, $0xb8;
	[tilespmem:$0x1C880] =	vst v63  }
0xef: {  	_ =	swait.ge [sflag:s24], $0x1400  }
0xf0: {  	[sflag:s24] =	ssyncset.done $0x0  }
0xf1: {  	[sflag:s24] =	ssyncadd.s32 $0xFFFFEC00  }
0xf2: {  	s15 =	rddreg [dreg:$0xd];
	s16 =	simm.s32 $0x80;
	s18 =	simm.s32 $0x400  }
0xf3: {  	[hbm4b:s15+s16] =	stream.strided.scatter [tilespmem:s25], [sflag:$0x4], $0x4E80, s18, s16, $0x38;
	[tilespmem:$0x1C880] =	vst v63  }
0xf4: {  	_ =	swait.ge [sflag:s24], $0x4E80  }
0xf5: {  	[sflag:s24] =	ssyncset.done $0x0  }
0xf6: {  	[sflag:s24] =	ssyncadd.s32 $0xFFFFB180  }
0xf7: {  	[bflag:$0x0] =	sbarrier.arrive $0xFFFF  }
0xf8: {  	s16 =	rddreg [dreg:$0xe]  }
0xf9: {  	s18 =	rddreg [dreg:$0x13]  }
0xfa: {  	[hbm:s16], [sflag:s13] =	dma.local [spmem:s18], $0xC80  }
0xfb: {  	_ =	swait.ge [sflag:s24], $0xC80  }
0xfc: {  	[sflag:s24] =	ssyncset.done $0x0;
	s19 =	rddreg [dreg:$0xf]  }
0xfd: {  	s20 =	rddreg [dreg:$0x14];
	[sflag:s24] =	ssyncadd.s32 $0xFFFFF380  }
0xfe: {  	[hbm:s19], [sflag:s13] =	dma.local [spmem:s20], $0xC80  }
0xff: {  	_ =	swait.ge [sflag:s24], $0xC80  }
0x100: {  	[sflag:s24] =	ssyncset.done $0x0;
	s21 =	rddreg [dreg:$0x10]  }
0x101: {  	s22 =	rddreg [dreg:$0x15];
	[sflag:s24] =	ssyncadd.s32 $0xFFFFF380  }
0x102: {  	[hbm:s21], [sflag:s13] =	dma.local [spmem:s22], $0xC80  }
0x103: {  	_ =	swait.ge [sflag:s24], $0xC80  }
0x104: {  	[sflag:s24] =	ssyncset.done $0x0;
	s15 =	rddreg [dreg:$0x11]  }
0x105: {  	s16 =	rddreg [dreg:$0x16];
	[sflag:s24] =	ssyncadd.s32 $0xFFFFF380  }
0x106: {  	[hbm:s15], [sflag:s13] =	dma.local @!p0 [spmem:s16], $0xC80  }
0x107: {  	s15 =	simm.s32 @!p0 $0x4  }
0x108: {  	_ =	swait.ge @!p0 [sflag:s15], $0xC80  }
0x109: {  	s14 =	sadd.s32 $0x1, s14;
	s23 =	rddreg [dreg:$0x12]  }
0x10a: {  	p1 =	sne.s32 s14, s23  }
.Ltmp2:
0x10b: {  	_ = 	snop;
	(pc) =	sbr.rel @p1 .LBB2_1-.Ltmp2, $3  }
0x10c: {  	_ =	sdelay $0x1  }
0x10d: {  	[sflag:s15] =	ssyncset.done @!p0 $0x0  }
0x10e: {  	[sflag:s15] =	ssyncadd.s32 @!p0 $0xFFFFF380  }
0x10f: {  	_ =	sfence.sel $0x180000  }
0x110: {  	[bflag:$0x0] =	sbarrier.arrive $0xFFFF  }
0x111: {  	_ =	strace $0x90000047  }
0x112: {  	s0 =	stileid.u32;
	[bflag:$0x2] =	sbarrier.arrive $0xFFFF  }
0x113: {  	p0 =	sne.s32 s0, $0x0;
	s0 =	rddreg [dreg:$0x7]  }
0x114: {  	s0 =	sadd.s32 @!p0 $0x100000, s0  }
0x115: {  	[sflag:s0] =	ssyncadd.tile.s32 @!p0 $0x1;
	_ =	shalt  }
.Lfunc_end2:
_tile_overlayer_lowered:
.L_overlay_start_2:
0x116: {  	(tag) =	ssettag $0x2  }
0x117: {  	s0 =	rddreg [dreg:$0x0];
	s2 =	stileid.u32  }
0x118: {  	s1 =	rddreg [dreg:$0x1];
	p0 =	sne.s32 s2, $0x0  }
0x119: {  	s3 =	rddreg [dreg:$0x2];
	[bflag:$0x3] =	sbarrier.arrive $0xFFFF;
	s2 =	simm.s32 @!p0 $0x1C04  }
0x11a: {  	[timem:s3], [sflag:s2] =	dma.local @!p0 [hbm:s0], s1  }
0x11b: {  	s0 =	simm.s32 @!p0 $0x4  }
0x11c: {  	_ =	swait.ge @!p0 [sflag:s0], s1  }
0x11d: {  	s1 =	ssub.s32 @!p0 $0x0, s1;
	[sflag:s0] =	ssyncset.done @!p0 $0x0  }
0x11e: {  	[sflag:s0] =	ssyncadd.s32 @!p0 s1  }
0x11f: {  	[bflag:$0x3] =	sbarrier.arrive $0xFFFF  }
0x120: {  	_ =	shalt  }

// kernel: kernel.15.cloned.1.call-start
scs
__scs_entry_jumppad:
0x0: {  	(pc) =	sbr.rel $0x88, $3  }
0x1: {  	(tag) =	ssettag $0x0;
	lr =	simm.s32 $0x1  }
0x2: {  	[smem:$0x3F99] =	sst lr;
	_ =	strace $0xD0000000  }
0x3: {  	_ = 	snop  }
0x4: {  	_ = 	snop  }
0x5: {  	_ = 	snop  }
0x6: {  	_ = 	snop  }
0x7: {  	_ = 	snop  }
__scs_overlays_trampoline_lowered:
0x8: {  	[smem:$0x3FA8] =	sst s0  }
0x9: {  	[smem:$0x3FA9] =	sst s1  }
0xa: {  	[smem:$0x3FAA] =	sst s2  }
0xb: {  	[smem:$0x3FAB] =	sst s3  }
0xc: {  	[smem:$0x3FAC] =	sst s4  }
0xd: {  	[smem:$0x3FAD] =	sst s5  }
0xe: {  	[smem:$0x3FAE] =	sst s6  }
0xf: {  	[smem:$0x3FAF] =	sst s7  }
0x10: {  	[smem:$0x3FB0] =	sst s8  }
0x11: {  	[smem:$0x3FB1] =	sst s9;
	s0 =	simm.s32 @!p0 $0x0  }
0x12: {  	s1 =	sld [smem:$0x3F97];
	s0 =	simm.s32 @p0 $0x1  }
0x13: {  	[smem:$0x3FB2] =	sst s0;
	s0 =	simm.s32 @!p1 $0x0  }
0x14: {  	s2 =	sld [smem:$0x3F96];
	s0 =	simm.s32 @p1 $0x1  }
0x15: {  	[smem:$0x3FB3] =	sst s0;
	s0 =	simm.s32 @!p2 $0x0  }
0x16: {  	s3 =	sld [smem:$0x3FDB];
	s0 =	simm.s32 @p2 $0x1  }
0x17: {  	s4 =	simm.s32 $0x1BF5;
	[smem:$0x3FB5] =	sst s0  }
0x18: {  	s0 =	sld [smem:$0x3F98];
	_ =	swait.ge [sflag:s4], $0x0  }
0x19: {  	s7 =	sld [smem:$0x3F99]  }
0x1a: {  	s8 =	sadd.s32 $0xFFFFE003, lr  }
0x1b: {  	s9 =	sadd.s32 $0xFFFFFEF7, lr;
	s5 =	simm.s32 $0xFFFFFFFF;
	p2 =	slt.u32 s8, $0xFFFFF086  }
0x1c: {  	p1 =	slt.u32 s9, $0xF7A;
	s5 =	simm.s32 @!p2 $0x0  }
0x1d: {  	s5 =	simm.s32 @p1 $0x1;
	p0 =	seq.s32 s7, s2  }
0x1e: {  	s7 =	smul.u32 @!p0 $0xF7A, s2;
	p2 =	seq.s32 @!p0 s5, $0x0  }
0x1f: {  	s9 =	smul.u32 $0xF7A, s1;
	s8 =	simm.s32 @!p0 $0x1BF5;
	p2 =	por !p2, p0  }
0x20: {  	[sflag:s8] =	ssyncset.s32 @!p0 $0xFFFFF086;
	s6 =	sadd.s32 @!p0 s3, s7;
	s7 =	simm.s32 @!p0 $0x108  }
0x21: {  	s3 =	sadd.s32 s3, s9;
	s6 =	sadd.s32 @!p0 $0x88, s6;
	s7 =	simm.s32 @p2 $0x1082  }
0x22: {  	[simem:s7], [sflag:s8] =	dma.local @!p0 [hbm:s6], $0xF7A  }
0x23: {  	s9 =	sor.u32 $0xD0000000, s2;
	s6 =	simm.s32 $0x108;
	_ =	swait.ge @!p0 [sflag:s8], $0x0  }
0x24: {  	s3 =	sadd.s32 $0x88, s3;
	s6 =	simm.s32 @!p1 $0x1082;
	[sflag:s4] =	ssyncset.s32 $0xFFFFF086  }
0x25: {  	[simem:s6], [sflag:s4] =	dma.local [hbm:s3], $0xF7A  }
0x26: {  	[smem:$0x3F99] =	sst s1;
	(tag) =	ssettag s2;
	_ =	strace s9  }
0x27: {  	s1 =	sld [smem:$0x3FA9]  }
0x28: {  	s2 =	sld [smem:$0x3FAA]  }
0x29: {  	s4 =	sld [smem:$0x3FAC]  }
0x2a: {  	p0 =	seq.s32 s5, $0x0;
	s5 =	sld [smem:$0x3FAD]  }
0x2b: {  	s6 =	sld [smem:$0x3FAE]  }
0x2c: {  	s7 =	sld [smem:$0x3FAF]  }
0x2d: {  	s3 =	simm.s32 $0x108;
	s8 =	sld [smem:$0x3FB0]  }
0x2e: {  	s3 =	simm.s32 @!p0 $0x1082;
	s9 =	sld [smem:$0x3FB1]  }
0x2f: {  	lr =	sadd.s32 s0, s3;
	s0 =	sld [smem:$0x3FA8]  }
0x30: {  	s3 =	sld [smem:$0x3FAB]  }
0x31: {  	[smem:$0x3FB4] =	sst s10  }
0x32: {  	s10 =	sld [smem:$0x3FB2];
	_ =	sdelay $0x3  }
0x33: {  	p0 =	seq.s32 s10, $0x1;
	s10 =	sld [smem:$0x3FB4];
	_ =	sdelay $0x3  }
0x34: {  	[smem:$0x3FB4] =	sst s10  }
0x35: {  	s10 =	sld [smem:$0x3FB3];
	_ =	sdelay $0x3  }
0x36: {  	p1 =	seq.s32 s10, $0x1;
	s10 =	sld [smem:$0x3FB4];
	_ =	sdelay $0x3  }
0x37: {  	[smem:$0x3FB4] =	sst s10  }
0x38: {  	s10 =	sld [smem:$0x3FB5]  }
0x39: {  	_ = 	snop;
	(pc) =	sbr.ind lr, $3  }
0x3a: {  	_ = 	snop  }
0x3b: {  	_ = 	snop  }
0x3c: {  	p2 =	seq.s32 s10, $0x1;
	s10 =	sld [smem:$0x3FB4]  }
0x3d: {  	_ =	shalt  }
0x3e: {  	_ =	shalt  }
0x3f: {  	_ =	shalt  }
0x40: {  	_ =	shalt  }
0x41: {  	_ =	shalt  }
0x42: {  	_ =	shalt  }
0x43: {  	_ =	shalt  }
0x44: {  	_ =	shalt  }
0x45: {  	_ =	shalt  }
0x46: {  	_ =	shalt  }
0x47: {  	_ =	shalt  }
0x48: {  	_ =	shalt  }
0x49: {  	_ =	shalt  }
0x4a: {  	_ =	shalt  }
0x4b: {  	_ =	shalt  }
0x4c: {  	_ =	shalt  }
0x4d: {  	_ =	shalt  }
0x4e: {  	_ =	shalt  }
0x4f: {  	_ =	shalt  }
0x50: {  	_ =	shalt  }
0x51: {  	_ =	shalt  }
0x52: {  	_ =	shalt  }
0x53: {  	_ =	shalt  }
0x54: {  	_ =	shalt  }
0x55: {  	_ =	shalt  }
0x56: {  	_ =	shalt  }
0x57: {  	_ =	shalt  }
0x58: {  	_ =	shalt  }
0x59: {  	_ =	shalt  }
0x5a: {  	_ =	shalt  }
0x5b: {  	_ =	shalt  }
0x5c: {  	_ =	shalt  }
0x5d: {  	_ =	shalt  }
0x5e: {  	_ =	shalt  }
0x5f: {  	_ =	shalt  }
0x60: {  	_ =	shalt  }
0x61: {  	_ =	shalt  }
0x62: {  	_ =	shalt  }
0x63: {  	_ =	shalt  }
0x64: {  	_ =	shalt  }
0x65: {  	_ =	shalt  }
0x66: {  	_ =	shalt  }
0x67: {  	_ =	shalt  }
0x68: {  	_ =	shalt  }
0x69: {  	_ =	shalt  }
0x6a: {  	_ =	shalt  }
0x6b: {  	_ =	shalt  }
0x6c: {  	_ =	shalt  }
0x6d: {  	_ =	shalt  }
0x6e: {  	_ =	shalt  }
0x6f: {  	_ =	shalt  }
0x70: {  	_ =	shalt  }
0x71: {  	_ =	shalt  }
0x72: {  	_ =	shalt  }
0x73: {  	_ =	shalt  }
0x74: {  	_ =	shalt  }
0x75: {  	_ =	shalt  }
0x76: {  	_ =	shalt  }
0x77: {  	_ =	shalt  }
0x78: {  	_ =	shalt  }
0x79: {  	_ =	shalt  }
0x7a: {  	_ =	shalt  }
0x7b: {  	_ =	shalt  }
0x7c: {  	_ =	shalt  }
0x7d: {  	_ =	shalt  }
0x7e: {  	_ =	shalt  }
0x7f: {  	_ =	shalt  }
0x80: {  	_ =	shalt  }
0x81: {  	_ =	shalt  }
0x82: {  	_ =	shalt  }
0x83: {  	_ =	shalt  }
0x84: {  	_ =	shalt  }
0x85: {  	_ =	shalt  }
0x86: {  	_ =	shalt  }
0x87: {  	_ =	shalt  }
.Lfunc_end0:
.L_simem_size_0:
called_computation.1_lowered:
.L_overlay_start_0:
0x88: {  	s2 =	sld [smem:$0x3FD9]  }
0x89: {  	s3 =	sld [smem:$0x3FFE];
	_ =	sdelay $0x1  }
0x8a: {  	s1 =	srdreg.scid  }
0x8b: {  	s0 =	sand.u32 $0x1, s1  }
0x8c: {  	s17 =	sshll.u32 s0, $0xA;
	s2 =	sadd.s32 s3, s2  }
0x8d: {  	s2 =	sadd.s32 s2, s17  }
0x8e: {  	[smem:$0x3FC0] =	sst s2  }
0x8f: {  	_ = 	snop  }
0x90: {  	s18 =	sld [smem:$0x3FC8];
	(tm) =	ssettm $0x1  }
0x91: {  	s19 =	sld [smem:$0x3FFB];
	_ =	sdelay $0x3  }
0x92: {  	_ =	strace s19  }
0x93: {  	s2 =	sld [smem:$0x3FFC];
	_ =	sdelay $0x3  }
0x94: {  	_ =	strace s2  }
0x95: {  	s2 =	sld [smem:$0x3FFD];
	_ =	sdelay $0x3  }
0x96: {  	_ =	strace s2  }
0x97: {  	_ =	strace $0x8FFFFFFF  }
0x98: {  	s20 =	sld [smem:$0x3FDB];
	_ =	sdelay $0x1  }
0x99: {  	s4 =	simm.s32 $_scs_section_size  }
0x9a: {  	s5 =	simm.s32 $_size__tile_overlayer_lowered;
	s6 =	simm.s32 $_tile_overlayer_lowered  }
0x9b: {  	s7 =	simm.s32 $0x1BFF;
	s21 =	sshll.u32 s6, $0x1;
	s4 =	sadd.s32 s4, s20  }
0x9c: {  	s22 =	simm.s32 $0x0;
	s5 =	sshll.u32 s5, $0x1;
	s6 =	sadd.s32 s21, s4  }
0x9d: {  	[timem:s22], [sflag:s7] =	dma.local [hbm:s6], s5  }
0x9e: {  	_ =	swait.ge [sflag:s7], s5  }
0x9f: {  	s5 =	ssub.s32 $0x0, s5;
	[sflag:s7] =	ssyncset.done $0x0  }
0xa0: {  	[sflag:s7] =	ssyncadd.s32 s5;
	_ =	sdelay $0x1  }
0xa1: {  	s23 =	simm.s32 $0x1B8B  }
0xa2: {  	_ =	swait.ge [sflag:s23], $0x1  }
0xa3: {  	[sflag:s23] =	ssyncset.done $0x0  }
0xa4: {  	[sflag:s23] =	ssyncadd.s32 $0xFFFFFFFF  }
0xa5: {  	s5 =	sld [smem:$0x0]  }
0xa6: {  	s6 =	sand.u32 $0xFFFFFFFE, s1  }
0xa7: {  	p0 =	sne.s32 s1, s6  }
0xa8: {  	s6 =	sshll.u32 @p0 s6, $0xE  }
0xa9: {  	s6 =	sadd.s32 @p0 $0x11B8D, s6;
	s7 =	sshll.u32 @p0 s5, $0x11  }
0xaa: {  	s6 =	sor.u32 @p0 s7, s6  }
0xab: {  	[sflag:s6] =	ssyncadd.remote.s32 @p0 $0x1;
	_ =	sdelay $0x1  }
0xac: {  	s6 =	simm.s32 @p0 $0x1B8D  }
0xad: {  	_ =	swait.eq @p0 [sflag:s6], $0x1  }
0xae: {  	[sflag:s6] =	ssyncadd.s32 @p0 $0xFFFFFFFF  }
0xaf: {  	s7 =	sshll.u32 @!p0 s1, $0xE  }
0xb0: {  	s7 =	sor.u32 @!p0 $0x4000, s7;
	s6 =	simm.s32 @!p0 $0x1B8D  }
0xb1: {  	s5 =	sshll.u32 @!p0 s5, $0x11;
	s7 =	sadd.s32 @!p0 $0x11B8D, s7;
	_ =	swait.eq @!p0 [sflag:s6], $0x1  }
0xb2: {  	s5 =	sor.u32 @!p0 s5, s7;
	[sflag:s6] =	ssyncadd.s32 @!p0 $0xFFFFFFFF  }
0xb3: {  	s25 =	simm.s32 $0x1B8E;
	s24 =	sld [smem:$0x3FFE];
	[sflag:s5] =	ssyncadd.remote.s32 @!p0 $0x1  }
0xb4: {  	s26 =	simm.s32 $execute0_lowered;
	[smem:$0x3FD2] =	sst s25  }
0xb5: {  	s6 =	sshll.u32 s26, $0x1;
	_ =	strace $0x80000049;
	[dreg:$0x1] =	wrdreg $0xFFFFFFFF  }
0xb6: {  	s28 =	simm.s32 $_size_execute0_lowered;
	s4 =	sadd.s32 s4, s6;
	[dreg:$0x0] =	wrdreg $0x0  }
0xb7: {  	s6 =	sshll.u32 s28, $0x1;
	[dreg:$0x2] =	wrdreg s4  }
0xb8: {  	[dreg:$0x3] =	wrdreg s6  }
0xb9: {  	[dreg:$0x4] =	wrdreg $0xC0  }
0xba: {  	_ =	task [dreg:s22], $0x5FFFF  }
0xbb: {  	[dreg:$0x1] =	wrdreg $0xFFFFFFFF  }
0xbc: {  	[dreg:$0x0] =	wrdreg $0x60  }
0xbd: {  	[dreg:$0x2] =	wrdreg s18  }
0xbe: {  	[dreg:$0x3] =	wrdreg s24  }
0xbf: {  	[dreg:$0x4] =	wrdreg $0x0  }
0xc0: {  	[dreg:$0x5] =	wrdreg $0x9  }
0xc1: {  	_ =	task.clear_ibuf [dreg:s22], $0x6FFFF;
	_ =	strace $0x90000049  }
0xc2: {  	s29 =	simm.s32 $0x9;
	_ =	strace $0x8000004B  }
0xc3: {  	_ =	swait.ge [sflag:s29], $0x1  }
0xc4: {  	[sflag:s29] =	ssyncadd.s32 $0xFFFFFFFF  }
0xc5: {  	_ =	strace $0x9000004B  }
0xc6: {  	_ =	sfence  }
0xc7: {  	s30 =	sld [smem:$0x0];
	_ =	sdelay $0x2  }
0xc8: {  	s31 =	sshll.u32 s1, $0xD;
	s1 =	sshrl.u32 s1, $0x2  }
0xc9: {  	s4 =	sand.u32 $0x4000, s31;
	s1 =	sadd.s32 s1, s30  }
0xca: {  	s0 =	sor.u32 s4, s0;
	s1 =	sshll.u32 s1, $0x11  }
0xcb: {  	s0 =	sor.u32 s1, s0  }
0xcc: {  	s0 =	sadd.s32 $0x8F2B, s0  }
0xcd: {  	[sflag:s0] =	ssyncadd.remote.s32 $0x1  }
0xce: {  	_ =	sfence.sel $0xFFFF  }
0xcf: {  	[dreg:$0x0] =	wrdreg $0xFFFFFFFF;
	(pc) =	sbr.abs _section_cstart, $3  }
0xd0: {  	[dreg:$0x1] =	wrdreg $0xFFFFFFFF  }
0xd1: {  	_ =	task.clear_ibuf [dreg:s22], $0x2FFFF;
	_ =	strace $0x9FFFFFFF  }
0xd2: {  	(tm) =	ssettm $0x7FFFFFFF  }
0xd3: {  	_ =	shalt  }
tec
execute0_lowered:
.L_overlay_start_1:
0x0: {  	(tag) =	ssettag $0x1  }
0x1: {  	s1 =	rddreg [dreg:$0x0]  }
0x2: {  	s0 =	rddreg [dreg:$0x1]  }
0x3: {  	s2 =	rddreg [dreg:$0x2];
	s3 =	simm.s32 $0x0;
	s23 =	stileid.u32  }
0x4: {  	s6 =	srdreg.scid;
	s28 =	simm.s32 $0x50;
	s9 =	smul.u32 $0x19000, s23  }
0x5: {  	s29 =	simm.s32 $0x1D640;
	s12 =	sor.u32 $0x10, s23;
	s31 =	smul.u32 $0xC8, s23  }
0x6: {  	s30 =	simm.s32 $0x1;
	s13 =	sor.u32 $0x20, s23;
	s11 =	smul.u32 $0x19000, s12  }
0x7: {  	[smem:$0x7FF] =	sst s3;
	s16 =	sor.u32 $0x30, s23;
	s15 =	smul.u32 $0x19000, s13  }
0x8: {  	s4 =	sadd.s32 $0x36000, s0;
	s18 =	sor.u32 $0x40, s23;
	s17 =	smul.u32 $0x19000, s16  }
0x9: {  	s5 =	sadd.s32 $0x2C200, s0;
	s7 =	sadd.s32 $0x49A00, s0;
	s19 =	smul.u32 $0x19000, s18  }
0xa: {  	s8 =	sadd.s32 $0x17000, s0;
	s0 =	sadd.s32 $0x5D400, s0;
	s12 =	smul.u32 $0xC8, s12  }
0xb: {  	s6 =	sand.u32 $0x1, s6;
	s26 =	sshll.u32 s23, $0x6;
	s13 =	smul.u32 $0xC8, s13  }
0xc: {  	p0 =	sgt.u32 s23, $0xA;
	s10 =	ssub.s32 $0x2, s6;
	s21 =	smul.u32 $0xC8, s16  }
0xd: {  	_ =	strace $0x8000004A;
	s22 =	smul.u32 $0xC8, s18;
	s14 =	sshrl.u32 s10, $0x1  }
0xe: {  	s16 =	smul.u32 $0x4E200, s6;
	s9 =	sshrl.u32 s9, $0x2;
	s14 =	ssub.s32 s10, s14  }
0xf: {  	s9 =	sadd.s32 s9, s2;
	s10 =	sor.u32 $0x1C02, s26;
	s20 =	sshrl.u32 s11, $0x2  }
0x10: {  	s15 =	sshrl.u32 s15, $0x2;
	[dreg:$0x4] =	wrdreg s9;
	s20 =	sadd.s32 s20, s2  }
0x11: {  	s17 =	sshrl.u32 s17, $0x2;
	s15 =	sadd.s32 s15, s2;
	[dreg:$0x5] =	wrdreg s20  }
0x12: {  	s19 =	sshrl.u32 s19, $0x2;
	s17 =	sadd.s32 s17, s2;
	[dreg:$0x6] =	wrdreg s15  }
0x13: {  	s9 =	smul.u32 $0x3A98, s6;
	[dreg:$0x7] =	wrdreg s17;
	s20 =	sadd.s32 s19, s2  }
0x14: {  	s11 =	smul.u32 $0x4E20, s23;
	s23 =	simm.s32 $0x2;
	[dreg:$0x8] =	wrdreg s20  }
0x15: {  	s15 =	sadd.s32 s31, s9;
	s12 =	sadd.s32 s9, s12;
	s26 =	sadd.s32 s9, s13  }
0x16: {  	s31 =	sadd.s32 s9, s21;
	s9 =	sadd.s32 s9, s22;
	s22 =	smax.u32 s14, $0x1  }
0x17: {  	s15 =	sshll.u32 s15, $0x4;
	s12 =	sshll.u32 s12, $0x4;
	s6 =	sshll.u32 s26, $0x4  }
0x18: {  	s9 =	sshll.u32 s9, $0x4;
	s26 =	simm.s32 $0x1D5C0;
	s24 =	sadd.s32 s0, s15  }
0x19: {  	s25 =	sadd.s32 s0, s12;
	s12 =	sshll.u32 s31, $0x4;
	[dreg:$0x9] =	wrdreg s24  }
0x1a: {  	s19 =	sadd.s32 s0, s6;
	s21 =	sadd.s32 s0, s9;
	[dreg:$0xa] =	wrdreg s25  }
0x1b: {  	s20 =	sadd.s32 s0, s12;
	s24 =	simm.s32 $0x1D4C0;
	s25 =	simm.s32 $0x1D540  }
.LBB2_1:
0x1c: {  	s0 =	rddreg [dreg:$0x4]  }
0x1d: {  	s31 =	sshrl.u32 s0, $0x3  }
0x1e: {  	[spmem:s31], [sflag:s10] =	dma.local [hbm:s8], $0xC80  }
0x1f: {  	_ =	swait.ge [sflag:s23], $0xC80  }
0x20: {  	[sflag:s23] =	ssyncset.done $0x0;
	s18 =	rddreg [dreg:$0x5]  }
0x21: {  	[sflag:s23] =	ssyncadd.s32 $0xFFFFF380;
	s0 =	sshrl.u32 s18, $0x3  }
0x22: {  	[spmem:s0], [sflag:s10] =	dma.local [hbm:s8], $0xC80  }
0x23: {  	_ =	swait.ge [sflag:s23], $0xC80  }
0x24: {  	[sflag:s23] =	ssyncset.done $0x0;
	s6 =	rddreg [dreg:$0x6]  }
0x25: {  	[sflag:s23] =	ssyncadd.s32 $0xFFFFF380;
	s6 =	sshrl.u32 s6, $0x3  }
0x26: {  	[spmem:s6], [sflag:s10] =	dma.local [hbm:s8], $0xC80  }
0x27: {  	_ =	swait.ge [sflag:s23], $0xC80  }
0x28: {  	[sflag:s23] =	ssyncset.done $0x0;
	s9 =	rddreg [dreg:$0x7]  }
0x29: {  	[sflag:s23] =	ssyncadd.s32 $0xFFFFF380;
	s9 =	sshrl.u32 s9, $0x3  }
0x2a: {  	[spmem:s9], [sflag:s10] =	dma.local [hbm:s8], $0xC80  }
0x2b: {  	_ =	swait.ge [sflag:s23], $0xC80  }
0x2c: {  	[sflag:s23] =	ssyncset.done $0x0;
	s12 =	rddreg [dreg:$0x8]  }
0x2d: {  	s13 =	simm.s32 @!p0 $0x2;
	[sflag:s23] =	ssyncadd.s32 $0xFFFFF380;
	s12 =	sshrl.u32 @!p0 s12, $0x3  }
0x2e: {  	[spmem:s12], [sflag:s10] =	dma.local @!p0 [hbm:s8], $0xC80  }
0x2f: {  	_ =	swait.ge @!p0 [sflag:s13], $0xC80  }
0x30: {  	[sflag:s13] =	ssyncset.done @!p0 $0x0  }
0x31: {  	[sflag:s13] =	ssyncadd.s32 @!p0 $0xFFFFF380  }
0x32: {  	s13 =	simm.s32 $0x0;
	[bflag:$0x0] =	sbarrier.arrive $0xFFFF  }
.LBB2_2:
0x33: {  	s14 =	smul.u32 $0x50, s13;
	_ =	sdelay $0x1  }
0x34: {  	s14 =	sadd.s32 s11, s14  }
0x35: {  	s15 =	sadd.s32 s16, s14  }
0x36: {  	s15 =	sshrl.u32 s15, $0x3  }
0x37: {  	s18 =	simm.s32 $0x0;
	s17 =	sadd.s32 s4, s15  }
0x38: {  	[tilespmem:s24], [sflag:$0x2] =	stream.linear.gather [hbm4b:s17+s18], $0x50, $0x38;
	[tilespmem:$0x1FE40] =	vst v63  }
0x39: {  	_ =	swait.ge [sflag:s23], $0x50  }
0x3a: {  	s14 =	sshrl.u32 s14, $0x3;
	[sflag:s23] =	ssyncset.done $0x0  }
0x3b: {  	s14 =	sadd.s32 s5, s14;
	[sflag:s23] =	ssyncadd.s32 $0xFFFFFFB0  }
0x3c: {  	[tilespmem:s25], [sflag:$0x2] =	stream.linear.gather [hbm4b:s14+s18], $0x50, $0x38;
	[tilespmem:$0x1FE40] =	vst v63  }
0x3d: {  	_ =	swait.ge [sflag:s23], $0x50  }
0x3e: {  	[sflag:s23] =	ssyncset.done $0x0  }
0x3f: {  	s17 =	sadd.s32 s7, s15;
	[sflag:s23] =	ssyncadd.s32 $0xFFFFFFB0  }
0x40: {  	[tilespmem:s26], [sflag:$0x2] =	stream.linear.gather [hbm4b:s17+s18], $0x50, $0x38;
	[tilespmem:$0x1FE40] =	vst v63  }
0x41: {  	_ =	swait.ge [sflag:s23], $0x50  }
0x42: {  	[sflag:s23] =	ssyncset.done $0x0  }
0x43: {  	[sflag:s23] =	ssyncadd.s32 $0xFFFFFFB0  }
0x44: {  	[tilespmem:s29], [sflag:$0x1] =	stream.indirect.gather [hbm4b:s1+s28], $0x80, s25, s28, $0xb8;
	[tilespmem:$0x1FE40] =	vst v63  }
0x45: {  	_ =	swait.ge [sflag:s30], $0x2800  }
0x46: {  	v0 =	vmov s18;
	[sflag:s30] =	ssyncset.done $0x0  }
0x47: {  	s14 =	simm.s32 $0x1D680;
	[sflag:s30] =	ssyncadd.s32 $0xFFFFD800  }
0x48: {  	v4 =	vld [tilespmem:s14+$0x30]  }
0x49: {  	v7 =	vld [tilespmem:s14+$0x10]  }
0x4a: {  	v5 =	vld [tilespmem:s14+$0xFFFFFFC0]  }
0x4b: {  	v1 =	vld.idx.msk [tilespmem:v0+s26+$0x0], $0xffff  }
0x4c: {  	v9 =	vld [tilespmem:s14+$0xFFFFFFE0]  }
0x4d: {  	v0 =	vld [tilespmem:s14+$0xFFFFFFF0]  }
0x4e: {  	v2 =	vld [tilespmem:s14+$0x20]  }
0x4f: {  	v3 =	vld [tilespmem:s14+$0xFFFFFFD0]  }
0x50: {  	v8 =	vmul.f32 v4, v1;
	v4 =	vld [tilespmem:s14+$0x0]  }
0x51: {  	v6 =	vmul.f32 v5, v1  }
0x52: {  	s15 =	simm.s32 $0x1;
	s17 =	simm.s32 $0x1D680;
	v5 =	vmul.f32 v9, v1;
	v7 =	vmul.f32 v7, v1  }
.LBB2_3:
0x53: {  	p1 =	sne.s32 s15, $0x4F  }
0x54: {  	v3 =	vmul.f32 v3, v1;
	v2 =	vmul.f32 v2, v1;
	[tilespmem:s14+$0x30] =	vst v8;
	s17 =	sadd.s32 $0x80, s17;
	s18 =	smov.u32 s15;
	s15 =	sadd.s32 $0x1, s15  }
0x55: {  	[tilespmem:s14+$0xFFFFFFC0] =	vst v6;
	v6 =	vmul.f32 v0, v1;
	v1 =	vmul.f32 v4, v1  }
0x56: {  	[tilespmem:s14+$0x10] =	vst v7  }
0x57: {  	v4 =	vmov s18;
	[tilespmem:s14+$0xFFFFFFE0] =	vst v5  }
0x58: {  	v0 =	vld [tilespmem:s17+$0xFFFFFFF0];
	[tilespmem:s14+$0xFFFFFFF0] =	vst v6  }
0x59: {  	v5 =	vld [tilespmem:s17+$0x30];
	[tilespmem:s14+$0x0] =	vst v1  }
0x5a: {  	v7 =	vld [tilespmem:s17+$0x10];
	[tilespmem:s14+$0x20] =	vst v2  }
0x5b: {  	v6 =	vld [tilespmem:s17+$0xFFFFFFC0];
	[tilespmem:s14+$0xFFFFFFD0] =	vst v3;
	s14 =	smov.u32 s17  }
0x5c: {  	v1 =	vld.idx.msk [tilespmem:v4+s26+$0x0], $0xffff  }
0x5d: {  	v9 =	vld [tilespmem:s17+$0xFFFFFFE0]  }
0x5e: {  	v2 =	vld [tilespmem:s17+$0x20]  }
.Ltmp0:
0x5f: {  	v3 =	vld [tilespmem:s17+$0xFFFFFFD0];
	(pc) =	sbr.rel @p1 .LBB2_3-.Ltmp0, $3  }
0x60: {  	v4 =	vld [tilespmem:s17+$0x0];
	_ =	sdelay $0x1  }
0x61: {  	v6 =	vmul.f32 v6, v1;
	v8 =	vmul.f32 v5, v1  }
0x62: {  	v7 =	vmul.f32 v7, v1;
	v5 =	vmul.f32 v9, v1  }
0x63: {  	[tilespmem:s14+$0x30] =	vst v8  }
0x64: {  	[tilespmem:s14+$0xFFFFFFC0] =	vst v6  }
0x65: {  	v0 =	vmul.f32 v0, v1;
	[tilespmem:s14+$0x10] =	vst v7  }
0x66: {  	v2 =	vmul.f32 v2, v1;
	[tilespmem:s14+$0xFFFFFFE0] =	vst v5  }
0x67: {  	v63 =	vmul.f32 v3, v1;
	[tilespmem:s14+$0xFFFFFFF0] =	vst v0  }
0x68: {  	s13 =	sadd.s32 $0x1, s13;
	v4 =	vmul.f32 v4, v1;
	[tilespmem:s14+$0x20] =	vst v2  }
0x69: {  	p1 =	sne.s32 s13, $0xFA;
	[tilespmem:s14+$0xFFFFFFD0] =	vst v63  }
.Ltmp1:
0x6a: {  	[tilespmem:s14+$0x0] =	vst v4;
	(pc) =	sbr.rel @p1 .LBB2_2-.Ltmp1, $4  }
0x6b: {  	[spmem:s2] =	stream.indirect.scatter.add.f32 [tilespmem:s29], [sflag:$0x2], $0x80, s24, s28, $0xb8;
	[tilespmem:$0x1FE40] =	vst v63  }
0x6c: {  	_ =	swait.ge [sflag:s23], $0x2800  }
0x6d: {  	[sflag:s23] =	ssyncset.done $0x0  }
0x6e: {  	[sflag:s23] =	ssyncadd.s32 $0xFFFFD800  }
0x6f: {  	[bflag:$0x0] =	sbarrier.arrive $0xFFFF  }
0x70: {  	s13 =	rddreg [dreg:$0x9]  }
0x71: {  	[hbm:s13], [sflag:s10] =	dma.local [spmem:s31], $0xC80  }
0x72: {  	_ =	swait.ge [sflag:s23], $0xC80  }
0x73: {  	[sflag:s23] =	ssyncset.done $0x0  }
0x74: {  	s31 =	rddreg [dreg:$0xa];
	[sflag:s23] =	ssyncadd.s32 $0xFFFFF380  }
0x75: {  	[hbm:s31], [sflag:s10] =	dma.local [spmem:s0], $0xC80  }
0x76: {  	_ =	swait.ge [sflag:s23], $0xC80  }
0x77: {  	[sflag:s23] =	ssyncset.done $0x0  }
0x78: {  	[sflag:s23] =	ssyncadd.s32 $0xFFFFF380  }
0x79: {  	[hbm:s19], [sflag:s10] =	dma.local [spmem:s6], $0xC80  }
0x7a: {  	_ =	swait.ge [sflag:s23], $0xC80  }
0x7b: {  	[sflag:s23] =	ssyncset.done $0x0  }
0x7c: {  	[sflag:s23] =	ssyncadd.s32 $0xFFFFF380  }
0x7d: {  	[hbm:s20], [sflag:s10] =	dma.local [spmem:s9], $0xC80  }
0x7e: {  	s3 =	sadd.s32 $0x1, s3;
	_ =	swait.ge [sflag:s23], $0xC80  }
0x7f: {  	p1 =	sne.s32 s3, s22;
	[sflag:s23] =	ssyncset.done $0x0  }
.Ltmp2:
0x80: {  	s0 =	simm.s32 @!p0 $0x2;
	[sflag:s23] =	ssyncadd.s32 $0xFFFFF380;
	(pc) =	sbr.rel @p1 .LBB2_1-.Ltmp2, $4  }
0x81: {  	[hbm:s21], [sflag:s10] =	dma.local @!p0 [spmem:s12], $0xC80  }
0x82: {  	_ =	swait.ge @!p0 [sflag:s0], $0xC80  }
0x83: {  	[sflag:s0] =	ssyncset.done @!p0 $0x0  }
0x84: {  	[sflag:s0] =	ssyncadd.s32 @!p0 $0xFFFFF380  }
0x85: {  	_ =	sfence.sel $0x180000  }
0x86: {  	[bflag:$0x0] =	sbarrier.arrive $0xFFFF  }
0x87: {  	_ =	strace $0x9000004A  }
0x88: {  	s0 =	stileid.u32;
	[bflag:$0x2] =	sbarrier.arrive $0xFFFF  }
0x89: {  	p0 =	sne.s32 s0, $0x0;
	s0 =	rddreg [dreg:$0x3]  }
0x8a: {  	s0 =	sadd.s32 @!p0 $0x100000, s0  }
0x8b: {  	[sflag:s0] =	ssyncadd.tile.s32 @!p0 $0x1;
	_ =	shalt  }
.Lfunc_end2:
_tile_overlayer_lowered:
.L_overlay_start_2:
0x8c: {  	(tag) =	ssettag $0x2  }
0x8d: {  	s0 =	rddreg [dreg:$0x0];
	s2 =	stileid.u32  }
0x8e: {  	s1 =	rddreg [dreg:$0x1];
	p0 =	sne.s32 s2, $0x0  }
0x8f: {  	s3 =	rddreg [dreg:$0x2];
	[bflag:$0x3] =	sbarrier.arrive $0xFFFF;
	s2 =	simm.s32 @!p0 $0x1C02  }
0x90: {  	[timem:s3], [sflag:s2] =	dma.local @!p0 [hbm:s0], s1  }
0x91: {  	s0 =	simm.s32 @!p0 $0x2  }
0x92: {  	_ =	swait.ge @!p0 [sflag:s0], s1  }
0x93: {  	s1 =	ssub.s32 @!p0 $0x0, s1;
	[sflag:s0] =	ssyncset.done @!p0 $0x0  }
0x94: {  	[sflag:s0] =	ssyncadd.s32 @!p0 s1  }
0x95: {  	[bflag:$0x3] =	sbarrier.arrive $0xFFFF  }
0x96: {  	_ =	shalt  }

// kernel: kernel.18.cloned.1.call-start
scs
__scs_entry_jumppad:
0x0: {  	(pc) =	sbr.rel $0x88, $3  }
0x1: {  	(tag) =	ssettag $0x0;
	lr =	simm.s32 $0x1  }
0x2: {  	[smem:$0x3F99] =	sst lr;
	_ =	strace $0xD0000000  }
0x3: {  	_ = 	snop  }
0x4: {  	_ = 	snop  }
0x5: {  	_ = 	snop  }
0x6: {  	_ = 	snop  }
0x7: {  	_ = 	snop  }
__scs_overlays_trampoline_lowered:
0x8: {  	[smem:$0x3FA8] =	sst s0  }
0x9: {  	[smem:$0x3FA9] =	sst s1  }
0xa: {  	[smem:$0x3FAA] =	sst s2  }
0xb: {  	[smem:$0x3FAB] =	sst s3  }
0xc: {  	[smem:$0x3FAC] =	sst s4  }
0xd: {  	[smem:$0x3FAD] =	sst s5  }
0xe: {  	[smem:$0x3FAE] =	sst s6  }
0xf: {  	[smem:$0x3FAF] =	sst s7  }
0x10: {  	[smem:$0x3FB0] =	sst s8  }
0x11: {  	[smem:$0x3FB1] =	sst s9;
	s0 =	simm.s32 @!p0 $0x0  }
0x12: {  	s1 =	sld [smem:$0x3F97];
	s0 =	simm.s32 @p0 $0x1  }
0x13: {  	[smem:$0x3FB2] =	sst s0;
	s0 =	simm.s32 @!p1 $0x0  }
0x14: {  	s2 =	sld [smem:$0x3F96];
	s0 =	simm.s32 @p1 $0x1  }
0x15: {  	[smem:$0x3FB3] =	sst s0;
	s0 =	simm.s32 @!p2 $0x0  }
0x16: {  	s3 =	sld [smem:$0x3FDB];
	s0 =	simm.s32 @p2 $0x1  }
0x17: {  	s4 =	simm.s32 $0x1BF5;
	[smem:$0x3FB5] =	sst s0  }
0x18: {  	s0 =	sld [smem:$0x3F98];
	_ =	swait.ge [sflag:s4], $0x0  }
0x19: {  	s7 =	sld [smem:$0x3F99]  }
0x1a: {  	s8 =	sadd.s32 $0xFFFFE003, lr  }
0x1b: {  	s9 =	sadd.s32 $0xFFFFFEF7, lr;
	s5 =	simm.s32 $0xFFFFFFFF;
	p2 =	slt.u32 s8, $0xFFFFF086  }
0x1c: {  	p1 =	slt.u32 s9, $0xF7A;
	s5 =	simm.s32 @!p2 $0x0  }
0x1d: {  	s5 =	simm.s32 @p1 $0x1;
	p0 =	seq.s32 s7, s2  }
0x1e: {  	s7 =	smul.u32 @!p0 $0xF7A, s2;
	p2 =	seq.s32 @!p0 s5, $0x0  }
0x1f: {  	s9 =	smul.u32 $0xF7A, s1;
	s8 =	simm.s32 @!p0 $0x1BF5;
	p2 =	por !p2, p0  }
0x20: {  	[sflag:s8] =	ssyncset.s32 @!p0 $0xFFFFF086;
	s6 =	sadd.s32 @!p0 s3, s7;
	s7 =	simm.s32 @!p0 $0x108  }
0x21: {  	s3 =	sadd.s32 s3, s9;
	s6 =	sadd.s32 @!p0 $0x88, s6;
	s7 =	simm.s32 @p2 $0x1082  }
0x22: {  	[simem:s7], [sflag:s8] =	dma.local @!p0 [hbm:s6], $0xF7A  }
0x23: {  	s9 =	sor.u32 $0xD0000000, s2;
	s6 =	simm.s32 $0x108;
	_ =	swait.ge @!p0 [sflag:s8], $0x0  }
0x24: {  	s3 =	sadd.s32 $0x88, s3;
	s6 =	simm.s32 @!p1 $0x1082;
	[sflag:s4] =	ssyncset.s32 $0xFFFFF086  }
0x25: {  	[simem:s6], [sflag:s4] =	dma.local [hbm:s3], $0xF7A  }
0x26: {  	[smem:$0x3F99] =	sst s1;
	(tag) =	ssettag s2;
	_ =	strace s9  }
0x27: {  	s1 =	sld [smem:$0x3FA9]  }
0x28: {  	s2 =	sld [smem:$0x3FAA]  }
0x29: {  	s4 =	sld [smem:$0x3FAC]  }
0x2a: {  	p0 =	seq.s32 s5, $0x0;
	s5 =	sld [smem:$0x3FAD]  }
0x2b: {  	s6 =	sld [smem:$0x3FAE]  }
0x2c: {  	s7 =	sld [smem:$0x3FAF]  }
0x2d: {  	s3 =	simm.s32 $0x108;
	s8 =	sld [smem:$0x3FB0]  }
0x2e: {  	s3 =	simm.s32 @!p0 $0x1082;
	s9 =	sld [smem:$0x3FB1]  }
0x2f: {  	lr =	sadd.s32 s0, s3;
	s0 =	sld [smem:$0x3FA8]  }
0x30: {  	s3 =	sld [smem:$0x3FAB]  }
0x31: {  	[smem:$0x3FB4] =	sst s10  }
0x32: {  	s10 =	sld [smem:$0x3FB2];
	_ =	sdelay $0x3  }
0x33: {  	p0 =	seq.s32 s10, $0x1;
	s10 =	sld [smem:$0x3FB4];
	_ =	sdelay $0x3  }
0x34: {  	[smem:$0x3FB4] =	sst s10  }
0x35: {  	s10 =	sld [smem:$0x3FB3];
	_ =	sdelay $0x3  }
0x36: {  	p1 =	seq.s32 s10, $0x1;
	s10 =	sld [smem:$0x3FB4];
	_ =	sdelay $0x3  }
0x37: {  	[smem:$0x3FB4] =	sst s10  }
0x38: {  	s10 =	sld [smem:$0x3FB5]  }
0x39: {  	_ = 	snop;
	(pc) =	sbr.ind lr, $3  }
0x3a: {  	_ = 	snop  }
0x3b: {  	_ = 	snop  }
0x3c: {  	p2 =	seq.s32 s10, $0x1;
	s10 =	sld [smem:$0x3FB4]  }
0x3d: {  	_ =	shalt  }
0x3e: {  	_ =	shalt  }
0x3f: {  	_ =	shalt  }
0x40: {  	_ =	shalt  }
0x41: {  	_ =	shalt  }
0x42: {  	_ =	shalt  }
0x43: {  	_ =	shalt  }
0x44: {  	_ =	shalt  }
0x45: {  	_ =	shalt  }
0x46: {  	_ =	shalt  }
0x47: {  	_ =	shalt  }
0x48: {  	_ =	shalt  }
0x49: {  	_ =	shalt  }
0x4a: {  	_ =	shalt  }
0x4b: {  	_ =	shalt  }
0x4c: {  	_ =	shalt  }
0x4d: {  	_ =	shalt  }
0x4e: {  	_ =	shalt  }
0x4f: {  	_ =	shalt  }
0x50: {  	_ =	shalt  }
0x51: {  	_ =	shalt  }
0x52: {  	_ =	shalt  }
0x53: {  	_ =	shalt  }
0x54: {  	_ =	shalt  }
0x55: {  	_ =	shalt  }
0x56: {  	_ =	shalt  }
0x57: {  	_ =	shalt  }
0x58: {  	_ =	shalt  }
0x59: {  	_ =	shalt  }
0x5a: {  	_ =	shalt  }
0x5b: {  	_ =	shalt  }
0x5c: {  	_ =	shalt  }
0x5d: {  	_ =	shalt  }
0x5e: {  	_ =	shalt  }
0x5f: {  	_ =	shalt  }
0x60: {  	_ =	shalt  }
0x61: {  	_ =	shalt  }
0x62: {  	_ =	shalt  }
0x63: {  	_ =	shalt  }
0x64: {  	_ =	shalt  }
0x65: {  	_ =	shalt  }
0x66: {  	_ =	shalt  }
0x67: {  	_ =	shalt  }
0x68: {  	_ =	shalt  }
0x69: {  	_ =	shalt  }
0x6a: {  	_ =	shalt  }
0x6b: {  	_ =	shalt  }
0x6c: {  	_ =	shalt  }
0x6d: {  	_ =	shalt  }
0x6e: {  	_ =	shalt  }
0x6f: {  	_ =	shalt  }
0x70: {  	_ =	shalt  }
0x71: {  	_ =	shalt  }
0x72: {  	_ =	shalt  }
0x73: {  	_ =	shalt  }
0x74: {  	_ =	shalt  }
0x75: {  	_ =	shalt  }
0x76: {  	_ =	shalt  }
0x77: {  	_ =	shalt  }
0x78: {  	_ =	shalt  }
0x79: {  	_ =	shalt  }
0x7a: {  	_ =	shalt  }
0x7b: {  	_ =	shalt  }
0x7c: {  	_ =	shalt  }
0x7d: {  	_ =	shalt  }
0x7e: {  	_ =	shalt  }
0x7f: {  	_ =	shalt  }
0x80: {  	_ =	shalt  }
0x81: {  	_ =	shalt  }
0x82: {  	_ =	shalt  }
0x83: {  	_ =	shalt  }
0x84: {  	_ =	shalt  }
0x85: {  	_ =	shalt  }
0x86: {  	_ =	shalt  }
0x87: {  	_ =	shalt  }
.Lfunc_end0:
.L_simem_size_0:
called_computation.2_lowered:
.L_overlay_start_0:
0x88: {  	s2 =	sld [smem:$0x3FD9]  }
0x89: {  	s3 =	sld [smem:$0x3FFE];
	_ =	sdelay $0x1  }
0x8a: {  	s1 =	srdreg.scid  }
0x8b: {  	s0 =	sand.u32 $0x1, s1  }
0x8c: {  	s15 =	sshll.u32 s0, $0xA;
	s2 =	sadd.s32 s3, s2  }
0x8d: {  	s2 =	sadd.s32 s2, s15  }
0x8e: {  	[smem:$0x3FC0] =	sst s2  }
0x8f: {  	_ = 	snop  }
0x90: {  	s4 =	sld [smem:$0x3FD0];
	_ =	sdelay $0x1  }
0x91: {  	s2 =	sld [smem:$0x3FC6]  }
0x92: {  	s5 =	simm.s32 $0xC;
	s6 =	simm.s32 $0x10;
	s16 =	sld [smem:$0x3FC2]  }
0x93: {  	[smem:s6], [sflag:s5] =	dma.local [hbm:s4], $0x1  }
0x94: {  	_ =	swait.eq [sflag:s5], $0x1  }
0x95: {  	[sflag:s5] =	ssyncset.done $0x0  }
0x96: {  	[sflag:s5] =	ssyncadd.s32 $0xFFFFFFFF  }
0x97: {  	s17 =	sld [smem:$0x11];
	(tm) =	ssettm $0x1  }
0x98: {  	s18 =	sld [smem:$0x3FFB];
	_ =	sdelay $0x3  }
0x99: {  	_ =	strace s18  }
0x9a: {  	s4 =	sld [smem:$0x3FFC];
	_ =	sdelay $0x3  }
0x9b: {  	_ =	strace s4  }
0x9c: {  	s4 =	sld [smem:$0x3FFD];
	_ =	sdelay $0x3  }
0x9d: {  	_ =	strace s4  }
0x9e: {  	_ =	strace $0x8FFFFFFF  }
0x9f: {  	s19 =	sld [smem:$0x3FDB];
	_ =	sdelay $0x1  }
0xa0: {  	s20 =	simm.s32 $_scs_section_size  }
0xa1: {  	s7 =	simm.s32 $_size__tile_overlayer_lowered;
	s8 =	simm.s32 $_tile_overlayer_lowered  }
0xa2: {  	s9 =	simm.s32 $0x1BFF;
	s21 =	sshll.u32 s8, $0x1;
	s6 =	sadd.s32 s20, s19  }
0xa3: {  	s22 =	simm.s32 $0x0;
	s7 =	sshll.u32 s7, $0x1;
	s8 =	sadd.s32 s21, s6  }
0xa4: {  	[timem:s22], [sflag:s9] =	dma.local [hbm:s8], s7  }
0xa5: {  	_ =	swait.ge [sflag:s9], s7  }
0xa6: {  	s7 =	ssub.s32 $0x0, s7;
	[sflag:s9] =	ssyncset.done $0x0  }
0xa7: {  	[sflag:s9] =	ssyncadd.s32 s7;
	_ =	sdelay $0x1  }
0xa8: {  	s23 =	simm.s32 $0x1B8B  }
0xa9: {  	_ =	swait.ge [sflag:s23], $0x1  }
0xaa: {  	[sflag:s23] =	ssyncset.done $0x0  }
0xab: {  	[sflag:s23] =	ssyncadd.s32 $0xFFFFFFFF  }
0xac: {  	s7 =	sld [smem:$0x0]  }
0xad: {  	s8 =	sand.u32 $0xFFFFFFFE, s1  }
0xae: {  	p0 =	sne.s32 s1, s8  }
0xaf: {  	s8 =	sshll.u32 @p0 s8, $0xE  }
0xb0: {  	s8 =	sadd.s32 @p0 $0x11B8D, s8;
	s9 =	sshll.u32 @p0 s7, $0x11  }
0xb1: {  	s8 =	sor.u32 @p0 s9, s8  }
0xb2: {  	[sflag:s8] =	ssyncadd.remote.s32 @p0 $0x1;
	_ =	sdelay $0x1  }
0xb3: {  	s8 =	simm.s32 @p0 $0x1B8D  }
0xb4: {  	_ =	swait.eq @p0 [sflag:s8], $0x1  }
0xb5: {  	[sflag:s8] =	ssyncadd.s32 @p0 $0xFFFFFFFF  }
0xb6: {  	s9 =	sshll.u32 @!p0 s1, $0xE  }
0xb7: {  	s9 =	sor.u32 @!p0 $0x4000, s9;
	s8 =	simm.s32 @!p0 $0x1B8D  }
0xb8: {  	s7 =	sshll.u32 @!p0 s7, $0x11;
	s9 =	sadd.s32 @!p0 $0x11B8D, s9;
	_ =	swait.eq @!p0 [sflag:s8], $0x1  }
0xb9: {  	s7 =	sor.u32 @!p0 s7, s9;
	[sflag:s8] =	ssyncadd.s32 @!p0 $0xFFFFFFFF  }
0xba: {  	s25 =	simm.s32 $0x1B8E;
	s24 =	sld [smem:$0x3FFE];
	[sflag:s7] =	ssyncadd.remote.s32 @!p0 $0x1  }
0xbb: {  	s26 =	simm.s32 $execute0_lowered;
	[smem:$0x3FD2] =	sst s25  }
0xbc: {  	s8 =	sshll.u32 s26, $0x1;
	_ =	strace $0x8000004C;
	[dreg:$0x1] =	wrdreg $0xFFFFFFFF  }
0xbd: {  	s28 =	simm.s32 $_size_execute0_lowered;
	s6 =	sadd.s32 s6, s8;
	[dreg:$0x0] =	wrdreg $0x0  }
0xbe: {  	s8 =	sshll.u32 s28, $0x1;
	[dreg:$0x2] =	wrdreg s6  }
0xbf: {  	[dreg:$0x3] =	wrdreg s8  }
0xc0: {  	[dreg:$0x4] =	wrdreg $0xC0  }
0xc1: {  	_ =	task [dreg:s22], $0x5FFFF  }
0xc2: {  	[dreg:$0x1] =	wrdreg $0xFFFFFFFF  }
0xc3: {  	[dreg:$0x0] =	wrdreg $0x60  }
0xc4: {  	[dreg:$0x2] =	wrdreg s17  }
0xc5: {  	[dreg:$0x3] =	wrdreg s24  }
0xc6: {  	[dreg:$0x4] =	wrdreg s16  }
0xc7: {  	[dreg:$0x5] =	wrdreg s2  }
0xc8: {  	[dreg:$0x6] =	wrdreg $0x0  }
0xc9: {  	[dreg:$0x7] =	wrdreg $0xA  }
0xca: {  	_ =	task.clear_ibuf [dreg:s22], $0x8FFFF;
	_ =	strace $0x9000004C  }
0xcb: {  	s29 =	simm.s32 $0xA;
	_ =	strace $0x8000004E  }
0xcc: {  	_ =	swait.ge [sflag:s29], $0x1  }
0xcd: {  	[sflag:s29] =	ssyncadd.s32 $0xFFFFFFFF  }
0xce: {  	_ =	strace $0x9000004E  }
0xcf: {  	_ =	sfence  }
0xd0: {  	s30 =	sld [smem:$0x0];
	_ =	sdelay $0x2  }
0xd1: {  	s31 =	sshll.u32 s1, $0xD;
	s1 =	sshrl.u32 s1, $0x2  }
0xd2: {  	s3 =	sand.u32 $0x4000, s31;
	s1 =	sadd.s32 s1, s30  }
0xd3: {  	s0 =	sor.u32 s3, s0;
	s1 =	sshll.u32 s1, $0x11  }
0xd4: {  	s0 =	sor.u32 s1, s0  }
0xd5: {  	s0 =	sadd.s32 $0x8F2B, s0  }
0xd6: {  	[sflag:s0] =	ssyncadd.remote.s32 $0x1  }
0xd7: {  	_ =	sfence.sel $0xFFFF  }
0xd8: {  	[dreg:$0x0] =	wrdreg $0xFFFFFFFF;
	(pc) =	sbr.abs _section_cstart, $3  }
0xd9: {  	[dreg:$0x1] =	wrdreg $0xFFFFFFFF  }
0xda: {  	_ =	task.clear_ibuf [dreg:s22], $0x2FFFF;
	_ =	strace $0x9FFFFFFF  }
0xdb: {  	(tm) =	ssettm $0x7FFFFFFF  }
tec
execute0_lowered:
.L_overlay_start_1:
0x0: {  	(tag) =	ssettag $0x1  }
0x1: {  	s1 =	rddreg [dreg:$0x0]  }
0x2: {  	s0 =	rddreg [dreg:$0x1]  }
0x3: {  	s3 =	rddreg [dreg:$0x3]  }
0x4: {  	s4 =	rddreg [dreg:$0x4];
	s5 =	simm.s32 $0x0;
	s2 =	srdreg.scid  }
0x5: {  	s20 =	stileid.u32;
	s28 =	simm.s32 $0x18B00;
	s29 =	simm.s32 $0x18B80  }
0x6: {  	s30 =	simm.s32 $0x18C00;
	s31 =	simm.s32 $0x1;
	[smem:$0x7FF] =	sst s5  }
0x7: {  	s2 =	sand.u32 $0x1, s2;
	s6 =	sshrl.u32 s20, $0x3;
	s7 =	sadd.s32 $0xD2800, s0  }
0x8: {  	s8 =	sadd.s32 $0xD200, s0;
	s9 =	sadd.s32 $0x3400, s0;
	s10 =	sadd.s32 $0x17000, s0  }
0x9: {  	s11 =	sshll.u32 s20, $0x7;
	s12 =	sadd.s32 $0x17E00, s0;
	s13 =	smul.u32 $0x19000, s20  }
0xa: {  	s26 =	sor.u32 $0x10, s20;
	s15 =	sor.u32 $0x20, s20;
	s22 =	smul.u32 $0x4E800, s2  }
0xb: {  	s17 =	sor.u32 $0x30, s20;
	s18 =	sshll.u32 s20, $0x1;
	s6 =	smul.u32 $0x27400, s6  }
0xc: {  	p0 =	sgt.u32 s20, $0x1;
	_ =	strace $0x8000004D;
	s14 =	smul.u32 $0x19000, s26  }
0xd: {  	[dreg:$0x6] =	wrdreg s12;
	s23 =	sand.u32 $0x380, s11;
	s16 =	smul.u32 $0x19000, s15  }
0xe: {  	s11 =	sadd.s32 $0x120C00, s0;
	s24 =	ssub.s32 $0x2, s2;
	s19 =	smul.u32 $0x138800, s2  }
0xf: {  	s2 =	sor.u32 s2, s18;
	s15 =	smul.u32 $0x6400, s15;
	s25 =	sshrl.u32 s24, $0x1  }
0x10: {  	s21 =	sshrl.u32 s13, $0x2;
	s5 =	sadd.s32 s22, s6;
	s22 =	sshll.u32 s20, $0x6  }
0x11: {  	s12 =	sadd.s32 s21, s4;
	s14 =	sshrl.u32 s14, $0x2;
	s16 =	sshrl.u32 s16, $0x2  }
0x12: {  	s6 =	smul.u32 $0x6400, s26;
	s5 =	sor.u32 s23, s5;
	[dreg:$0x7] =	wrdreg s12  }
0x13: {  	s13 =	sor.u32 $0x1C04, s22;
	s23 =	smul.u32 $0x19000, s17;
	s14 =	sadd.s32 s14, s4  }
0x14: {  	s22 =	sadd.s32 s19, s15;
	s5 =	sshrl.u32 s5, $0x3;
	[dreg:$0x8] =	wrdreg s14  }
0x15: {  	s21 =	sadd.s32 s19, s6;
	s0 =	sadd.s32 s5, s0;
	s5 =	ssub.s32 s24, s25  }
0x16: {  	s24 =	smul.u32 $0x6400, s20;
	s25 =	sadd.s32 s16, s4;
	s12 =	sshrl.u32 s23, $0x2  }
0x17: {  	s16 =	smul.u32 $0x6400, s17;
	[dreg:$0x9] =	wrdreg s25;
	s12 =	sadd.s32 s12, s4  }
0x18: {  	s17 =	smul.u32 $0x2710, s2;
	s0 =	sadd.s32 $0x18800, s0;
	[dreg:$0xa] =	wrdreg s12  }
0x19: {  	s2 =	sshrl.u32 s22, $0x3;
	s26 =	sadd.s32 s24, s19;
	[dreg:$0xb] =	wrdreg s0  }
0x1a: {  	s23 =	sadd.s32 s19, s16;
	s0 =	sshrl.u32 s21, $0x3;
	s24 =	sadd.s32 s11, s2  }
0x1b: {  	s2 =	simm.s32 $0x28;
	s12 =	simm.s32 $0x1B480;
	s14 =	sshrl.u32 s26, $0x3  }
0x1c: {  	s6 =	sshrl.u32 s23, $0x3;
	s0 =	sadd.s32 s11, s0;
	[dreg:$0xe] =	wrdreg s24  }
0x1d: {  	s26 =	smax.u32 s5, $0x1;
	s24 =	simm.s32 $0x4;
	s5 =	simm.s32 $0x3  }
0x1e: {  	v0 =	vlaneseq.u32;
	v8 =	vimm.s32 $0x1;
	vm1 =	vcmask $0x300;
	s18 =	sadd.s32 s11, s14;
	[dreg:$0xd] =	wrdreg s0;
	s25 =	sadd.s32 s11, s6  }
0x1f: {  	vm0 =	vmmov $0x1;
	v1 =	vor.u32 $0x10, v0;
	v2 =	vor.u32 $0x20, v0;
	[dreg:$0x10] =	wrdreg s26;
	s26 =	simm.s32 $0x18700;
	s0 =	simm.s32 $0x2  }
0x20: {  	v3 =	vor.u32 $0x30, v0;
	v4 =	vor.u32 $0x40, v0;
	v5 =	vor.u32 $0x50, v0;
	s6 =	simm.s32 $0x18C80;
	s11 =	simm.s32 $0x1A080;
	[dreg:$0xc] =	wrdreg s18  }
0x21: {  	v6 =	vor.u32 $0x60, v0;
	v7 =	vor.u32 $0x70, v0;
	v8 =	vsel vm1, $0x0, v8;
	s14 =	simm.s32 $0x0;
	[dreg:$0xf] =	wrdreg s25;
	s25 =	simm.s32 $0x13880  }
.LBB2_1:
0x22: {  	s15 =	rddreg [dreg:$0x7]  }
0x23: {  	s15 =	sshrl.u32 s15, $0x3  }
0x24: {  	[dreg:$0x11] =	wrdreg s15  }
0x25: {  	[spmem:s15], [sflag:s13] =	dma.local [hbm:s10], $0xC80  }
0x26: {  	_ =	swait.ge [sflag:s24], $0xC80  }
0x27: {  	s20 =	rddreg [dreg:$0x8]  }
0x28: {  	[sflag:s24] =	ssyncset.done $0x0;
	s15 =	sshrl.u32 s20, $0x3  }
0x29: {  	[sflag:s24] =	ssyncadd.s32 $0xFFFFF380;
	[dreg:$0x12] =	wrdreg s15  }
0x2a: {  	[spmem:s15], [sflag:s13] =	dma.local [hbm:s10], $0xC80  }
0x2b: {  	_ =	swait.ge [sflag:s24], $0xC80  }
0x2c: {  	s21 =	rddreg [dreg:$0x9]  }
0x2d: {  	[sflag:s24] =	ssyncset.done $0x0;
	s15 =	sshrl.u32 s21, $0x3  }
0x2e: {  	[sflag:s24] =	ssyncadd.s32 $0xFFFFF380;
	[dreg:$0x13] =	wrdreg s15  }
0x2f: {  	[spmem:s15], [sflag:s13] =	dma.local [hbm:s10], $0xC80  }
0x30: {  	_ =	swait.ge [sflag:s24], $0xC80  }
0x31: {  	s15 =	rddreg [dreg:$0xa]  }
0x32: {  	[sflag:s24] =	ssyncset.done $0x0;
	s15 =	sshrl.u32 @!p0 s15, $0x3  }
0x33: {  	[sflag:s24] =	ssyncadd.s32 $0xFFFFF380;
	[dreg:$0x14] =	wrdreg s15  }
0x34: {  	[spmem:s15], [sflag:s13] =	dma.local @!p0 [hbm:s10], $0xC80  }
0x35: {  	s15 =	simm.s32 @!p0 $0x4  }
0x36: {  	_ =	swait.ge @!p0 [sflag:s15], $0xC80  }
0x37: {  	[sflag:s15] =	ssyncset.done @!p0 $0x0  }
0x38: {  	s16 =	simm.s32 $0x0;
	s22 =	rddreg [dreg:$0x6];
	[sflag:s15] =	ssyncadd.s32 @!p0 $0xFFFFF380  }
0x39: {  	[tilespmem:s25], [sflag:$0x4] =	stream.linear.gather [hbm4b:s22+s16], $0x4E80, $0x38;
	[tilespmem:$0x1C880] =	vst v63  }
0x3a: {  	_ =	swait.ge [sflag:s24], $0x4E80  }
0x3b: {  	[sflag:s24] =	ssyncset.done $0x0  }
0x3c: {  	[sflag:s24] =	ssyncadd.s32 $0xFFFFB180  }
0x3d: {  	s23 =	rddreg [dreg:$0x2]  }
0x3e: {  	[tilespmem:s26], [sflag:$0x4] =	stream.linear.gather [hbm4b:s23+s16], $0x400, $0x38;
	[tilespmem:$0x1C880] =	vst v63  }
0x3f: {  	_ =	swait.ge [sflag:s24], $0x400  }
0x40: {  	[sflag:s24] =	ssyncset.done $0x0  }
0x41: {  	[sflag:s24] =	ssyncadd.s32 $0xFFFFFC00  }
0x42: {  	s20 =	simm.s32 $0x0;
	[bflag:$0x0] =	sbarrier.arrive $0xFFFF  }
.LBB2_2:
0x43: {  	s15 =	smul.u32 $0x28, s20;
	_ =	sdelay $0x1  }
0x44: {  	s15 =	sadd.s32 s17, s15  }
0x45: {  	s15 =	sshrl.u32 s15, $0x3  }
0x46: {  	s21 =	simm.s32 $0x0;
	s16 =	sadd.s32 s8, s15  }
0x47: {  	[tilespmem:s28], [sflag:$0x1] =	stream.linear.gather [hbm4b:s16+s21], $0x28, $0x38;
	[tilespmem:$0x1C880] =	vst v63  }
0x48: {  	s23 =	sadd.s32 s9, s15  }
0x49: {  	[tilespmem:s29], [sflag:$0x2] =	stream.linear.gather [hbm4b:s23+s21], $0x28, $0x38;
	[tilespmem:$0x1C880] =	vst v63  }
0x4a: {  	s15 =	sadd.s32 s3, s15  }
0x4b: {  	[tilespmem:s30], [sflag:$0x3] =	stream.linear.gather [hbm4b:s15+s21], $0x28, $0x38;
	[tilespmem:$0x1C880] =	vst v63  }
0x4c: {  	_ =	swait.ge [sflag:s31], $0x28  }
0x4d: {  	[sflag:s31] =	ssyncset.done $0x0  }
0x4e: {  	[sflag:s31] =	ssyncadd.s32 $0xFFFFFFD8  }
0x4f: {  	_ =	swait.ge [sflag:s0], $0x28  }
0x50: {  	[sflag:s0] =	ssyncset.done $0x0  }
0x51: {  	[sflag:s0] =	ssyncadd.s32 $0xFFFFFFD8  }
0x52: {  	_ =	swait.ge [sflag:s5], $0x28  }
0x53: {  	[sflag:s5] =	ssyncset.done $0x0  }
0x54: {  	[sflag:s5] =	ssyncadd.s32 $0xFFFFFFD8  }
0x55: {  	[tilespmem:s6], [sflag:$0x1] =	stream.indirect.gather [hbm4b:s1+s2], $0x80, s28, s2, $0xb8;
	[tilespmem:$0x1C880] =	vst v63  }
0x56: {  	_ = 	snop  }
0x57: {  	[tilespmem:s11], [sflag:$0x2] =	stream.indirect.gather [hbm4b:s1+s2], $0x80, s29, s2, $0xb8;
	[tilespmem:$0x1C880] =	vst v63  }
0x58: {  	_ = 	snop  }
0x59: {  	[tilespmem:s12], [sflag:$0x3] =	stream.indirect.gather [hbm4b:s7+s2], $0x80, s29, s2, $0xb8;
	[tilespmem:$0x1C880] =	vst v63  }
0x5a: {  	_ =	swait.ge [sflag:s31], $0x1400  }
0x5b: {  	[sflag:s31] =	ssyncset.done $0x0  }
0x5c: {  	[sflag:s31] =	ssyncadd.s32 $0xFFFFEC00  }
0x5d: {  	_ =	swait.ge [sflag:s0], $0x1400  }
0x5e: {  	v9 =	vmov s21;
	[sflag:s0] =	ssyncset.done $0x0  }
0x5f: {  	[sflag:s0] =	ssyncadd.s32 $0xFFFFEC00  }
0x60: {  	_ =	swait.ge [sflag:s5], $0x1400  }
0x61: {  	[sflag:s5] =	ssyncset.done $0x0  }
0x62: {  	[sflag:s5] =	ssyncadd.s32 $0xFFFFEC00  }
0x63: {  	s21 =	simm.s32 $0x18CC0;
	v10 =	vld.idx.msk [tilespmem:v9+s30+$0x0], $0xffff  }
0x64: {  	v18 =	vld [tilespmem:s21+$0x20]  }
0x65: {  	s22 =	simm.s32 $0x1A0C0;
	v19 =	vld [tilespmem:s21+$0x0]  }
0x66: {  	v20 =	vld [tilespmem:s22+$0x20]  }
0x67: {  	v21 =	vld [tilespmem:s22+$0xFFFFFFE0]  }
0x68: {  	v17 =	vld [tilespmem:s22+$0x0]  }
0x69: {  	v22 =	vld [tilespmem:s21+$0xFFFFFFE0]  }
0x6a: {  	v23 =	vld [tilespmem:s22+$0x10]  }
0x6b: {  	v24 =	vld [tilespmem:s21+$0xFFFFFFC0];
	v11 =	vshll.u32 v10, $0x7  }
0x6c: {  	v25 =	vld [tilespmem:s21+$0xFFFFFFD0];
	v12 =	vor.u32 v0, v11  }
0x6d: {  	v26 =	vld [tilespmem:s22+$0xFFFFFFC0]  }
0x6e: {  	v28 =	vld [tilespmem:s22+$0xFFFFFFD0];
	v10 =	vor.u32 v1, v11  }
0x6f: {  	v54 =	vld [tilespmem:s21+$0x10];
	v27 =	vor.u32 v4, v11  }
0x70: {  	v55 =	vld [tilespmem:s22+$0xFFFFFFF0];
	v14 =	vor.u32 v2, v11  }
0x71: {  	v16 =	vor.u32 v5, v11;
	v15 =	vld.idx.msk [tilespmem:v12+s26+$0x0], $0xffff  }
0x72: {  	v56 =	vld [tilespmem:s22+$0x30];
	v12 =	vor.u32 v3, v11  }
0x73: {  	v29 =	vor.u32 v6, v11;
	v13 =	vld.idx.msk [tilespmem:v10+s26+$0x0], $0xffff  }
0x74: {  	v30 =	vor.u32 v7, v11;
	v11 =	vld.idx.msk [tilespmem:v27+s26+$0x0], $0xffff  }
0x75: {  	v14 =	vld.idx.msk [tilespmem:v14+s26+$0x0], $0xffff  }
0x76: {  	v10 =	vld.idx.msk [tilespmem:v16+s26+$0x0], $0xffff;
	v26 =	vmul.f32 v15, v26  }
0x77: {  	v12 =	vld.idx.msk [tilespmem:v12+s26+$0x0], $0xffff  }
0x78: {  	v16 =	vld.idx.msk [tilespmem:v29+s26+$0x0], $0xffff;
	v28 =	vmul.f32 v13, v28;
	v24 =	vmul.f32 v26, v24  }
0x79: {  	v57 =	vld [tilespmem:s21+$0xFFFFFFF0];
	v31 =	vmul.f32 v11, v17  }
0x7a: {  	v17 =	vld.idx.msk [tilespmem:v30+s26+$0x0], $0xffff;
	v21 =	vmul.f32 v14, v21;
	v25 =	vmul.f32 v28, v25;
	v24 =	vadd.f32 $0.0e+00, v24  }
0x7b: {  	v23 =	vmul.f32 v10, v23;
	v19 =	vmul.f32 v31, v19  }
0x7c: {  	v58 =	vld [tilespmem:s21+$0x30];
	v21 =	vmul.f32 v21, v22;
	v60 =	vmul.f32 v12, v55;
	v59 =	vadd.f32 v25, v24  }
0x7d: {  	v20 =	vmul.f32 v16, v20;
	v23 =	vmul.f32 v23, v54;
	v19 =	vadd.f32 $0.0e+00, v19  }
0x7e: {  	v62 =	vmul.f32 v60, v57;
	v21 =	vadd.f32 v21, v59  }
0x7f: {  	v18 =	vmul.f32 v20, v18;
	v61 =	vmul.f32 v17, v56;
	v19 =	vadd.f32 v23, v19  }
0x80: {  	v63 =	vadd.f32 v62, v21  }
0x81: {  	v18 =	vadd.f32 v18, v19;
	v19 =	vmul.f32 v61, v58  }
0x82: {  	(xrf2) =	vadd.scan.msk.f32 $0xffff, v63  }
0x83: {  	v18 =	vadd.f32 v19, v18;
	_ =	sdelay $0x1  }
0x84: {  	(xrf2) =	vadd.scan.msk.f32 $0xffff, v18;
	_ =	sdelay $0x6  }
0x85: {  	v18, _, _ =	vpop (xrf2)  }
0x86: {  	(v2sf) =	vpush v18, $0xF;
	_ =	sdelay $0x1  }
0x87: {  	v18, _, _ =	vpop (xrf2)  }
0x88: {  	s16 =	simm.s32 $0x1;
	s23 =	simm.s32 $0x1B4C0;
	s15 =	simm.s32 $0x1B4C0;
	(v2sf) =	vpush v18, $0xF  }
.LBB2_3:
0x89: {  	_ =	sdelay $0x6  }
0x8a: {  	s22 =	sadd.s32 $0x80, s22;
	s15 =	sadd.s32 $0x80, s15;
	s21 =	sadd.s32 $0x80, s21  }
0x8b: {  	p1 =	sne.s32 s16, $0x27;
	s18 =	smov.u32 s16;
	s16 =	sadd.s32 $0x1, s16  }
0x8c: {  	_ =	sdelay $0x1  }
0x8d: {  	s19 =	spop (v2sf)  }
0x8e: {  	s19 =	smul.f32 $1.250000000e-01, s19;
	_ =	sdelay $0x1  }
0x8f: {  	v18 =	vmov s18;
	v19 =	vmov s19;
	s18 =	spop (v2sf)  }
0x90: {  	s18 =	smul.f32 $1.250000000e-01, s18;
	v19 =	vmul.f32 $1.442695020e+00, v19;
	_ =	sdelay $0x1  }
0x91: {  	v19 =	vbroadcast v19, $0x0;
	v20 =	vmov s18  }
0x92: {  	v20 =	vmul.f32 $1.442695020e+00, v20  }
0x93: {  	v21 =	vld [tilespmem:s23+$0xFFFFFFC0]  }
0x94: {  	v22 =	vld [tilespmem:s23+$0xFFFFFFD0];
	v20 =	vbroadcast v20, $0x0  }
0x95: {  	v23 =	vld.idx.msk [tilespmem:v9+s28+$0x0], $0xffff;
	(erf) = vpow2.f32 v19;
	v9 =	vmov v18  }
0x96: {  	v18 =	vld [tilespmem:s23+$0x0];
	(erf) = vpow2.f32 v20  }
0x97: {  	v19 =	vld [tilespmem:s23+$0xFFFFFFE0]  }
0x98: {  	v20 =	vld [tilespmem:s23+$0x30]  }
0x99: {  	v24 =	vld [tilespmem:s23+$0x10]  }
0x9a: {  	v25 =	vld [tilespmem:s23+$0x20]  }
0x9b: {  	v23 =	vshll.u32 v23, $0x1  }
0x9c: {  	v13 =	vmul.f32 v13, v22;
	v14 =	vmul.f32 v14, v19;
	v19 =	vor.u32 v8, v23  }
0x9d: {  	v15 =	vmul.f32 v15, v21;
	v21 =	vld [tilespmem:s23+$0xFFFFFFF0];
	v17 =	vmul.f32 v17, v20  }
0x9e: {  	v11 =	vmul.f32 v11, v18;
	v10 =	vmul.f32 v10, v24;
	v18 =	vpop (erf)  }
0x9f: {  	v16 =	vmul.f32 v16, v25;
	v15 =	vmul.f32 v18, v15;
	v20 =	vpop (erf)  }
0xa0: {  	v22 =	vsel vm0, v18, v20;
	v11 =	vmul.f32 v20, v11;
	v10 =	vmul.f32 v20, v10  }
0xa1: {  	v17 =	vmul.f32 v20, v17;
	[tilespmem:v19+s25+$0x0] =	vst.idx.add.f32.msk $0x3, v22;
	v16 =	vmul.f32 v20, v16  }
0xa2: {  	v13 =	vmul.f32 v18, v13;
	v12 =	vmul.f32 v12, v21;
	[tilespmem:s23+$0xFFFFFFC0] =	vst v15  }
0xa3: {  	v14 =	vmul.f32 v18, v14;
	[tilespmem:s23+$0x20] =	vst v16  }
0xa4: {  	[tilespmem:s23+$0xFFFFFFD0] =	vst v13;
	v12 =	vmul.f32 v18, v12  }
0xa5: {  	[tilespmem:s23+$0xFFFFFFE0] =	vst v14  }
0xa6: {  	[tilespmem:s23+$0xFFFFFFF0] =	vst v12  }
0xa7: {  	[tilespmem:s23+$0x30] =	vst v17  }
0xa8: {  	[tilespmem:s23+$0x0] =	vst v11  }
0xa9: {  	[tilespmem:s23+$0x10] =	vst v10;
	s23 =	smov.u32 s15  }
0xaa: {  	v10 =	vld.idx.msk [tilespmem:v9+s30+$0x0], $0xffff  }
0xab: {  	v18 =	vld [tilespmem:s21+$0x20]  }
0xac: {  	v19 =	vld [tilespmem:s21+$0x0]  }
0xad: {  	v20 =	vld [tilespmem:s22+$0x20]  }
0xae: {  	v17 =	vld [tilespmem:s22+$0xFFFFFFE0]  }
0xaf: {  	v21 =	vld [tilespmem:s22+$0x0]  }
0xb0: {  	v10 =	vshll.u32 v10, $0x7;
	v22 =	vld [tilespmem:s21+$0xFFFFFFE0]  }
0xb1: {  	v11 =	vor.u32 v0, v10;
	v12 =	vor.u32 v1, v10;
	v14 =	vor.u32 v2, v10;
	v23 =	vld [tilespmem:s22+$0x10]  }
0xb2: {  	v25 =	vor.u32 v3, v10;
	v16 =	vor.u32 v5, v10;
	v26 =	vor.u32 v7, v10;
	v24 =	vld [tilespmem:s21+$0xFFFFFFC0]  }
0xb3: {  	v27 =	vld [tilespmem:s21+$0xFFFFFFD0]  }
0xb4: {  	v29 =	vor.u32 v4, v10;
	v28 =	vld [tilespmem:s22+$0xFFFFFFC0]  }
0xb5: {  	v30 =	vld [tilespmem:s22+$0xFFFFFFD0]  }
0xb6: {  	v13 =	vld.idx.msk [tilespmem:v12+s26+$0x0], $0xffff;
	v12 =	vor.u32 v6, v10  }
0xb7: {  	v15 =	vld.idx.msk [tilespmem:v11+s26+$0x0], $0xffff  }
0xb8: {  	v14 =	vld.idx.msk [tilespmem:v14+s26+$0x0], $0xffff  }
0xb9: {  	v10 =	vld.idx.msk [tilespmem:v16+s26+$0x0], $0xffff  }
0xba: {  	v11 =	vld.idx.msk [tilespmem:v29+s26+$0x0], $0xffff  }
0xbb: {  	v16 =	vld.idx.msk [tilespmem:v12+s26+$0x0], $0xffff  }
0xbc: {  	v29 =	vmul.f32 v13, v30;
	v30 =	vld [tilespmem:s21+$0x10]  }
0xbd: {  	v28 =	vmul.f32 v15, v28;
	v12 =	vld.idx.msk [tilespmem:v25+s26+$0x0], $0xffff  }
0xbe: {  	v25 =	vmul.f32 v29, v27;
	v17 =	vmul.f32 v14, v17;
	v27 =	vld [tilespmem:s22+$0xFFFFFFF0]  }
0xbf: {  	v24 =	vmul.f32 v28, v24;
	v23 =	vmul.f32 v10, v23;
	v28 =	vld [tilespmem:s21+$0xFFFFFFF0]  }
0xc0: {  	v22 =	vmul.f32 v17, v22;
	v21 =	vmul.f32 v11, v21;
	v17 =	vld.idx.msk [tilespmem:v26+s26+$0x0], $0xffff  }
0xc1: {  	v24 =	vadd.f32 $0.0e+00, v24;
	v20 =	vmul.f32 v16, v20;
	v23 =	vmul.f32 v23, v30;
	v26 =	vld [tilespmem:s22+$0x30]  }
0xc2: {  	v19 =	vmul.f32 v21, v19  }
0xc3: {  	v21 =	vadd.f32 v25, v24;
	v18 =	vmul.f32 v20, v18;
	v24 =	vmul.f32 v12, v27;
	v20 =	vld [tilespmem:s21+$0x30]  }
0xc4: {  	v19 =	vadd.f32 $0.0e+00, v19  }
0xc5: {  	v21 =	vadd.f32 v22, v21;
	v22 =	vmul.f32 v24, v28  }
0xc6: {  	v19 =	vadd.f32 v23, v19;
	v23 =	vmul.f32 v17, v26  }
0xc7: {  	v21 =	vadd.f32 v22, v21  }
0xc8: {  	v18 =	vadd.f32 v18, v19;
	v19 =	vmul.f32 v23, v20  }
0xc9: {  	(xrf2) =	vadd.scan.msk.f32 $0xffff, v21  }
0xca: {  	v18 =	vadd.f32 v19, v18;
	_ =	sdelay $0x1  }
0xcb: {  	(xrf2) =	vadd.scan.msk.f32 $0xffff, v18;
	_ =	sdelay $0x6  }
.Ltmp0:
0xcc: {  	v18, _, _ =	vpop (xrf2);
	(pc) =	sbr.rel @p1 .LBB2_3-.Ltmp0, $3  }
0xcd: {  	(v2sf) =	vpush v18, $0xF;
	_ =	sdelay $0x1  }
0xce: {  	v18, _, _ =	vpop (xrf2)  }
0xcf: {  	(v2sf) =	vpush v18, $0xF  }
0xd0: {  	_ =	sdelay $0xc  }
0xd1: {  	s15 =	spop (v2sf)  }
0xd2: {  	s15 =	smul.f32 $1.250000000e-01, s15;
	s16 =	spop (v2sf)  }
0xd3: {  	s16 =	smul.f32 $1.250000000e-01, s16  }
0xd4: {  	v18 =	vmov s15  }
0xd5: {  	v18 =	vmul.f32 $1.442695020e+00, v18;
	v19 =	vmov s16  }
0xd6: {  	v19 =	vmul.f32 $1.442695020e+00, v19  }
0xd7: {  	v18 =	vbroadcast v18, $0x0  }
0xd8: {  	v19 =	vbroadcast v19, $0x0  }
0xd9: {  	(erf) = vpow2.f32 v18  }
0xda: {  	v9 =	vld.idx.msk [tilespmem:v9+s28+$0x0], $0xffff;
	(erf) = vpow2.f32 v19;
	_ =	sdelay $0x2  }
0xdb: {  	v57 =	vld [tilespmem:s23+$0xFFFFFFC0]  }
0xdc: {  	v20 =	vld [tilespmem:s23+$0xFFFFFFD0]  }
0xdd: {  	v21 =	vld [tilespmem:s23+$0xFFFFFFE0];
	v9 =	vshll.u32 v9, $0x1  }
0xde: {  	v58 =	vld [tilespmem:s23+$0x20];
	v9 =	vor.u32 v8, v9  }
0xdf: {  	v23 =	vld [tilespmem:s23+$0x30]  }
0xe0: {  	v25 =	vld [tilespmem:s23+$0x10];
	v15 =	vmul.f32 v15, v57;
	v59 =	vpop (erf)  }
0xe1: {  	v22 =	vld [tilespmem:s23+$0xFFFFFFF0];
	v13 =	vmul.f32 v13, v20;
	v60 =	vpop (erf)  }
0xe2: {  	v24 =	vld [tilespmem:s23+$0x0];
	v14 =	vmul.f32 v14, v21;
	v15 =	vmul.f32 v59, v15;
	v61 =	vsel vm0, v59, v60  }
0xe3: {  	v16 =	vmul.f32 v16, v58;
	v13 =	vmul.f32 v59, v13;
	[tilespmem:v9+s25+$0x0] =	vst.idx.add.f32.msk $0x3, v61  }
0xe4: {  	v62 =	vmul.f32 v17, v23;
	v14 =	vmul.f32 v59, v14;
	[tilespmem:s23+$0xFFFFFFC0] =	vst v15  }
0xe5: {  	v10 =	vmul.f32 v10, v25;
	v9 =	vmul.f32 v60, v16;
	[tilespmem:s23+$0xFFFFFFD0] =	vst v13  }
0xe6: {  	v12 =	vmul.f32 v12, v22;
	v63 =	vmul.f32 v60, v62;
	[tilespmem:s23+$0xFFFFFFE0] =	vst v14  }
0xe7: {  	v10 =	vmul.f32 v60, v10;
	[tilespmem:s23+$0x20] =	vst v9;
	v9 =	vmul.f32 v11, v24  }
0xe8: {  	[tilespmem:s23+$0x30] =	vst v63;
	v11 =	vmul.f32 v59, v12  }
0xe9: {  	s20 =	sadd.s32 $0x1, s20;
	[tilespmem:s23+$0x10] =	vst v10;
	v9 =	vmul.f32 v60, v9  }
0xea: {  	p1 =	sne.s32 s20, $0xFA;
	[tilespmem:s23+$0xFFFFFFF0] =	vst v11  }
.Ltmp1:
0xeb: {  	[tilespmem:s23+$0x0] =	vst v9;
	(pc) =	sbr.rel @p1 .LBB2_2-.Ltmp1, $4  }
0xec: {  	[spmem:s4] =	stream.indirect.scatter.add.f32 [tilespmem:s12], [sflag:$0x4], $0x80, s28, s2, $0xb8;
	[tilespmem:$0x1C880] =	vst v63  }
0xed: {  	_ =	swait.ge [sflag:s24], $0x1400  }
0xee: {  	[sflag:s24] =	ssyncset.done $0x0  }
0xef: {  	[sflag:s24] =	ssyncadd.s32 $0xFFFFEC00  }
0xf0: {  	s15 =	rddreg [dreg:$0xb];
	s16 =	simm.s32 $0x80;
	s18 =	simm.s32 $0x400  }
0xf1: {  	[hbm4b:s15+s16] =	stream.strided.scatter [tilespmem:s25], [sflag:$0x4], $0x4E80, s18, s16, $0x38;
	[tilespmem:$0x1C880] =	vst v63  }
0xf2: {  	_ =	swait.ge [sflag:s24], $0x4E80  }
0xf3: {  	[sflag:s24] =	ssyncset.done $0x0  }
0xf4: {  	[sflag:s24] =	ssyncadd.s32 $0xFFFFB180  }
0xf5: {  	[bflag:$0x0] =	sbarrier.arrive $0xFFFF  }
0xf6: {  	s16 =	rddreg [dreg:$0xc]  }
0xf7: {  	s18 =	rddreg [dreg:$0x11]  }
0xf8: {  	[hbm:s16], [sflag:s13] =	dma.local [spmem:s18], $0xC80  }
0xf9: {  	_ =	swait.ge [sflag:s24], $0xC80  }
0xfa: {  	[sflag:s24] =	ssyncset.done $0x0;
	s19 =	rddreg [dreg:$0xd]  }
0xfb: {  	s20 =	rddreg [dreg:$0x12];
	[sflag:s24] =	ssyncadd.s32 $0xFFFFF380  }
0xfc: {  	[hbm:s19], [sflag:s13] =	dma.local [spmem:s20], $0xC80  }
0xfd: {  	_ =	swait.ge [sflag:s24], $0xC80  }
0xfe: {  	[sflag:s24] =	ssyncset.done $0x0;
	s21 =	rddreg [dreg:$0xe]  }
0xff: {  	s22 =	rddreg [dreg:$0x13];
	[sflag:s24] =	ssyncadd.s32 $0xFFFFF380  }
0x100: {  	[hbm:s21], [sflag:s13] =	dma.local [spmem:s22], $0xC80  }
0x101: {  	_ =	swait.ge [sflag:s24], $0xC80  }
0x102: {  	[sflag:s24] =	ssyncset.done $0x0;
	s15 =	rddreg [dreg:$0xf]  }
0x103: {  	s16 =	rddreg [dreg:$0x14];
	[sflag:s24] =	ssyncadd.s32 $0xFFFFF380  }
0x104: {  	[hbm:s15], [sflag:s13] =	dma.local @!p0 [spmem:s16], $0xC80  }
0x105: {  	s15 =	simm.s32 @!p0 $0x4  }
0x106: {  	_ =	swait.ge @!p0 [sflag:s15], $0xC80  }
0x107: {  	s14 =	sadd.s32 $0x1, s14;
	s23 =	rddreg [dreg:$0x10]  }
0x108: {  	p1 =	sne.s32 s14, s23  }
.Ltmp2:
0x109: {  	_ = 	snop;
	(pc) =	sbr.rel @p1 .LBB2_1-.Ltmp2, $3  }
0x10a: {  	_ =	sdelay $0x1  }
0x10b: {  	[sflag:s15] =	ssyncset.done @!p0 $0x0  }
0x10c: {  	[sflag:s15] =	ssyncadd.s32 @!p0 $0xFFFFF380  }
0x10d: {  	_ =	sfence.sel $0x180000  }
0x10e: {  	[bflag:$0x0] =	sbarrier.arrive $0xFFFF  }
0x10f: {  	_ =	strace $0x9000004D  }
0x110: {  	s0 =	stileid.u32;
	[bflag:$0x2] =	sbarrier.arrive $0xFFFF  }
0x111: {  	p0 =	sne.s32 s0, $0x0;
	s0 =	rddreg [dreg:$0x5]  }
0x112: {  	s0 =	sadd.s32 @!p0 $0x100000, s0  }
0x113: {  	[sflag:s0] =	ssyncadd.tile.s32 @!p0 $0x1;
	_ =	shalt  }
.Lfunc_end2:
_tile_overlayer_lowered:
.L_overlay_start_2:
0x114: {  	(tag) =	ssettag $0x2  }
0x115: {  	s0 =	rddreg [dreg:$0x0];
	s2 =	stileid.u32  }
0x116: {  	s1 =	rddreg [dreg:$0x1];
	p0 =	sne.s32 s2, $0x0  }
0x117: {  	s3 =	rddreg [dreg:$0x2];
	[bflag:$0x3] =	sbarrier.arrive $0xFFFF;
	s2 =	simm.s32 @!p0 $0x1C04  }
0x118: {  	[timem:s3], [sflag:s2] =	dma.local @!p0 [hbm:s0], s1  }
0x119: {  	s0 =	simm.s32 @!p0 $0x4  }
0x11a: {  	_ =	swait.ge @!p0 [sflag:s0], s1  }
0x11b: {  	s1 =	ssub.s32 @!p0 $0x0, s1;
	[sflag:s0] =	ssyncset.done @!p0 $0x0  }
0x11c: {  	[sflag:s0] =	ssyncadd.s32 @!p0 s1  }
0x11d: {  	[bflag:$0x3] =	sbarrier.arrive $0xFFFF  }
0x11e: {  	_ =	shalt  }

// kernel: kernel.21.cloned.1.call-start
scs
__scs_entry_jumppad:
0x0: {  	(pc) =	sbr.rel $0x88, $3  }
0x1: {  	(tag) =	ssettag $0x0;
	lr =	simm.s32 $0x1  }
0x2: {  	[smem:$0x3F99] =	sst lr;
	_ =	strace $0xD0000000  }
0x3: {  	_ = 	snop  }
0x4: {  	_ = 	snop  }
0x5: {  	_ = 	snop  }
0x6: {  	_ = 	snop  }
0x7: {  	_ = 	snop  }
__scs_overlays_trampoline_lowered:
0x8: {  	[smem:$0x3FA8] =	sst s0  }
0x9: {  	[smem:$0x3FA9] =	sst s1  }
0xa: {  	[smem:$0x3FAA] =	sst s2  }
0xb: {  	[smem:$0x3FAB] =	sst s3  }
0xc: {  	[smem:$0x3FAC] =	sst s4  }
0xd: {  	[smem:$0x3FAD] =	sst s5  }
0xe: {  	[smem:$0x3FAE] =	sst s6  }
0xf: {  	[smem:$0x3FAF] =	sst s7  }
0x10: {  	[smem:$0x3FB0] =	sst s8  }
0x11: {  	[smem:$0x3FB1] =	sst s9;
	s0 =	simm.s32 @!p0 $0x0  }
0x12: {  	s1 =	sld [smem:$0x3F97];
	s0 =	simm.s32 @p0 $0x1  }
0x13: {  	[smem:$0x3FB2] =	sst s0;
	s0 =	simm.s32 @!p1 $0x0  }
0x14: {  	s2 =	sld [smem:$0x3F96];
	s0 =	simm.s32 @p1 $0x1  }
0x15: {  	[smem:$0x3FB3] =	sst s0;
	s0 =	simm.s32 @!p2 $0x0  }
0x16: {  	s3 =	sld [smem:$0x3FDB];
	s0 =	simm.s32 @p2 $0x1  }
0x17: {  	s4 =	simm.s32 $0x1BF5;
	[smem:$0x3FB5] =	sst s0  }
0x18: {  	s0 =	sld [smem:$0x3F98];
	_ =	swait.ge [sflag:s4], $0x0  }
0x19: {  	s7 =	sld [smem:$0x3F99]  }
0x1a: {  	s8 =	sadd.s32 $0xFFFFE003, lr  }
0x1b: {  	s9 =	sadd.s32 $0xFFFFFEF7, lr;
	s5 =	simm.s32 $0xFFFFFFFF;
	p2 =	slt.u32 s8, $0xFFFFF086  }
0x1c: {  	p1 =	slt.u32 s9, $0xF7A;
	s5 =	simm.s32 @!p2 $0x0  }
0x1d: {  	s5 =	simm.s32 @p1 $0x1;
	p0 =	seq.s32 s7, s2  }
0x1e: {  	s7 =	smul.u32 @!p0 $0xF7A, s2;
	p2 =	seq.s32 @!p0 s5, $0x0  }
0x1f: {  	s9 =	smul.u32 $0xF7A, s1;
	s8 =	simm.s32 @!p0 $0x1BF5;
	p2 =	por !p2, p0  }
0x20: {  	[sflag:s8] =	ssyncset.s32 @!p0 $0xFFFFF086;
	s6 =	sadd.s32 @!p0 s3, s7;
	s7 =	simm.s32 @!p0 $0x108  }
0x21: {  	s3 =	sadd.s32 s3, s9;
	s6 =	sadd.s32 @!p0 $0x88, s6;
	s7 =	simm.s32 @p2 $0x1082  }
0x22: {  	[simem:s7], [sflag:s8] =	dma.local @!p0 [hbm:s6], $0xF7A  }
0x23: {  	s9 =	sor.u32 $0xD0000000, s2;
	s6 =	simm.s32 $0x108;
	_ =	swait.ge @!p0 [sflag:s8], $0x0  }
0x24: {  	s3 =	sadd.s32 $0x88, s3;
	s6 =	simm.s32 @!p1 $0x1082;
	[sflag:s4] =	ssyncset.s32 $0xFFFFF086  }
0x25: {  	[simem:s6], [sflag:s4] =	dma.local [hbm:s3], $0xF7A  }
0x26: {  	[smem:$0x3F99] =	sst s1;
	(tag) =	ssettag s2;
	_ =	strace s9  }
0x27: {  	s1 =	sld [smem:$0x3FA9]  }
0x28: {  	s2 =	sld [smem:$0x3FAA]  }
0x29: {  	s4 =	sld [smem:$0x3FAC]  }
0x2a: {  	p0 =	seq.s32 s5, $0x0;
	s5 =	sld [smem:$0x3FAD]  }
0x2b: {  	s6 =	sld [smem:$0x3FAE]  }
0x2c: {  	s7 =	sld [smem:$0x3FAF]  }
0x2d: {  	s3 =	simm.s32 $0x108;
	s8 =	sld [smem:$0x3FB0]  }
0x2e: {  	s3 =	simm.s32 @!p0 $0x1082;
	s9 =	sld [smem:$0x3FB1]  }
0x2f: {  	lr =	sadd.s32 s0, s3;
	s0 =	sld [smem:$0x3FA8]  }
0x30: {  	s3 =	sld [smem:$0x3FAB]  }
0x31: {  	[smem:$0x3FB4] =	sst s10  }
0x32: {  	s10 =	sld [smem:$0x3FB2];
	_ =	sdelay $0x3  }
0x33: {  	p0 =	seq.s32 s10, $0x1;
	s10 =	sld [smem:$0x3FB4];
	_ =	sdelay $0x3  }
0x34: {  	[smem:$0x3FB4] =	sst s10  }
0x35: {  	s10 =	sld [smem:$0x3FB3];
	_ =	sdelay $0x3  }
0x36: {  	p1 =	seq.s32 s10, $0x1;
	s10 =	sld [smem:$0x3FB4];
	_ =	sdelay $0x3  }
0x37: {  	[smem:$0x3FB4] =	sst s10  }
0x38: {  	s10 =	sld [smem:$0x3FB5]  }
0x39: {  	_ = 	snop;
	(pc) =	sbr.ind lr, $3  }
0x3a: {  	_ = 	snop  }
0x3b: {  	_ = 	snop  }
0x3c: {  	p2 =	seq.s32 s10, $0x1;
	s10 =	sld [smem:$0x3FB4]  }
0x3d: {  	_ =	shalt  }
0x3e: {  	_ =	shalt  }
0x3f: {  	_ =	shalt  }
0x40: {  	_ =	shalt  }
0x41: {  	_ =	shalt  }
0x42: {  	_ =	shalt  }
0x43: {  	_ =	shalt  }
0x44: {  	_ =	shalt  }
0x45: {  	_ =	shalt  }
0x46: {  	_ =	shalt  }
0x47: {  	_ =	shalt  }
0x48: {  	_ =	shalt  }
0x49: {  	_ =	shalt  }
0x4a: {  	_ =	shalt  }
0x4b: {  	_ =	shalt  }
0x4c: {  	_ =	shalt  }
0x4d: {  	_ =	shalt  }
0x4e: {  	_ =	shalt  }
0x4f: {  	_ =	shalt  }
0x50: {  	_ =	shalt  }
0x51: {  	_ =	shalt  }
0x52: {  	_ =	shalt  }
0x53: {  	_ =	shalt  }
0x54: {  	_ =	shalt  }
0x55: {  	_ =	shalt  }
0x56: {  	_ =	shalt  }
0x57: {  	_ =	shalt  }
0x58: {  	_ =	shalt  }
0x59: {  	_ =	shalt  }
0x5a: {  	_ =	shalt  }
0x5b: {  	_ =	shalt  }
0x5c: {  	_ =	shalt  }
0x5d: {  	_ =	shalt  }
0x5e: {  	_ =	shalt  }
0x5f: {  	_ =	shalt  }
0x60: {  	_ =	shalt  }
0x61: {  	_ =	shalt  }
0x62: {  	_ =	shalt  }
0x63: {  	_ =	shalt  }
0x64: {  	_ =	shalt  }
0x65: {  	_ =	shalt  }
0x66: {  	_ =	shalt  }
0x67: {  	_ =	shalt  }
0x68: {  	_ =	shalt  }
0x69: {  	_ =	shalt  }
0x6a: {  	_ =	shalt  }
0x6b: {  	_ =	shalt  }
0x6c: {  	_ =	shalt  }
0x6d: {  	_ =	shalt  }
0x6e: {  	_ =	shalt  }
0x6f: {  	_ =	shalt  }
0x70: {  	_ =	shalt  }
0x71: {  	_ =	shalt  }
0x72: {  	_ =	shalt  }
0x73: {  	_ =	shalt  }
0x74: {  	_ =	shalt  }
0x75: {  	_ =	shalt  }
0x76: {  	_ =	shalt  }
0x77: {  	_ =	shalt  }
0x78: {  	_ =	shalt  }
0x79: {  	_ =	shalt  }
0x7a: {  	_ =	shalt  }
0x7b: {  	_ =	shalt  }
0x7c: {  	_ =	shalt  }
0x7d: {  	_ =	shalt  }
0x7e: {  	_ =	shalt  }
0x7f: {  	_ =	shalt  }
0x80: {  	_ =	shalt  }
0x81: {  	_ =	shalt  }
0x82: {  	_ =	shalt  }
0x83: {  	_ =	shalt  }
0x84: {  	_ =	shalt  }
0x85: {  	_ =	shalt  }
0x86: {  	_ =	shalt  }
0x87: {  	_ =	shalt  }
.Lfunc_end0:
.L_simem_size_0:
called_computation.3_lowered:
.L_overlay_start_0:
0x88: {  	s2 =	sld [smem:$0x3FD9]  }
0x89: {  	s3 =	sld [smem:$0x3FFE];
	_ =	sdelay $0x1  }
0x8a: {  	s1 =	srdreg.scid  }
0x8b: {  	s0 =	sand.u32 $0x1, s1  }
0x8c: {  	s15 =	sshll.u32 s0, $0xA;
	s2 =	sadd.s32 s3, s2  }
0x8d: {  	s2 =	sadd.s32 s2, s15  }
0x8e: {  	[smem:$0x3FC0] =	sst s2  }
0x8f: {  	_ = 	snop  }
0x90: {  	s2 =	sld [smem:$0x3FD0];
	_ =	sdelay $0x2  }
0x91: {  	s16 =	simm.s32 $0xC;
	s4 =	simm.s32 $0x10  }
0x92: {  	[smem:s4], [sflag:s16] =	dma.local [hbm:s2], $0x1  }
0x93: {  	_ =	swait.eq [sflag:s16], $0x1  }
0x94: {  	[sflag:s16] =	ssyncset.done $0x0  }
0x95: {  	[sflag:s16] =	ssyncadd.s32 $0xFFFFFFFF  }
0x96: {  	s17 =	sld [smem:$0x10];
	(tm) =	ssettm $0x1  }
0x97: {  	s18 =	sld [smem:$0x3FFB];
	_ =	sdelay $0x3  }
0x98: {  	_ =	strace s18  }
0x99: {  	s2 =	sld [smem:$0x3FFC];
	_ =	sdelay $0x3  }
0x9a: {  	_ =	strace s2  }
0x9b: {  	s2 =	sld [smem:$0x3FFD];
	_ =	sdelay $0x3  }
0x9c: {  	_ =	strace s2  }
0x9d: {  	_ =	strace $0x8FFFFFFF  }
0x9e: {  	s19 =	sld [smem:$0x3FDB];
	_ =	sdelay $0x1  }
0x9f: {  	s20 =	simm.s32 $_scs_section_size  }
0xa0: {  	s5 =	simm.s32 $_size__tile_overlayer_lowered;
	s6 =	simm.s32 $_tile_overlayer_lowered  }
0xa1: {  	s7 =	simm.s32 $0x1BFF;
	s21 =	sshll.u32 s6, $0x1;
	s4 =	sadd.s32 s20, s19  }
0xa2: {  	s22 =	simm.s32 $0x0;
	s5 =	sshll.u32 s5, $0x1;
	s6 =	sadd.s32 s21, s4  }
0xa3: {  	[timem:s22], [sflag:s7] =	dma.local [hbm:s6], s5  }
0xa4: {  	_ =	swait.ge [sflag:s7], s5  }
0xa5: {  	s5 =	ssub.s32 $0x0, s5;
	[sflag:s7] =	ssyncset.done $0x0  }
0xa6: {  	[sflag:s7] =	ssyncadd.s32 s5;
	_ =	sdelay $0x1  }
0xa7: {  	s23 =	simm.s32 $0x1B8B  }
0xa8: {  	_ =	swait.ge [sflag:s23], $0x1  }
0xa9: {  	[sflag:s23] =	ssyncset.done $0x0  }
0xaa: {  	[sflag:s23] =	ssyncadd.s32 $0xFFFFFFFF  }
0xab: {  	s5 =	sld [smem:$0x0]  }
0xac: {  	s6 =	sand.u32 $0xFFFFFFFE, s1  }
0xad: {  	p0 =	sne.s32 s1, s6  }
0xae: {  	s6 =	sshll.u32 @p0 s6, $0xE  }
0xaf: {  	s6 =	sadd.s32 @p0 $0x11B8D, s6;
	s7 =	sshll.u32 @p0 s5, $0x11  }
0xb0: {  	s6 =	sor.u32 @p0 s7, s6  }
0xb1: {  	[sflag:s6] =	ssyncadd.remote.s32 @p0 $0x1;
	_ =	sdelay $0x1  }
0xb2: {  	s6 =	simm.s32 @p0 $0x1B8D  }
0xb3: {  	_ =	swait.eq @p0 [sflag:s6], $0x1  }
0xb4: {  	[sflag:s6] =	ssyncadd.s32 @p0 $0xFFFFFFFF  }
0xb5: {  	s7 =	sshll.u32 @!p0 s1, $0xE  }
0xb6: {  	s7 =	sor.u32 @!p0 $0x4000, s7;
	s6 =	simm.s32 @!p0 $0x1B8D  }
0xb7: {  	s5 =	sshll.u32 @!p0 s5, $0x11;
	s7 =	sadd.s32 @!p0 $0x11B8D, s7;
	_ =	swait.eq @!p0 [sflag:s6], $0x1  }
0xb8: {  	s5 =	sor.u32 @!p0 s5, s7;
	[sflag:s6] =	ssyncadd.s32 @!p0 $0xFFFFFFFF  }
0xb9: {  	s25 =	simm.s32 $0x1B8E;
	s24 =	sld [smem:$0x3FFE];
	[sflag:s5] =	ssyncadd.remote.s32 @!p0 $0x1  }
0xba: {  	s26 =	simm.s32 $execute0_lowered;
	[smem:$0x3FD2] =	sst s25  }
0xbb: {  	s6 =	sshll.u32 s26, $0x1;
	_ =	strace $0x8000004F;
	[dreg:$0x1] =	wrdreg $0xFFFFFFFF  }
0xbc: {  	s28 =	simm.s32 $_size_execute0_lowered;
	s4 =	sadd.s32 s4, s6;
	[dreg:$0x0] =	wrdreg $0x0  }
0xbd: {  	s6 =	sshll.u32 s28, $0x1;
	[dreg:$0x2] =	wrdreg s4  }
0xbe: {  	[dreg:$0x3] =	wrdreg s6  }
0xbf: {  	[dreg:$0x4] =	wrdreg $0xC0  }
0xc0: {  	_ =	task [dreg:s22], $0x5FFFF  }
0xc1: {  	[dreg:$0x1] =	wrdreg $0xFFFFFFFF  }
0xc2: {  	[dreg:$0x0] =	wrdreg $0x60  }
0xc3: {  	[dreg:$0x2] =	wrdreg s24  }
0xc4: {  	[dreg:$0x3] =	wrdreg s17  }
0xc5: {  	[dreg:$0x4] =	wrdreg $0x0  }
0xc6: {  	[dreg:$0x5] =	wrdreg $0xB  }
0xc7: {  	_ =	task.clear_ibuf [dreg:s22], $0x6FFFF;
	_ =	strace $0x9000004F  }
0xc8: {  	s29 =	simm.s32 $0xB;
	_ =	strace $0x80000051  }
0xc9: {  	_ =	swait.ge [sflag:s29], $0x1  }
0xca: {  	[sflag:s29] =	ssyncadd.s32 $0xFFFFFFFF  }
0xcb: {  	_ =	strace $0x90000051  }
0xcc: {  	_ =	sfence  }
0xcd: {  	s30 =	sld [smem:$0x0];
	_ =	sdelay $0x2  }
0xce: {  	s31 =	sshll.u32 s1, $0xD;
	s1 =	sshrl.u32 s1, $0x2  }
0xcf: {  	s4 =	sand.u32 $0x4000, s31;
	s1 =	sadd.s32 s1, s30  }
0xd0: {  	s0 =	sor.u32 s4, s0;
	s1 =	sshll.u32 s1, $0x11  }
0xd1: {  	s0 =	sor.u32 s1, s0  }
0xd2: {  	s0 =	sadd.s32 $0x8F2B, s0  }
0xd3: {  	[sflag:s0] =	ssyncadd.remote.s32 $0x1  }
0xd4: {  	_ =	sfence.sel $0xFFFF  }
0xd5: {  	[dreg:$0x0] =	wrdreg $0xFFFFFFFF;
	(pc) =	sbr.abs _section_cstart, $3  }
0xd6: {  	[dreg:$0x1] =	wrdreg $0xFFFFFFFF  }
0xd7: {  	_ =	task.clear_ibuf [dreg:s22], $0x2FFFF;
	_ =	strace $0x9FFFFFFF  }
0xd8: {  	(tm) =	ssettm $0x7FFFFFFF  }
0xd9: {  	_ =	shalt  }
tec
execute0_lowered:
.L_overlay_start_1:
0x0: {  	(tag) =	ssettag $0x1  }
0x1: {  	s0 =	rddreg [dreg:$0x0]  }
0x2: {  	s5 =	rddreg [dreg:$0x1]  }
0x3: {  	s1 =	rddreg [dreg:$0x2];
	s2 =	simm.s32 $0x0;
	s23 =	stileid.u32  }
0x4: {  	s25 =	srdreg.scid;
	s28 =	simm.s32 $0x50;
	s9 =	smul.u32 $0x19000, s23  }
0x5: {  	s29 =	simm.s32 $0x1D640;
	s12 =	sor.u32 $0x10, s23;
	s31 =	smul.u32 $0xC8, s23  }
0x6: {  	s30 =	simm.s32 $0x1;
	s13 =	sor.u32 $0x20, s23;
	s11 =	smul.u32 $0x19000, s12  }
0x7: {  	[smem:$0x7FF] =	sst s2;
	s16 =	sor.u32 $0x30, s23;
	s15 =	smul.u32 $0x19000, s13  }
0x8: {  	s3 =	sadd.s32 $0xD2800, s0;
	s18 =	sor.u32 $0x40, s23;
	s17 =	smul.u32 $0x19000, s16  }
0x9: {  	s4 =	sadd.s32 $0x36000, s0;
	s6 =	sadd.s32 $0x2C200, s0;
	s19 =	smul.u32 $0x19000, s18  }
0xa: {  	s7 =	sadd.s32 $0x49A00, s0;
	s8 =	sadd.s32 $0x17000, s0;
	s12 =	smul.u32 $0xC8, s12  }
0xb: {  	s0 =	sand.u32 $0x1, s25;
	s26 =	sshll.u32 s23, $0x6;
	s13 =	smul.u32 $0xC8, s13  }
0xc: {  	p0 =	sgt.u32 s23, $0xA;
	s10 =	ssub.s32 $0x2, s0;
	s21 =	smul.u32 $0xC8, s16  }
0xd: {  	_ =	strace $0x80000050;
	s22 =	smul.u32 $0xC8, s18;
	s14 =	sshrl.u32 s10, $0x1  }
0xe: {  	s16 =	smul.u32 $0x4E200, s0;
	s9 =	sshrl.u32 s9, $0x2;
	s14 =	ssub.s32 s10, s14  }
0xf: {  	s9 =	sadd.s32 s9, s1;
	s10 =	sor.u32 $0x1C02, s26;
	s20 =	sshrl.u32 s11, $0x2  }
0x10: {  	s15 =	sshrl.u32 s15, $0x2;
	[dreg:$0x4] =	wrdreg s9;
	s20 =	sadd.s32 s20, s1  }
0x11: {  	s17 =	sshrl.u32 s17, $0x2;
	s15 =	sadd.s32 s15, s1;
	[dreg:$0x5] =	wrdreg s20  }
0x12: {  	s19 =	sshrl.u32 s19, $0x2;
	s17 =	sadd.s32 s17, s1;
	[dreg:$0x6] =	wrdreg s15  }
0x13: {  	s9 =	smul.u32 $0x3A98, s0;
	[dreg:$0x7] =	wrdreg s17;
	s20 =	sadd.s32 s19, s1  }
0x14: {  	s11 =	smul.u32 $0x4E20, s23;
	s23 =	simm.s32 $0x2;
	[dreg:$0x8] =	wrdreg s20  }
0x15: {  	s15 =	sadd.s32 s31, s9;
	s12 =	sadd.s32 s9, s12;
	s26 =	sadd.s32 s9, s13  }
0x16: {  	s31 =	sadd.s32 s9, s21;
	s9 =	sadd.s32 s9, s22;
	s22 =	smax.u32 s14, $0x1  }
0x17: {  	s15 =	sshll.u32 s15, $0x4;
	s12 =	sshll.u32 s12, $0x4;
	s0 =	sshll.u32 s26, $0x4  }
0x18: {  	s9 =	sshll.u32 s9, $0x4;
	s26 =	simm.s32 $0x1D5C0;
	s24 =	sadd.s32 s5, s15  }
0x19: {  	s25 =	sadd.s32 s5, s12;
	s12 =	sshll.u32 s31, $0x4;
	[dreg:$0x9] =	wrdreg s24  }
0x1a: {  	s19 =	sadd.s32 s5, s0;
	s21 =	sadd.s32 s5, s9;
	[dreg:$0xa] =	wrdreg s25  }
0x1b: {  	s20 =	sadd.s32 s5, s12;
	s24 =	simm.s32 $0x1D4C0;
	s25 =	simm.s32 $0x1D540  }
.LBB2_1:
0x1c: {  	s0 =	rddreg [dreg:$0x4]  }
0x1d: {  	s31 =	sshrl.u32 s0, $0x3  }
0x1e: {  	[spmem:s31], [sflag:s10] =	dma.local [hbm:s8], $0xC80  }
0x1f: {  	_ =	swait.ge [sflag:s23], $0xC80  }
0x20: {  	[sflag:s23] =	ssyncset.done $0x0;
	s18 =	rddreg [dreg:$0x5]  }
0x21: {  	[sflag:s23] =	ssyncadd.s32 $0xFFFFF380;
	s0 =	sshrl.u32 s18, $0x3  }
0x22: {  	[spmem:s0], [sflag:s10] =	dma.local [hbm:s8], $0xC80  }
0x23: {  	_ =	swait.ge [sflag:s23], $0xC80  }
0x24: {  	[sflag:s23] =	ssyncset.done $0x0;
	s5 =	rddreg [dreg:$0x6]  }
0x25: {  	[sflag:s23] =	ssyncadd.s32 $0xFFFFF380;
	s5 =	sshrl.u32 s5, $0x3  }
0x26: {  	[spmem:s5], [sflag:s10] =	dma.local [hbm:s8], $0xC80  }
0x27: {  	_ =	swait.ge [sflag:s23], $0xC80  }
0x28: {  	[sflag:s23] =	ssyncset.done $0x0;
	s9 =	rddreg [dreg:$0x7]  }
0x29: {  	[sflag:s23] =	ssyncadd.s32 $0xFFFFF380;
	s9 =	sshrl.u32 s9, $0x3  }
0x2a: {  	[spmem:s9], [sflag:s10] =	dma.local [hbm:s8], $0xC80  }
0x2b: {  	_ =	swait.ge [sflag:s23], $0xC80  }
0x2c: {  	[sflag:s23] =	ssyncset.done $0x0;
	s12 =	rddreg [dreg:$0x8]  }
0x2d: {  	s13 =	simm.s32 @!p0 $0x2;
	[sflag:s23] =	ssyncadd.s32 $0xFFFFF380;
	s12 =	sshrl.u32 @!p0 s12, $0x3  }
0x2e: {  	[spmem:s12], [sflag:s10] =	dma.local @!p0 [hbm:s8], $0xC80  }
0x2f: {  	_ =	swait.ge @!p0 [sflag:s13], $0xC80  }
0x30: {  	[sflag:s13] =	ssyncset.done @!p0 $0x0  }
0x31: {  	[sflag:s13] =	ssyncadd.s32 @!p0 $0xFFFFF380  }
0x32: {  	s13 =	simm.s32 $0x0;
	[bflag:$0x0] =	sbarrier.arrive $0xFFFF  }
.LBB2_2:
0x33: {  	s14 =	smul.u32 $0x50, s13;
	_ =	sdelay $0x1  }
0x34: {  	s14 =	sadd.s32 s11, s14  }
0x35: {  	s15 =	sadd.s32 s16, s14  }
0x36: {  	s15 =	sshrl.u32 s15, $0x3  }
0x37: {  	s18 =	simm.s32 $0x0;
	s17 =	sadd.s32 s4, s15  }
0x38: {  	[tilespmem:s24], [sflag:$0x2] =	stream.linear.gather [hbm4b:s17+s18], $0x50, $0x38;
	[tilespmem:$0x1FE40] =	vst v63  }
0x39: {  	_ =	swait.ge [sflag:s23], $0x50  }
0x3a: {  	s14 =	sshrl.u32 s14, $0x3;
	[sflag:s23] =	ssyncset.done $0x0  }
0x3b: {  	s14 =	sadd.s32 s6, s14;
	[sflag:s23] =	ssyncadd.s32 $0xFFFFFFB0  }
0x3c: {  	[tilespmem:s25], [sflag:$0x2] =	stream.linear.gather [hbm4b:s14+s18], $0x50, $0x38;
	[tilespmem:$0x1FE40] =	vst v63  }
0x3d: {  	_ =	swait.ge [sflag:s23], $0x50  }
0x3e: {  	[sflag:s23] =	ssyncset.done $0x0  }
0x3f: {  	s17 =	sadd.s32 s7, s15;
	[sflag:s23] =	ssyncadd.s32 $0xFFFFFFB0  }
0x40: {  	[tilespmem:s26], [sflag:$0x2] =	stream.linear.gather [hbm4b:s17+s18], $0x50, $0x38;
	[tilespmem:$0x1FE40] =	vst v63  }
0x41: {  	_ =	swait.ge [sflag:s23], $0x50  }
0x42: {  	[sflag:s23] =	ssyncset.done $0x0  }
0x43: {  	[sflag:s23] =	ssyncadd.s32 $0xFFFFFFB0  }
0x44: {  	[tilespmem:s29], [sflag:$0x1] =	stream.indirect.gather [hbm4b:s3+s28], $0x80, s25, s28, $0xb8;
	[tilespmem:$0x1FE40] =	vst v63  }
0x45: {  	_ =	swait.ge [sflag:s30], $0x2800  }
0x46: {  	v0 =	vmov s18;
	[sflag:s30] =	ssyncset.done $0x0  }
0x47: {  	s14 =	simm.s32 $0x1D680;
	[sflag:s30] =	ssyncadd.s32 $0xFFFFD800  }
0x48: {  	v4 =	vld [tilespmem:s14+$0x30]  }
0x49: {  	v7 =	vld [tilespmem:s14+$0x10]  }
0x4a: {  	v5 =	vld [tilespmem:s14+$0xFFFFFFC0]  }
0x4b: {  	v1 =	vld.idx.msk [tilespmem:v0+s26+$0x0], $0xffff  }
0x4c: {  	v9 =	vld [tilespmem:s14+$0xFFFFFFE0]  }
0x4d: {  	v0 =	vld [tilespmem:s14+$0xFFFFFFF0]  }
0x4e: {  	v2 =	vld [tilespmem:s14+$0x20]  }
0x4f: {  	v3 =	vld [tilespmem:s14+$0xFFFFFFD0]  }
0x50: {  	v8 =	vmul.f32 v4, v1;
	v4 =	vld [tilespmem:s14+$0x0]  }
0x51: {  	v6 =	vmul.f32 v5, v1  }
0x52: {  	s15 =	simm.s32 $0x1;
	s17 =	simm.s32 $0x1D680;
	v5 =	vmul.f32 v9, v1;
	v7 =	vmul.f32 v7, v1  }
.LBB2_3:
0x53: {  	p1 =	sne.s32 s15, $0x4F  }
0x54: {  	v3 =	vmul.f32 v3, v1;
	v2 =	vmul.f32 v2, v1;
	[tilespmem:s14+$0x30] =	vst v8;
	s17 =	sadd.s32 $0x80, s17;
	s18 =	smov.u32 s15;
	s15 =	sadd.s32 $0x1, s15  }
0x55: {  	[tilespmem:s14+$0xFFFFFFC0] =	vst v6;
	v6 =	vmul.f32 v0, v1;
	v1 =	vmul.f32 v4, v1  }
0x56: {  	[tilespmem:s14+$0x10] =	vst v7  }
0x57: {  	v4 =	vmov s18;
	[tilespmem:s14+$0xFFFFFFE0] =	vst v5  }
0x58: {  	v0 =	vld [tilespmem:s17+$0xFFFFFFF0];
	[tilespmem:s14+$0xFFFFFFF0] =	vst v6  }
0x59: {  	v5 =	vld [tilespmem:s17+$0x30];
	[tilespmem:s14+$0x0] =	vst v1  }
0x5a: {  	v7 =	vld [tilespmem:s17+$0x10];
	[tilespmem:s14+$0x20] =	vst v2  }
0x5b: {  	v6 =	vld [tilespmem:s17+$0xFFFFFFC0];
	[tilespmem:s14+$0xFFFFFFD0] =	vst v3;
	s14 =	smov.u32 s17  }
0x5c: {  	v1 =	vld.idx.msk [tilespmem:v4+s26+$0x0], $0xffff  }
0x5d: {  	v9 =	vld [tilespmem:s17+$0xFFFFFFE0]  }
0x5e: {  	v2 =	vld [tilespmem:s17+$0x20]  }
.Ltmp0:
0x5f: {  	v3 =	vld [tilespmem:s17+$0xFFFFFFD0];
	(pc) =	sbr.rel @p1 .LBB2_3-.Ltmp0, $3  }
0x60: {  	v4 =	vld [tilespmem:s17+$0x0];
	_ =	sdelay $0x1  }
0x61: {  	v6 =	vmul.f32 v6, v1;
	v8 =	vmul.f32 v5, v1  }
0x62: {  	v7 =	vmul.f32 v7, v1;
	v5 =	vmul.f32 v9, v1  }
0x63: {  	[tilespmem:s14+$0x30] =	vst v8  }
0x64: {  	[tilespmem:s14+$0xFFFFFFC0] =	vst v6  }
0x65: {  	v0 =	vmul.f32 v0, v1;
	[tilespmem:s14+$0x10] =	vst v7  }
0x66: {  	v2 =	vmul.f32 v2, v1;
	[tilespmem:s14+$0xFFFFFFE0] =	vst v5  }
0x67: {  	v63 =	vmul.f32 v3, v1;
	[tilespmem:s14+$0xFFFFFFF0] =	vst v0  }
0x68: {  	s13 =	sadd.s32 $0x1, s13;
	v4 =	vmul.f32 v4, v1;
	[tilespmem:s14+$0x20] =	vst v2  }
0x69: {  	p1 =	sne.s32 s13, $0xFA;
	[tilespmem:s14+$0xFFFFFFD0] =	vst v63  }
.Ltmp1:
0x6a: {  	[tilespmem:s14+$0x0] =	vst v4;
	(pc) =	sbr.rel @p1 .LBB2_2-.Ltmp1, $4  }
0x6b: {  	[spmem:s1] =	stream.indirect.scatter.add.f32 [tilespmem:s29], [sflag:$0x2], $0x80, s24, s28, $0xb8;
	[tilespmem:$0x1FE40] =	vst v63  }
0x6c: {  	_ =	swait.ge [sflag:s23], $0x2800  }
0x6d: {  	[sflag:s23] =	ssyncset.done $0x0  }
0x6e: {  	[sflag:s23] =	ssyncadd.s32 $0xFFFFD800  }
0x6f: {  	[bflag:$0x0] =	sbarrier.arrive $0xFFFF  }
0x70: {  	s13 =	rddreg [dreg:$0x9]  }
0x71: {  	[hbm:s13], [sflag:s10] =	dma.local [spmem:s31], $0xC80  }
0x72: {  	_ =	swait.ge [sflag:s23], $0xC80  }
0x73: {  	[sflag:s23] =	ssyncset.done $0x0  }
0x74: {  	s31 =	rddreg [dreg:$0xa];
	[sflag:s23] =	ssyncadd.s32 $0xFFFFF380  }
0x75: {  	[hbm:s31], [sflag:s10] =	dma.local [spmem:s0], $0xC80  }
0x76: {  	_ =	swait.ge [sflag:s23], $0xC80  }
0x77: {  	[sflag:s23] =	ssyncset.done $0x0  }
0x78: {  	[sflag:s23] =	ssyncadd.s32 $0xFFFFF380  }
0x79: {  	[hbm:s19], [sflag:s10] =	dma.local [spmem:s5], $0xC80  }
0x7a: {  	_ =	swait.ge [sflag:s23], $0xC80  }
0x7b: {  	[sflag:s23] =	ssyncset.done $0x0  }
0x7c: {  	[sflag:s23] =	ssyncadd.s32 $0xFFFFF380  }
0x7d: {  	[hbm:s20], [sflag:s10] =	dma.local [spmem:s9], $0xC80  }
0x7e: {  	s2 =	sadd.s32 $0x1, s2;
	_ =	swait.ge [sflag:s23], $0xC80  }
0x7f: {  	p1 =	sne.s32 s2, s22;
	[sflag:s23] =	ssyncset.done $0x0  }
.Ltmp2:
0x80: {  	s0 =	simm.s32 @!p0 $0x2;
	[sflag:s23] =	ssyncadd.s32 $0xFFFFF380;
	(pc) =	sbr.rel @p1 .LBB2_1-.Ltmp2, $4  }
0x81: {  	[hbm:s21], [sflag:s10] =	dma.local @!p0 [spmem:s12], $0xC80  }
0x82: {  	_ =	swait.ge @!p0 [sflag:s0], $0xC80  }
0x83: {  	[sflag:s0] =	ssyncset.done @!p0 $0x0  }
0x84: {  	[sflag:s0] =	ssyncadd.s32 @!p0 $0xFFFFF380  }
0x85: {  	_ =	sfence.sel $0x180000  }
0x86: {  	[bflag:$0x0] =	sbarrier.arrive $0xFFFF  }
0x87: {  	_ =	strace $0x90000050  }
0x88: {  	s0 =	stileid.u32;
	[bflag:$0x2] =	sbarrier.arrive $0xFFFF  }
0x89: {  	p0 =	sne.s32 s0, $0x0;
	s0 =	rddreg [dreg:$0x3]  }
0x8a: {  	s0 =	sadd.s32 @!p0 $0x100000, s0  }
0x8b: {  	[sflag:s0] =	ssyncadd.tile.s32 @!p0 $0x1;
	_ =	shalt  }
.Lfunc_end2:
_tile_overlayer_lowered:
.L_overlay_start_2:
0x8c: {  	(tag) =	ssettag $0x2  }
0x8d: {  	s0 =	rddreg [dreg:$0x0];
	s2 =	stileid.u32  }
0x8e: {  	s1 =	rddreg [dreg:$0x1];
	p0 =	sne.s32 s2, $0x0  }
0x8f: {  	s3 =	rddreg [dreg:$0x2];
	[bflag:$0x3] =	sbarrier.arrive $0xFFFF;
	s2 =	simm.s32 @!p0 $0x1C02  }
0x90: {  	[timem:s3], [sflag:s2] =	dma.local @!p0 [hbm:s0], s1  }
0x91: {  	s0 =	simm.s32 @!p0 $0x2  }
0x92: {  	_ =	swait.ge @!p0 [sflag:s0], s1  }
0x93: {  	s1 =	ssub.s32 @!p0 $0x0, s1;
	[sflag:s0] =	ssyncset.done @!p0 $0x0  }
0x94: {  	[sflag:s0] =	ssyncadd.s32 @!p0 s1  }
0x95: {  	[bflag:$0x3] =	sbarrier.arrive $0xFFFF  }
0x96: {  	_ =	shalt  }

</sc_bundles>
